<compile_context>
chip_gen: v7x
topology: tpu7x:2x2x1
jax: 0.10.2.dev20260603
libtpu: 0.0.44.dev20260713+nightly
codegen_flags: <defaults>
</compile_context>

<pallas_src>
import functools

import jax
import jax.numpy as jnp
from jax import lax
from jax.experimental import pallas as pl
from jax.experimental.pallas import tpu as pltpu
from jax.experimental.pallas import tpu_sc as plsc

NH = 16
MAXD = 32
S = 2048
W = 2 * MAXD + 1
NP = 128
MPAD = 4096
GR = 8
GPH = 16
HPC = NH // 2


def _build_body(table_ref, sl_ref):
    t = jax.lax.broadcasted_iota(jnp.int32, (1, MPAD), 1)
    idx = jnp.clip(t - S, -MAXD, MAXD) + MAXD
    acc = jnp.full((1, MPAD), table_ref[0, 0, 0], dtype=jnp.float32)
    for k in range(1, W):
        acc = jnp.where(idx == k, table_ref[0, 0, k], acc)
    bm = jnp.broadcast_to(acc, (NP, MPAD))
    sl_ref[0] = pltpu.roll(bm, 0, 1, stride=1, stride_axis=0)


def _build_slab(relative_bias):
    return pl.pallas_call(
        _build_body,
        grid=(NH,),
        in_specs=[
            pl.BlockSpec((1, 1, W), lambda h: (h, 0, 0),
                         memory_space=pltpu.SMEM),
        ],
        out_specs=pl.BlockSpec((1, NP, MPAD), lambda h: (h, 0, 0)),
        out_shape=jax.ShapeDtypeStruct((NH, NP, MPAD), jnp.float32),
    )(relative_bias.reshape(NH, 1, W))


def _sc_materialize(slab):
    info = plsc.get_sparse_core_info()
    nc, ns = info.num_cores, info.num_subcores
    assert nc == 2 and ns == 16
    mesh = plsc.VectorSubcoreMesh(core_axis_name="c", subcore_axis_name="s")

    @functools.partial(
        pl.kernel,
        mesh=mesh,
        out_type=jax.ShapeDtypeStruct((NH, S, S), jnp.float32),
        scratch_types=[
            pltpu.VMEM((3, GR, MPAD), jnp.float32),
            pltpu.SemaphoreType.DMA((3,)),
            pltpu.SemaphoreType.DMA((3,)),
        ],
    )
    def sc_k(sl_hbm, out_hbm, m_v, ssem, gsem):
        sid = lax.axis_index("s")
        cid = lax.axis_index("c")
        rb = pl.multiple_of(GR * sid, GR)

        def stage(hh, sl):
            return pltpu.make_async_copy(
                sl_hbm.at[HPC * cid + hh, pl.ds(rb, GR), :],
                m_v.at[sl], ssem.at[sl])

        def group(hh, m, sl):
            i_g = pl.multiple_of(GR * sid + NP * m, GR)
            v0 = pl.multiple_of(S - NP * m, NP)
            return pltpu.make_async_copy(
                m_v.at[sl, :, pl.ds(v0, S)],
                out_hbm.at[HPC * cid + hh, pl.ds(i_g, GR), :],
                gsem.at[sl],
            )

        stage(0, 0).start()
        stage(1, 1).start()

        def head_step(hh, carry):
            sl = lax.rem(hh, 3)

            @pl.when(hh >= 1)
            def _drain_prev():
                for m in range(GPH):
                    group(hh - 1, m, lax.rem(hh - 1, 3)).wait()

            stage(hh, sl).wait()
            for m in range(GPH):
                group(hh, m, sl).start()

            @pl.when(hh + 2 < HPC)
            def _next():
                stage(hh + 2, lax.rem(hh + 2, 3)).start()

            return carry

        lax.fori_loop(0, HPC, head_step, 0)
        for m in range(GPH):
            group(HPC - 1, m, lax.rem(HPC - 1, 3)).wait()

    return sc_k(slab)


def kernel(seq_len, relative_bias):
    del seq_len
    return _sc_materialize(_build_slab(relative_bias))

# --- scband reference (transcript-rebuilt; emitter-appended) ---
"""Pipeline reference for scband-relative-position-bias-70145405878387 (READ-ONLY COPY).

The authoritative reference and input builder live on the scoring server;
editing this copy changes nothing except your own understanding.
"""

import jax, jax.numpy as jnp
import numpy as np

NUM_HEADS = 16
MAX_DISTANCE = 32
SEQ_LEN = 2048


def setup_inputs(seed: int = 0) -> dict:
    key = jax.random.key(seed)
    relative_bias = jax.random.normal(key, (NUM_HEADS, 2 * MAX_DISTANCE + 1), dtype=jnp.float32)
    return {"seq_len": 2048, "relative_bias": relative_bias}


def reference(seq_len, relative_bias):
    positions = jnp.arange(SEQ_LEN) + (seq_len - SEQ_LEN)
    relative_positions = positions[None, :] - positions[:, None]
    clipped_positions = jnp.clip(relative_positions, -MAX_DISTANCE, MAX_DISTANCE)
    bias_indices = clipped_positions + MAX_DISTANCE
    # gather along the last axis of the (num_heads, 2*max_distance+1) table
    bias = relative_bias[:, bias_indices]
    return bias

if __name__ == "__main__":
    import jax
    _d = setup_inputs()
    print(jax.jit(kernel)(*tuple(_d.values())))

</pallas_src>

<mosaic_0001>
#map = affine_map<(d0, d1) -> (0, 0, 0)>
module attributes {stable_mosaic.version = 14 : i64} {
  func.func @sc_k(%arg0: i32, %arg1: i32, %arg2: memref<16x128x4096xf32, #tpu.memory_space<hbm>>, %arg3: memref<16x2048x2048xf32, #tpu.memory_space<hbm>>, %arg4: memref<3x8x4096xf32, #tpu.memory_space<vmem>>, %arg5: memref<3x!tpu.dma_semaphore, #tpu.memory_space<semaphore_mem>>, %arg6: memref<3x!tpu.dma_semaphore, #tpu.memory_space<semaphore_mem>>) attributes {dimension_semantics = [#tpu.dimension_semantics<core_parallel>, #tpu.dimension_semantics<subcore_parallel>], iteration_bounds = array<i64: 2, 16>, scalar_prefetch = 0 : i64, scratch_operands = 3 : i64, tpu.core_type = #tpu.core_type<sc_vector_subcore>, window_params = [{transform_indices = #map}, {transform_indices = #map}]} {
    %mul3A = arith.constant 8 : i32
    %mul3A_0 = arith.muli %mul3A, %arg1 : i32
    %multiple_of3A = tpu.assume_multiple %mul3A_0, 8 : i32
    %mul3A_1 = arith.constant 8 : i32
    %mul3A_2 = arith.muli %mul3A_1, %arg0 : i32
    %add3A = arith.constant 0 : i32
    %add3A_3 = arith.addi %mul3A_2, %add3A : i32
    %dma_start3A = arith.constant 0 : i32
    %dma_start3A_4 = arith.constant 0 : i32
    %dma_start3A_5 = arith.constant 0 : i32
    %dma_start3A_6 = arith.constant 0 : i32
    %dma_start3A_7 = tpu.memref_slice %arg4[%dma_start3A, %dma_start3A_5, %dma_start3A_6] : memref<3x8x4096xf32, #tpu.memory_space<vmem>> -> memref<1x8x4096xf32, #tpu.memory_space<vmem>>
    %dma_start3A_8 = tpu.memref_squeeze %dma_start3A_7 : memref<1x8x4096xf32, #tpu.memory_space<vmem>> -> memref<8x4096xf32, #tpu.memory_space<vmem>>
    %dma_start3A_9 = arith.constant 0 : i32
    %dma_start3A_10 = tpu.memref_slice %arg2[%add3A_3, %multiple_of3A, %dma_start3A_9] : memref<16x128x4096xf32, #tpu.memory_space<hbm>> -> memref<1x8x4096xf32, #tpu.memory_space<hbm>>
    %dma_start3A_11 = tpu.memref_squeeze %dma_start3A_10 : memref<1x8x4096xf32, #tpu.memory_space<hbm>> -> memref<8x4096xf32, #tpu.memory_space<hbm>>
    %dma_start3A_12 = tpu.memref_slice %arg5[%dma_start3A_4] : memref<3x!tpu.dma_semaphore, #tpu.memory_space<semaphore_mem>> -> memref<1x!tpu.dma_semaphore, #tpu.memory_space<semaphore_mem>>
    %dma_start3A_13 = tpu.memref_squeeze %dma_start3A_12 : memref<1x!tpu.dma_semaphore, #tpu.memory_space<semaphore_mem>> -> memref<!tpu.dma_semaphore, #tpu.memory_space<semaphore_mem>>
    %dma_start3A_14 = arith.constant 0 : i32
    %dma_start3A_15 = arith.constant 0 : i32
    %dma_start3A_16 = tpu.memref_slice %arg4[%dma_start3A, %dma_start3A_14, %dma_start3A_15] : memref<3x8x4096xf32, #tpu.memory_space<vmem>> -> memref<1x8x4096xf32, #tpu.memory_space<vmem>>
    %dma_start3A_17 = tpu.memref_squeeze %dma_start3A_16 : memref<1x8x4096xf32, #tpu.memory_space<vmem>> -> memref<8x4096xf32, #tpu.memory_space<vmem>>
    %dma_start3A_18 = arith.constant 0 : i32
    %dma_start3A_19 = tpu.memref_slice %arg2[%add3A_3, %multiple_of3A, %dma_start3A_18] : memref<16x128x4096xf32, #tpu.memory_space<hbm>> -> memref<1x8x4096xf32, #tpu.memory_space<hbm>>
    %dma_start3A_20 = tpu.memref_squeeze %dma_start3A_19 : memref<1x8x4096xf32, #tpu.memory_space<hbm>> -> memref<8x4096xf32, #tpu.memory_space<hbm>>
    tpu.enqueue_dma source(%dma_start3A_20 : memref<8x4096xf32, #tpu.memory_space<hbm>>) target(%dma_start3A_17 : memref<8x4096xf32, #tpu.memory_space<vmem>>) target_semaphore(%dma_start3A_13 : memref<!tpu.dma_semaphore, #tpu.memory_space<semaphore_mem>>)
    %mul3A_21 = arith.constant 8 : i32
    %mul3A_22 = arith.muli %mul3A_21, %arg0 : i32
    %add3A_23 = arith.constant 1 : i32
    %add3A_24 = arith.addi %mul3A_22, %add3A_23 : i32
    %dma_start3A_25 = arith.constant 1 : i32
    %dma_start3A_26 = arith.constant 1 : i32
    %dma_start3A_27 = arith.constant 0 : i32
    %dma_start3A_28 = arith.constant 0 : i32
    %dma_start3A_29 = tpu.memref_slice %arg4[%dma_start3A_25, %dma_start3A_27, %dma_start3A_28] : memref<3x8x4096xf32, #tpu.memory_space<vmem>> -> memref<1x8x4096xf32, #tpu.memory_space<vmem>>
    %dma_start3A_30 = tpu.memref_squeeze %dma_start3A_29 : memref<1x8x4096xf32, #tpu.memory_space<vmem>> -> memref<8x4096xf32, #tpu.memory_space<vmem>>
    %dma_start3A_31 = arith.constant 0 : i32
    %dma_start3A_32 = tpu.memref_slice %arg2[%add3A_24, %multiple_of3A, %dma_start3A_31] : memref<16x128x4096xf32, #tpu.memory_space<hbm>> -> memref<1x8x4096xf32, #tpu.memory_space<hbm>>
    %dma_start3A_33 = tpu.memref_squeeze %dma_start3A_32 : memref<1x8x4096xf32, #tpu.memory_space<hbm>> -> memref<8x4096xf32, #tpu.memory_space<hbm>>
    %dma_start3A_34 = tpu.memref_slice %arg5[%dma_start3A_26] : memref<3x!tpu.dma_semaphore, #tpu.memory_space<semaphore_mem>> -> memref<1x!tpu.dma_semaphore, #tpu.memory_space<semaphore_mem>>
    %dma_start3A_35 = tpu.memref_squeeze %dma_start3A_34 : memref<1x!tpu.dma_semaphore, #tpu.memory_space<semaphore_mem>> -> memref<!tpu.dma_semaphore, #tpu.memory_space<semaphore_mem>>
    %dma_start3A_36 = arith.constant 0 : i32
    %dma_start3A_37 = arith.constant 0 : i32
    %dma_start3A_38 = tpu.memref_slice %arg4[%dma_start3A_25, %dma_start3A_36, %dma_start3A_37] : memref<3x8x4096xf32, #tpu.memory_space<vmem>> -> memref<1x8x4096xf32, #tpu.memory_space<vmem>>
    %dma_start3A_39 = tpu.memref_squeeze %dma_start3A_38 : memref<1x8x4096xf32, #tpu.memory_space<vmem>> -> memref<8x4096xf32, #tpu.memory_space<vmem>>
    %dma_start3A_40 = arith.constant 0 : i32
    %dma_start3A_41 = tpu.memref_slice %arg2[%add3A_24, %multiple_of3A, %dma_start3A_40] : memref<16x128x4096xf32, #tpu.memory_space<hbm>> -> memref<1x8x4096xf32, #tpu.memory_space<hbm>>
    %dma_start3A_42 = tpu.memref_squeeze %dma_start3A_41 : memref<1x8x4096xf32, #tpu.memory_space<hbm>> -> memref<8x4096xf32, #tpu.memory_space<hbm>>
    tpu.enqueue_dma source(%dma_start3A_42 : memref<8x4096xf32, #tpu.memory_space<hbm>>) target(%dma_start3A_39 : memref<8x4096xf32, #tpu.memory_space<vmem>>) target_semaphore(%dma_start3A_35 : memref<!tpu.dma_semaphore, #tpu.memory_space<semaphore_mem>>)
    %scan3A = arith.constant 0 : i32
    %scan3A_43 = arith.constant 0 : i32
    %scan3A_44 = arith.constant 8 : i32
    %scan3A_45 = arith.addi %scan3A_43, %scan3A_44 : i32
    %scan3A_46 = arith.constant 1 : i32
    scf.for %scan3A_494 = %scan3A_43 to %scan3A_45 step %scan3A_46  : i32 {
      %rem3A_495 = arith.constant 3 : i32
      %rem3A_496 = arith.remsi %scan3A_494, %rem3A_495 : i32
      %ge3A = arith.constant 1 : i32
      %ge3A_497 = arith.cmpi sge, %scan3A_494, %ge3A : i32
      %convert_element_type3A = arith.extui %ge3A_497 : i1 to i32
      %cond3A = arith.constant 0 : i32
      %cond3A_498 = arith.cmpi ne, %convert_element_type3A, %cond3A : i32
      scf.if %cond3A_498 {
        %sub3A = arith.constant 1 : i32
        %sub3A_908 = arith.subi %scan3A_494, %sub3A : i32
        %sub3A_909 = arith.constant 1 : i32
        %sub3A_910 = arith.subi %scan3A_494, %sub3A_909 : i32
        %rem3A_911 = arith.constant 3 : i32
        %rem3A_912 = arith.remsi %sub3A_910, %rem3A_911 : i32
        %mul3A_913 = arith.constant 8 : i32
        %mul3A_914 = arith.muli %mul3A_913, %arg1 : i32
        %add3A_915 = arith.constant 0 : i32
        %add3A_916 = arith.addi %mul3A_914, %add3A_915 : i32
        %multiple_of3A_917 = tpu.assume_multiple %add3A_916, 8 : i32
        %multiple_of3A_918 = arith.constant 2048 : i32
        %multiple_of3A_919 = tpu.assume_multiple %multiple_of3A_918, 128 : i32
        %mul3A_920 = arith.constant 8 : i32
        %mul3A_921 = arith.muli %mul3A_920, %arg0 : i32
        %add3A_922 = arith.addi %mul3A_921, %sub3A_908 : i32
        %dma_wait3A_923 = arith.constant 0 : i32
        %dma_wait3A_924 = tpu.memref_slice %arg4[%rem3A_912, %dma_wait3A_923, %multiple_of3A_919] : memref<3x8x4096xf32, #tpu.memory_space<vmem>> -> memref<1x8x2048xf32, #tpu.memory_space<vmem>>
        %dma_wait3A_925 = tpu.memref_squeeze %dma_wait3A_924 : memref<1x8x2048xf32, #tpu.memory_space<vmem>> -> memref<8x2048xf32, #tpu.memory_space<vmem>>
        %dma_wait3A_926 = arith.constant 0 : i32
        %dma_wait3A_927 = tpu.memref_slice %arg3[%add3A_922, %multiple_of3A_917, %dma_wait3A_926] : memref<16x2048x2048xf32, #tpu.memory_space<hbm>> -> memref<1x8x2048xf32, #tpu.memory_space<hbm>>
        %dma_wait3A_928 = tpu.memref_squeeze %dma_wait3A_927 : memref<1x8x2048xf32, #tpu.memory_space<hbm>> -> memref<8x2048xf32, #tpu.memory_space<hbm>>
        %dma_wait3A_929 = tpu.memref_slice %arg6[%rem3A_912] : memref<3x!tpu.dma_semaphore, #tpu.memory_space<semaphore_mem>> -> memref<1x!tpu.dma_semaphore, #tpu.memory_space<semaphore_mem>>
        %dma_wait3A_930 = tpu.memref_squeeze %dma_wait3A_929 : memref<1x!tpu.dma_semaphore, #tpu.memory_space<semaphore_mem>> -> memref<!tpu.dma_semaphore, #tpu.memory_space<semaphore_mem>>
        %dma_wait3A_931 = arith.constant 0 : i32
        %dma_wait3A_932 = tpu.memref_slice %arg3[%add3A_922, %multiple_of3A_917, %dma_wait3A_931] : memref<16x2048x2048xf32, #tpu.memory_space<hbm>> -> memref<1x8x2048xf32, #tpu.memory_space<hbm>>
        %dma_wait3A_933 = tpu.memref_squeeze %dma_wait3A_932 : memref<1x8x2048xf32, #tpu.memory_space<hbm>> -> memref<8x2048xf32, #tpu.memory_space<hbm>>
        %dma_wait3A_934 = arith.constant 0 : i32
        %dma_wait3A_935 = tpu.memref_slice %arg4[%rem3A_912, %dma_wait3A_934, %multiple_of3A_919] : memref<3x8x4096xf32, #tpu.memory_space<vmem>> -> memref<1x8x2048xf32, #tpu.memory_space<vmem>>
        %dma_wait3A_936 = tpu.memref_squeeze %dma_wait3A_935 : memref<1x8x2048xf32, #tpu.memory_space<vmem>> -> memref<8x2048xf32, #tpu.memory_space<vmem>>
        tpu.wait_dma2 semaphore(%dma_wait3A_930 : memref<!tpu.dma_semaphore, #tpu.memory_space<semaphore_mem>>) src(%dma_wait3A_936 : memref<8x2048xf32, #tpu.memory_space<vmem>>) dst(%dma_wait3A_933 : memref<8x2048xf32, #tpu.memory_space<hbm>>)
        %sub3A_937 = arith.constant 1 : i32
        %sub3A_938 = arith.subi %scan3A_494, %sub3A_937 : i32
        %sub3A_939 = arith.constant 1 : i32
        %sub3A_940 = arith.subi %scan3A_494, %sub3A_939 : i32
        %rem3A_941 = arith.constant 3 : i32
        %rem3A_942 = arith.remsi %sub3A_940, %rem3A_941 : i32
        %mul3A_943 = arith.constant 8 : i32
        %mul3A_944 = arith.muli %mul3A_943, %arg1 : i32
        %add3A_945 = arith.constant 128 : i32
        %add3A_946 = arith.addi %mul3A_944, %add3A_945 : i32
        %multiple_of3A_947 = tpu.assume_multiple %add3A_946, 8 : i32
        %multiple_of3A_948 = arith.constant 1920 : i32
        %multiple_of3A_949 = tpu.assume_multiple %multiple_of3A_948, 128 : i32
        %mul3A_950 = arith.constant 8 : i32
        %mul3A_951 = arith.muli %mul3A_950, %arg0 : i32
        %add3A_952 = arith.addi %mul3A_951, %sub3A_938 : i32
        %dma_wait3A_953 = arith.constant 0 : i32
        %dma_wait3A_954 = tpu.memref_slice %arg4[%rem3A_942, %dma_wait3A_953, %multiple_of3A_949] : memref<3x8x4096xf32, #tpu.memory_space<vmem>> -> memref<1x8x2048xf32, #tpu.memory_space<vmem>>
        %dma_wait3A_955 = tpu.memref_squeeze %dma_wait3A_954 : memref<1x8x2048xf32, #tpu.memory_space<vmem>> -> memref<8x2048xf32, #tpu.memory_space<vmem>>
        %dma_wait3A_956 = arith.constant 0 : i32
        %dma_wait3A_957 = tpu.memref_slice %arg3[%add3A_952, %multiple_of3A_947, %dma_wait3A_956] : memref<16x2048x2048xf32, #tpu.memory_space<hbm>> -> memref<1x8x2048xf32, #tpu.memory_space<hbm>>
        %dma_wait3A_958 = tpu.memref_squeeze %dma_wait3A_957 : memref<1x8x2048xf32, #tpu.memory_space<hbm>> -> memref<8x2048xf32, #tpu.memory_space<hbm>>
        %dma_wait3A_959 = tpu.memref_slice %arg6[%rem3A_942] : memref<3x!tpu.dma_semaphore, #tpu.memory_space<semaphore_mem>> -> memref<1x!tpu.dma_semaphore, #tpu.memory_space<semaphore_mem>>
        %dma_wait3A_960 = tpu.memref_squeeze %dma_wait3A_959 : memref<1x!tpu.dma_semaphore, #tpu.memory_space<semaphore_mem>> -> memref<!tpu.dma_semaphore, #tpu.memory_space<semaphore_mem>>
        %dma_wait3A_961 = arith.constant 0 : i32
        %dma_wait3A_962 = tpu.memref_slice %arg3[%add3A_952, %multiple_of3A_947, %dma_wait3A_961] : memref<16x2048x2048xf32, #tpu.memory_space<hbm>> -> memref<1x8x2048xf32, #tpu.memory_space<hbm>>
        %dma_wait3A_963 = tpu.memref_squeeze %dma_wait3A_962 : memref<1x8x2048xf32, #tpu.memory_space<hbm>> -> memref<8x2048xf32, #tpu.memory_space<hbm>>
        %dma_wait3A_964 = arith.constant 0 : i32
        %dma_wait3A_965 = tpu.memref_slice %arg4[%rem3A_942, %dma_wait3A_964, %multiple_of3A_949] : memref<3x8x4096xf32, #tpu.memory_space<vmem>> -> memref<1x8x2048xf32, #tpu.memory_space<vmem>>
        %dma_wait3A_966 = tpu.memref_squeeze %dma_wait3A_965 : memref<1x8x2048xf32, #tpu.memory_space<vmem>> -> memref<8x2048xf32, #tpu.memory_space<vmem>>
        tpu.wait_dma2 semaphore(%dma_wait3A_960 : memref<!tpu.dma_semaphore, #tpu.memory_space<semaphore_mem>>) src(%dma_wait3A_966 : memref<8x2048xf32, #tpu.memory_space<vmem>>) dst(%dma_wait3A_963 : memref<8x2048xf32, #tpu.memory_space<hbm>>)
        %sub3A_967 = arith.constant 1 : i32
        %sub3A_968 = arith.subi %scan3A_494, %sub3A_967 : i32
        %sub3A_969 = arith.constant 1 : i32
        %sub3A_970 = arith.subi %scan3A_494, %sub3A_969 : i32
        %rem3A_971 = arith.constant 3 : i32
        %rem3A_972 = arith.remsi %sub3A_970, %rem3A_971 : i32
        %mul3A_973 = arith.constant 8 : i32
        %mul3A_974 = arith.muli %mul3A_973, %arg1 : i32
        %add3A_975 = arith.constant 256 : i32
        %add3A_976 = arith.addi %mul3A_974, %add3A_975 : i32
        %multiple_of3A_977 = tpu.assume_multiple %add3A_976, 8 : i32
        %multiple_of3A_978 = arith.constant 1792 : i32
        %multiple_of3A_979 = tpu.assume_multiple %multiple_of3A_978, 128 : i32
        %mul3A_980 = arith.constant 8 : i32
        %mul3A_981 = arith.muli %mul3A_980, %arg0 : i32
        %add3A_982 = arith.addi %mul3A_981, %sub3A_968 : i32
        %dma_wait3A_983 = arith.constant 0 : i32
        %dma_wait3A_984 = tpu.memref_slice %arg4[%rem3A_972, %dma_wait3A_983, %multiple_of3A_979] : memref<3x8x4096xf32, #tpu.memory_space<vmem>> -> memref<1x8x2048xf32, #tpu.memory_space<vmem>>
        %dma_wait3A_985 = tpu.memref_squeeze %dma_wait3A_984 : memref<1x8x2048xf32, #tpu.memory_space<vmem>> -> memref<8x2048xf32, #tpu.memory_space<vmem>>
        %dma_wait3A_986 = arith.constant 0 : i32
        %dma_wait3A_987 = tpu.memref_slice %arg3[%add3A_982, %multiple_of3A_977, %dma_wait3A_986] : memref<16x2048x2048xf32, #tpu.memory_space<hbm>> -> memref<1x8x2048xf32, #tpu.memory_space<hbm>>
        %dma_wait3A_988 = tpu.memref_squeeze %dma_wait3A_987 : memref<1x8x2048xf32, #tpu.memory_space<hbm>> -> memref<8x2048xf32, #tpu.memory_space<hbm>>
        %dma_wait3A_989 = tpu.memref_slice %arg6[%rem3A_972] : memref<3x!tpu.dma_semaphore, #tpu.memory_space<semaphore_mem>> -> memref<1x!tpu.dma_semaphore, #tpu.memory_space<semaphore_mem>>
        %dma_wait3A_990 = tpu.memref_squeeze %dma_wait3A_989 : memref<1x!tpu.dma_semaphore, #tpu.memory_space<semaphore_mem>> -> memref<!tpu.dma_semaphore, #tpu.memory_space<semaphore_mem>>
        %dma_wait3A_991 = arith.constant 0 : i32
        %dma_wait3A_992 = tpu.memref_slice %arg3[%add3A_982, %multiple_of3A_977, %dma_wait3A_991] : memref<16x2048x2048xf32, #tpu.memory_space<hbm>> -> memref<1x8x2048xf32, #tpu.memory_space<hbm>>
        %dma_wait3A_993 = tpu.memref_squeeze %dma_wait3A_992 : memref<1x8x2048xf32, #tpu.memory_space<hbm>> -> memref<8x2048xf32, #tpu.memory_space<hbm>>
        %dma_wait3A_994 = arith.constant 0 : i32
        %dma_wait3A_995 = tpu.memref_slice %arg4[%rem3A_972, %dma_wait3A_994, %multiple_of3A_979] : memref<3x8x4096xf32, #tpu.memory_space<vmem>> -> memref<1x8x2048xf32, #tpu.memory_space<vmem>>
        %dma_wait3A_996 = tpu.memref_squeeze %dma_wait3A_995 : memref<1x8x2048xf32, #tpu.memory_space<vmem>> -> memref<8x2048xf32, #tpu.memory_space<vmem>>
        tpu.wait_dma2 semaphore(%dma_wait3A_990 : memref<!tpu.dma_semaphore, #tpu.memory_space<semaphore_mem>>) src(%dma_wait3A_996 : memref<8x2048xf32, #tpu.memory_space<vmem>>) dst(%dma_wait3A_993 : memref<8x2048xf32, #tpu.memory_space<hbm>>)
        %sub3A_997 = arith.constant 1 : i32
        %sub3A_998 = arith.subi %scan3A_494, %sub3A_997 : i32
        %sub3A_999 = arith.constant 1 : i32
        %sub3A_1000 = arith.subi %scan3A_494, %sub3A_999 : i32
        %rem3A_1001 = arith.constant 3 : i32
        %rem3A_1002 = arith.remsi %sub3A_1000, %rem3A_1001 : i32
        %mul3A_1003 = arith.constant 8 : i32
        %mul3A_1004 = arith.muli %mul3A_1003, %arg1 : i32
        %add3A_1005 = arith.constant 384 : i32
        %add3A_1006 = arith.addi %mul3A_1004, %add3A_1005 : i32
        %multiple_of3A_1007 = tpu.assume_multiple %add3A_1006, 8 : i32
        %multiple_of3A_1008 = arith.constant 1664 : i32
        %multiple_of3A_1009 = tpu.assume_multiple %multiple_of3A_1008, 128 : i32
        %mul3A_1010 = arith.constant 8 : i32
        %mul3A_1011 = arith.muli %mul3A_1010, %arg0 : i32
        %add3A_1012 = arith.addi %mul3A_1011, %sub3A_998 : i32
        %dma_wait3A_1013 = arith.constant 0 : i32
        %dma_wait3A_1014 = tpu.memref_slice %arg4[%rem3A_1002, %dma_wait3A_1013, %multiple_of3A_1009] : memref<3x8x4096xf32, #tpu.memory_space<vmem>> -> memref<1x8x2048xf32, #tpu.memory_space<vmem>>
        %dma_wait3A_1015 = tpu.memref_squeeze %dma_wait3A_1014 : memref<1x8x2048xf32, #tpu.memory_space<vmem>> -> memref<8x2048xf32, #tpu.memory_space<vmem>>
        %dma_wait3A_1016 = arith.constant 0 : i32
        %dma_wait3A_1017 = tpu.memref_slice %arg3[%add3A_1012, %multiple_of3A_1007, %dma_wait3A_1016] : memref<16x2048x2048xf32, #tpu.memory_space<hbm>> -> memref<1x8x2048xf32, #tpu.memory_space<hbm>>
        %dma_wait3A_1018 = tpu.memref_squeeze %dma_wait3A_1017 : memref<1x8x2048xf32, #tpu.memory_space<hbm>> -> memref<8x2048xf32, #tpu.memory_space<hbm>>
        %dma_wait3A_1019 = tpu.memref_slice %arg6[%rem3A_1002] : memref<3x!tpu.dma_semaphore, #tpu.memory_space<semaphore_mem>> -> memref<1x!tpu.dma_semaphore, #tpu.memory_space<semaphore_mem>>
        %dma_wait3A_1020 = tpu.memref_squeeze %dma_wait3A_1019 : memref<1x!tpu.dma_semaphore, #tpu.memory_space<semaphore_mem>> -> memref<!tpu.dma_semaphore, #tpu.memory_space<semaphore_mem>>
        %dma_wait3A_1021 = arith.constant 0 : i32
        %dma_wait3A_1022 = tpu.memref_slice %arg3[%add3A_1012, %multiple_of3A_1007, %dma_wait3A_1021] : memref<16x2048x2048xf32, #tpu.memory_space<hbm>> -> memref<1x8x2048xf32, #tpu.memory_space<hbm>>
        %dma_wait3A_1023 = tpu.memref_squeeze %dma_wait3A_1022 : memref<1x8x2048xf32, #tpu.memory_space<hbm>> -> memref<8x2048xf32, #tpu.memory_space<hbm>>
        %dma_wait3A_1024 = arith.constant 0 : i32
        %dma_wait3A_1025 = tpu.memref_slice %arg4[%rem3A_1002, %dma_wait3A_1024, %multiple_of3A_1009] : memref<3x8x4096xf32, #tpu.memory_space<vmem>> -> memref<1x8x2048xf32, #tpu.memory_space<vmem>>
        %dma_wait3A_1026 = tpu.memref_squeeze %dma_wait3A_1025 : memref<1x8x2048xf32, #tpu.memory_space<vmem>> -> memref<8x2048xf32, #tpu.memory_space<vmem>>
        tpu.wait_dma2 semaphore(%dma_wait3A_1020 : memref<!tpu.dma_semaphore, #tpu.memory_space<semaphore_mem>>) src(%dma_wait3A_1026 : memref<8x2048xf32, #tpu.memory_space<vmem>>) dst(%dma_wait3A_1023 : memref<8x2048xf32, #tpu.memory_space<hbm>>)
        %sub3A_1027 = arith.constant 1 : i32
        %sub3A_1028 = arith.subi %scan3A_494, %sub3A_1027 : i32
        %sub3A_1029 = arith.constant 1 : i32
        %sub3A_1030 = arith.subi %scan3A_494, %sub3A_1029 : i32
        %rem3A_1031 = arith.constant 3 : i32
        %rem3A_1032 = arith.remsi %sub3A_1030, %rem3A_1031 : i32
        %mul3A_1033 = arith.constant 8 : i32
        %mul3A_1034 = arith.muli %mul3A_1033, %arg1 : i32
        %add3A_1035 = arith.constant 512 : i32
        %add3A_1036 = arith.addi %mul3A_1034, %add3A_1035 : i32
        %multiple_of3A_1037 = tpu.assume_multiple %add3A_1036, 8 : i32
        %multiple_of3A_1038 = arith.constant 1536 : i32
        %multiple_of3A_1039 = tpu.assume_multiple %multiple_of3A_1038, 128 : i32
        %mul3A_1040 = arith.constant 8 : i32
        %mul3A_1041 = arith.muli %mul3A_1040, %arg0 : i32
        %add3A_1042 = arith.addi %mul3A_1041, %sub3A_1028 : i32
        %dma_wait3A_1043 = arith.constant 0 : i32
        %dma_wait3A_1044 = tpu.memref_slice %arg4[%rem3A_1032, %dma_wait3A_1043, %multiple_of3A_1039] : memref<3x8x4096xf32, #tpu.memory_space<vmem>> -> memref<1x8x2048xf32, #tpu.memory_space<vmem>>
        %dma_wait3A_1045 = tpu.memref_squeeze %dma_wait3A_1044 : memref<1x8x2048xf32, #tpu.memory_space<vmem>> -> memref<8x2048xf32, #tpu.memory_space<vmem>>
        %dma_wait3A_1046 = arith.constant 0 : i32
        %dma_wait3A_1047 = tpu.memref_slice %arg3[%add3A_1042, %multiple_of3A_1037, %dma_wait3A_1046] : memref<16x2048x2048xf32, #tpu.memory_space<hbm>> -> memref<1x8x2048xf32, #tpu.memory_space<hbm>>
        %dma_wait3A_1048 = tpu.memref_squeeze %dma_wait3A_1047 : memref<1x8x2048xf32, #tpu.memory_space<hbm>> -> memref<8x2048xf32, #tpu.memory_space<hbm>>
        %dma_wait3A_1049 = tpu.memref_slice %arg6[%rem3A_1032] : memref<3x!tpu.dma_semaphore, #tpu.memory_space<semaphore_mem>> -> memref<1x!tpu.dma_semaphore, #tpu.memory_space<semaphore_mem>>
        %dma_wait3A_1050 = tpu.memref_squeeze %dma_wait3A_1049 : memref<1x!tpu.dma_semaphore, #tpu.memory_space<semaphore_mem>> -> memref<!tpu.dma_semaphore, #tpu.memory_space<semaphore_mem>>
        %dma_wait3A_1051 = arith.constant 0 : i32
        %dma_wait3A_1052 = tpu.memref_slice %arg3[%add3A_1042, %multiple_of3A_1037, %dma_wait3A_1051] : memref<16x2048x2048xf32, #tpu.memory_space<hbm>> -> memref<1x8x2048xf32, #tpu.memory_space<hbm>>
        %dma_wait3A_1053 = tpu.memref_squeeze %dma_wait3A_1052 : memref<1x8x2048xf32, #tpu.memory_space<hbm>> -> memref<8x2048xf32, #tpu.memory_space<hbm>>
        %dma_wait3A_1054 = arith.constant 0 : i32
        %dma_wait3A_1055 = tpu.memref_slice %arg4[%rem3A_1032, %dma_wait3A_1054, %multiple_of3A_1039] : memref<3x8x4096xf32, #tpu.memory_space<vmem>> -> memref<1x8x2048xf32, #tpu.memory_space<vmem>>
        %dma_wait3A_1056 = tpu.memref_squeeze %dma_wait3A_1055 : memref<1x8x2048xf32, #tpu.memory_space<vmem>> -> memref<8x2048xf32, #tpu.memory_space<vmem>>
        tpu.wait_dma2 semaphore(%dma_wait3A_1050 : memref<!tpu.dma_semaphore, #tpu.memory_space<semaphore_mem>>) src(%dma_wait3A_1056 : memref<8x2048xf32, #tpu.memory_space<vmem>>) dst(%dma_wait3A_1053 : memref<8x2048xf32, #tpu.memory_space<hbm>>)
        %sub3A_1057 = arith.constant 1 : i32
        %sub3A_1058 = arith.subi %scan3A_494, %sub3A_1057 : i32
        %sub3A_1059 = arith.constant 1 : i32
        %sub3A_1060 = arith.subi %scan3A_494, %sub3A_1059 : i32
        %rem3A_1061 = arith.constant 3 : i32
        %rem3A_1062 = arith.remsi %sub3A_1060, %rem3A_1061 : i32
        %mul3A_1063 = arith.constant 8 : i32
        %mul3A_1064 = arith.muli %mul3A_1063, %arg1 : i32
        %add3A_1065 = arith.constant 640 : i32
        %add3A_1066 = arith.addi %mul3A_1064, %add3A_1065 : i32
        %multiple_of3A_1067 = tpu.assume_multiple %add3A_1066, 8 : i32
        %multiple_of3A_1068 = arith.constant 1408 : i32
        %multiple_of3A_1069 = tpu.assume_multiple %multiple_of3A_1068, 128 : i32
        %mul3A_1070 = arith.constant 8 : i32
        %mul3A_1071 = arith.muli %mul3A_1070, %arg0 : i32
        %add3A_1072 = arith.addi %mul3A_1071, %sub3A_1058 : i32
        %dma_wait3A_1073 = arith.constant 0 : i32
        %dma_wait3A_1074 = tpu.memref_slice %arg4[%rem3A_1062, %dma_wait3A_1073, %multiple_of3A_1069] : memref<3x8x4096xf32, #tpu.memory_space<vmem>> -> memref<1x8x2048xf32, #tpu.memory_space<vmem>>
        %dma_wait3A_1075 = tpu.memref_squeeze %dma_wait3A_1074 : memref<1x8x2048xf32, #tpu.memory_space<vmem>> -> memref<8x2048xf32, #tpu.memory_space<vmem>>
        %dma_wait3A_1076 = arith.constant 0 : i32
        %dma_wait3A_1077 = tpu.memref_slice %arg3[%add3A_1072, %multiple_of3A_1067, %dma_wait3A_1076] : memref<16x2048x2048xf32, #tpu.memory_space<hbm>> -> memref<1x8x2048xf32, #tpu.memory_space<hbm>>
        %dma_wait3A_1078 = tpu.memref_squeeze %dma_wait3A_1077 : memref<1x8x2048xf32, #tpu.memory_space<hbm>> -> memref<8x2048xf32, #tpu.memory_space<hbm>>
        %dma_wait3A_1079 = tpu.memref_slice %arg6[%rem3A_1062] : memref<3x!tpu.dma_semaphore, #tpu.memory_space<semaphore_mem>> -> memref<1x!tpu.dma_semaphore, #tpu.memory_space<semaphore_mem>>
        %dma_wait3A_1080 = tpu.memref_squeeze %dma_wait3A_1079 : memref<1x!tpu.dma_semaphore, #tpu.memory_space<semaphore_mem>> -> memref<!tpu.dma_semaphore, #tpu.memory_space<semaphore_mem>>
        %dma_wait3A_1081 = arith.constant 0 : i32
        %dma_wait3A_1082 = tpu.memref_slice %arg3[%add3A_1072, %multiple_of3A_1067, %dma_wait3A_1081] : memref<16x2048x2048xf32, #tpu.memory_space<hbm>> -> memref<1x8x2048xf32, #tpu.memory_space<hbm>>
        %dma_wait3A_1083 = tpu.memref_squeeze %dma_wait3A_1082 : memref<1x8x2048xf32, #tpu.memory_space<hbm>> -> memref<8x2048xf32, #tpu.memory_space<hbm>>
        %dma_wait3A_1084 = arith.constant 0 : i32
        %dma_wait3A_1085 = tpu.memref_slice %arg4[%rem3A_1062, %dma_wait3A_1084, %multiple_of3A_1069] : memref<3x8x4096xf32, #tpu.memory_space<vmem>> -> memref<1x8x2048xf32, #tpu.memory_space<vmem>>
        %dma_wait3A_1086 = tpu.memref_squeeze %dma_wait3A_1085 : memref<1x8x2048xf32, #tpu.memory_space<vmem>> -> memref<8x2048xf32, #tpu.memory_space<vmem>>
        tpu.wait_dma2 semaphore(%dma_wait3A_1080 : memref<!tpu.dma_semaphore, #tpu.memory_space<semaphore_mem>>) src(%dma_wait3A_1086 : memref<8x2048xf32, #tpu.memory_space<vmem>>) dst(%dma_wait3A_1083 : memref<8x2048xf32, #tpu.memory_space<hbm>>)
        %sub3A_1087 = arith.constant 1 : i32
        %sub3A_1088 = arith.subi %scan3A_494, %sub3A_1087 : i32
        %sub3A_1089 = arith.constant 1 : i32
        %sub3A_1090 = arith.subi %scan3A_494, %sub3A_1089 : i32
        %rem3A_1091 = arith.constant 3 : i32
        %rem3A_1092 = arith.remsi %sub3A_1090, %rem3A_1091 : i32
        %mul3A_1093 = arith.constant 8 : i32
        %mul3A_1094 = arith.muli %mul3A_1093, %arg1 : i32
        %add3A_1095 = arith.constant 768 : i32
        %add3A_1096 = arith.addi %mul3A_1094, %add3A_1095 : i32
        %multiple_of3A_1097 = tpu.assume_multiple %add3A_1096, 8 : i32
        %multiple_of3A_1098 = arith.constant 1280 : i32
        %multiple_of3A_1099 = tpu.assume_multiple %multiple_of3A_1098, 128 : i32
        %mul3A_1100 = arith.constant 8 : i32
        %mul3A_1101 = arith.muli %mul3A_1100, %arg0 : i32
        %add3A_1102 = arith.addi %mul3A_1101, %sub3A_1088 : i32
        %dma_wait3A_1103 = arith.constant 0 : i32
        %dma_wait3A_1104 = tpu.memref_slice %arg4[%rem3A_1092, %dma_wait3A_1103, %multiple_of3A_1099] : memref<3x8x4096xf32, #tpu.memory_space<vmem>> -> memref<1x8x2048xf32, #tpu.memory_space<vmem>>
        %dma_wait3A_1105 = tpu.memref_squeeze %dma_wait3A_1104 : memref<1x8x2048xf32, #tpu.memory_space<vmem>> -> memref<8x2048xf32, #tpu.memory_space<vmem>>
        %dma_wait3A_1106 = arith.constant 0 : i32
        %dma_wait3A_1107 = tpu.memref_slice %arg3[%add3A_1102, %multiple_of3A_1097, %dma_wait3A_1106] : memref<16x2048x2048xf32, #tpu.memory_space<hbm>> -> memref<1x8x2048xf32, #tpu.memory_space<hbm>>
        %dma_wait3A_1108 = tpu.memref_squeeze %dma_wait3A_1107 : memref<1x8x2048xf32, #tpu.memory_space<hbm>> -> memref<8x2048xf32, #tpu.memory_space<hbm>>
        %dma_wait3A_1109 = tpu.memref_slice %arg6[%rem3A_1092] : memref<3x!tpu.dma_semaphore, #tpu.memory_space<semaphore_mem>> -> memref<1x!tpu.dma_semaphore, #tpu.memory_space<semaphore_mem>>
        %dma_wait3A_1110 = tpu.memref_squeeze %dma_wait3A_1109 : memref<1x!tpu.dma_semaphore, #tpu.memory_space<semaphore_mem>> -> memref<!tpu.dma_semaphore, #tpu.memory_space<semaphore_mem>>
        %dma_wait3A_1111 = arith.constant 0 : i32
        %dma_wait3A_1112 = tpu.memref_slice %arg3[%add3A_1102, %multiple_of3A_1097, %dma_wait3A_1111] : memref<16x2048x2048xf32, #tpu.memory_space<hbm>> -> memref<1x8x2048xf32, #tpu.memory_space<hbm>>
        %dma_wait3A_1113 = tpu.memref_squeeze %dma_wait3A_1112 : memref<1x8x2048xf32, #tpu.memory_space<hbm>> -> memref<8x2048xf32, #tpu.memory_space<hbm>>
        %dma_wait3A_1114 = arith.constant 0 : i32
        %dma_wait3A_1115 = tpu.memref_slice %arg4[%rem3A_1092, %dma_wait3A_1114, %multiple_of3A_1099] : memref<3x8x4096xf32, #tpu.memory_space<vmem>> -> memref<1x8x2048xf32, #tpu.memory_space<vmem>>
        %dma_wait3A_1116 = tpu.memref_squeeze %dma_wait3A_1115 : memref<1x8x2048xf32, #tpu.memory_space<vmem>> -> memref<8x2048xf32, #tpu.memory_space<vmem>>
        tpu.wait_dma2 semaphore(%dma_wait3A_1110 : memref<!tpu.dma_semaphore, #tpu.memory_space<semaphore_mem>>) src(%dma_wait3A_1116 : memref<8x2048xf32, #tpu.memory_space<vmem>>) dst(%dma_wait3A_1113 : memref<8x2048xf32, #tpu.memory_space<hbm>>)
        %sub3A_1117 = arith.constant 1 : i32
        %sub3A_1118 = arith.subi %scan3A_494, %sub3A_1117 : i32
        %sub3A_1119 = arith.constant 1 : i32
        %sub3A_1120 = arith.subi %scan3A_494, %sub3A_1119 : i32
        %rem3A_1121 = arith.constant 3 : i32
        %rem3A_1122 = arith.remsi %sub3A_1120, %rem3A_1121 : i32
        %mul3A_1123 = arith.constant 8 : i32
        %mul3A_1124 = arith.muli %mul3A_1123, %arg1 : i32
        %add3A_1125 = arith.constant 896 : i32
        %add3A_1126 = arith.addi %mul3A_1124, %add3A_1125 : i32
        %multiple_of3A_1127 = tpu.assume_multiple %add3A_1126, 8 : i32
        %multiple_of3A_1128 = arith.constant 1152 : i32
        %multiple_of3A_1129 = tpu.assume_multiple %multiple_of3A_1128, 128 : i32
        %mul3A_1130 = arith.constant 8 : i32
        %mul3A_1131 = arith.muli %mul3A_1130, %arg0 : i32
        %add3A_1132 = arith.addi %mul3A_1131, %sub3A_1118 : i32
        %dma_wait3A_1133 = arith.constant 0 : i32
        %dma_wait3A_1134 = tpu.memref_slice %arg4[%rem3A_1122, %dma_wait3A_1133, %multiple_of3A_1129] : memref<3x8x4096xf32, #tpu.memory_space<vmem>> -> memref<1x8x2048xf32, #tpu.memory_space<vmem>>
        %dma_wait3A_1135 = tpu.memref_squeeze %dma_wait3A_1134 : memref<1x8x2048xf32, #tpu.memory_space<vmem>> -> memref<8x2048xf32, #tpu.memory_space<vmem>>
        %dma_wait3A_1136 = arith.constant 0 : i32
        %dma_wait3A_1137 = tpu.memref_slice %arg3[%add3A_1132, %multiple_of3A_1127, %dma_wait3A_1136] : memref<16x2048x2048xf32, #tpu.memory_space<hbm>> -> memref<1x8x2048xf32, #tpu.memory_space<hbm>>
        %dma_wait3A_1138 = tpu.memref_squeeze %dma_wait3A_1137 : memref<1x8x2048xf32, #tpu.memory_space<hbm>> -> memref<8x2048xf32, #tpu.memory_space<hbm>>
        %dma_wait3A_1139 = tpu.memref_slice %arg6[%rem3A_1122] : memref<3x!tpu.dma_semaphore, #tpu.memory_space<semaphore_mem>> -> memref<1x!tpu.dma_semaphore, #tpu.memory_space<semaphore_mem>>
        %dma_wait3A_1140 = tpu.memref_squeeze %dma_wait3A_1139 : memref<1x!tpu.dma_semaphore, #tpu.memory_space<semaphore_mem>> -> memref<!tpu.dma_semaphore, #tpu.memory_space<semaphore_mem>>
        %dma_wait3A_1141 = arith.constant 0 : i32
        %dma_wait3A_1142 = tpu.memref_slice %arg3[%add3A_1132, %multiple_of3A_1127, %dma_wait3A_1141] : memref<16x2048x2048xf32, #tpu.memory_space<hbm>> -> memref<1x8x2048xf32, #tpu.memory_space<hbm>>
        %dma_wait3A_1143 = tpu.memref_squeeze %dma_wait3A_1142 : memref<1x8x2048xf32, #tpu.memory_space<hbm>> -> memref<8x2048xf32, #tpu.memory_space<hbm>>
        %dma_wait3A_1144 = arith.constant 0 : i32
        %dma_wait3A_1145 = tpu.memref_slice %arg4[%rem3A_1122, %dma_wait3A_1144, %multiple_of3A_1129] : memref<3x8x4096xf32, #tpu.memory_space<vmem>> -> memref<1x8x2048xf32, #tpu.memory_space<vmem>>
        %dma_wait3A_1146 = tpu.memref_squeeze %dma_wait3A_1145 : memref<1x8x2048xf32, #tpu.memory_space<vmem>> -> memref<8x2048xf32, #tpu.memory_space<vmem>>
        tpu.wait_dma2 semaphore(%dma_wait3A_1140 : memref<!tpu.dma_semaphore, #tpu.memory_space<semaphore_mem>>) src(%dma_wait3A_1146 : memref<8x2048xf32, #tpu.memory_space<vmem>>) dst(%dma_wait3A_1143 : memref<8x2048xf32, #tpu.memory_space<hbm>>)
        %sub3A_1147 = arith.constant 1 : i32
        %sub3A_1148 = arith.subi %scan3A_494, %sub3A_1147 : i32
        %sub3A_1149 = arith.constant 1 : i32
        %sub3A_1150 = arith.subi %scan3A_494, %sub3A_1149 : i32
        %rem3A_1151 = arith.constant 3 : i32
        %rem3A_1152 = arith.remsi %sub3A_1150, %rem3A_1151 : i32
        %mul3A_1153 = arith.constant 8 : i32
        %mul3A_1154 = arith.muli %mul3A_1153, %arg1 : i32
        %add3A_1155 = arith.constant 1024 : i32
        %add3A_1156 = arith.addi %mul3A_1154, %add3A_1155 : i32
        %multiple_of3A_1157 = tpu.assume_multiple %add3A_1156, 8 : i32
        %multiple_of3A_1158 = arith.constant 1024 : i32
        %multiple_of3A_1159 = tpu.assume_multiple %multiple_of3A_1158, 128 : i32
        %mul3A_1160 = arith.constant 8 : i32
        %mul3A_1161 = arith.muli %mul3A_1160, %arg0 : i32
        %add3A_1162 = arith.addi %mul3A_1161, %sub3A_1148 : i32
        %dma_wait3A_1163 = arith.constant 0 : i32
        %dma_wait3A_1164 = tpu.memref_slice %arg4[%rem3A_1152, %dma_wait3A_1163, %multiple_of3A_1159] : memref<3x8x4096xf32, #tpu.memory_space<vmem>> -> memref<1x8x2048xf32, #tpu.memory_space<vmem>>
        %dma_wait3A_1165 = tpu.memref_squeeze %dma_wait3A_1164 : memref<1x8x2048xf32, #tpu.memory_space<vmem>> -> memref<8x2048xf32, #tpu.memory_space<vmem>>
        %dma_wait3A_1166 = arith.constant 0 : i32
        %dma_wait3A_1167 = tpu.memref_slice %arg3[%add3A_1162, %multiple_of3A_1157, %dma_wait3A_1166] : memref<16x2048x2048xf32, #tpu.memory_space<hbm>> -> memref<1x8x2048xf32, #tpu.memory_space<hbm>>
        %dma_wait3A_1168 = tpu.memref_squeeze %dma_wait3A_1167 : memref<1x8x2048xf32, #tpu.memory_space<hbm>> -> memref<8x2048xf32, #tpu.memory_space<hbm>>
        %dma_wait3A_1169 = tpu.memref_slice %arg6[%rem3A_1152] : memref<3x!tpu.dma_semaphore, #tpu.memory_space<semaphore_mem>> -> memref<1x!tpu.dma_semaphore, #tpu.memory_space<semaphore_mem>>
        %dma_wait3A_1170 = tpu.memref_squeeze %dma_wait3A_1169 : memref<1x!tpu.dma_semaphore, #tpu.memory_space<semaphore_mem>> -> memref<!tpu.dma_semaphore, #tpu.memory_space<semaphore_mem>>
        %dma_wait3A_1171 = arith.constant 0 : i32
        %dma_wait3A_1172 = tpu.memref_slice %arg3[%add3A_1162, %multiple_of3A_1157, %dma_wait3A_1171] : memref<16x2048x2048xf32, #tpu.memory_space<hbm>> -> memref<1x8x2048xf32, #tpu.memory_space<hbm>>
        %dma_wait3A_1173 = tpu.memref_squeeze %dma_wait3A_1172 : memref<1x8x2048xf32, #tpu.memory_space<hbm>> -> memref<8x2048xf32, #tpu.memory_space<hbm>>
        %dma_wait3A_1174 = arith.constant 0 : i32
        %dma_wait3A_1175 = tpu.memref_slice %arg4[%rem3A_1152, %dma_wait3A_1174, %multiple_of3A_1159] : memref<3x8x4096xf32, #tpu.memory_space<vmem>> -> memref<1x8x2048xf32, #tpu.memory_space<vmem>>
        %dma_wait3A_1176 = tpu.memref_squeeze %dma_wait3A_1175 : memref<1x8x2048xf32, #tpu.memory_space<vmem>> -> memref<8x2048xf32, #tpu.memory_space<vmem>>
        tpu.wait_dma2 semaphore(%dma_wait3A_1170 : memref<!tpu.dma_semaphore, #tpu.memory_space<semaphore_mem>>) src(%dma_wait3A_1176 : memref<8x2048xf32, #tpu.memory_space<vmem>>) dst(%dma_wait3A_1173 : memref<8x2048xf32, #tpu.memory_space<hbm>>)
        %sub3A_1177 = arith.constant 1 : i32
        %sub3A_1178 = arith.subi %scan3A_494, %sub3A_1177 : i32
        %sub3A_1179 = arith.constant 1 : i32
        %sub3A_1180 = arith.subi %scan3A_494, %sub3A_1179 : i32
        %rem3A_1181 = arith.constant 3 : i32
        %rem3A_1182 = arith.remsi %sub3A_1180, %rem3A_1181 : i32
        %mul3A_1183 = arith.constant 8 : i32
        %mul3A_1184 = arith.muli %mul3A_1183, %arg1 : i32
        %add3A_1185 = arith.constant 1152 : i32
        %add3A_1186 = arith.addi %mul3A_1184, %add3A_1185 : i32
        %multiple_of3A_1187 = tpu.assume_multiple %add3A_1186, 8 : i32
        %multiple_of3A_1188 = arith.constant 896 : i32
        %multiple_of3A_1189 = tpu.assume_multiple %multiple_of3A_1188, 128 : i32
        %mul3A_1190 = arith.constant 8 : i32
        %mul3A_1191 = arith.muli %mul3A_1190, %arg0 : i32
        %add3A_1192 = arith.addi %mul3A_1191, %sub3A_1178 : i32
        %dma_wait3A_1193 = arith.constant 0 : i32
        %dma_wait3A_1194 = tpu.memref_slice %arg4[%rem3A_1182, %dma_wait3A_1193, %multiple_of3A_1189] : memref<3x8x4096xf32, #tpu.memory_space<vmem>> -> memref<1x8x2048xf32, #tpu.memory_space<vmem>>
        %dma_wait3A_1195 = tpu.memref_squeeze %dma_wait3A_1194 : memref<1x8x2048xf32, #tpu.memory_space<vmem>> -> memref<8x2048xf32, #tpu.memory_space<vmem>>
        %dma_wait3A_1196 = arith.constant 0 : i32
        %dma_wait3A_1197 = tpu.memref_slice %arg3[%add3A_1192, %multiple_of3A_1187, %dma_wait3A_1196] : memref<16x2048x2048xf32, #tpu.memory_space<hbm>> -> memref<1x8x2048xf32, #tpu.memory_space<hbm>>
        %dma_wait3A_1198 = tpu.memref_squeeze %dma_wait3A_1197 : memref<1x8x2048xf32, #tpu.memory_space<hbm>> -> memref<8x2048xf32, #tpu.memory_space<hbm>>
        %dma_wait3A_1199 = tpu.memref_slice %arg6[%rem3A_1182] : memref<3x!tpu.dma_semaphore, #tpu.memory_space<semaphore_mem>> -> memref<1x!tpu.dma_semaphore, #tpu.memory_space<semaphore_mem>>
        %dma_wait3A_1200 = tpu.memref_squeeze %dma_wait3A_1199 : memref<1x!tpu.dma_semaphore, #tpu.memory_space<semaphore_mem>> -> memref<!tpu.dma_semaphore, #tpu.memory_space<semaphore_mem>>
        %dma_wait3A_1201 = arith.constant 0 : i32
        %dma_wait3A_1202 = tpu.memref_slice %arg3[%add3A_1192, %multiple_of3A_1187, %dma_wait3A_1201] : memref<16x2048x2048xf32, #tpu.memory_space<hbm>> -> memref<1x8x2048xf32, #tpu.memory_space<hbm>>
        %dma_wait3A_1203 = tpu.memref_squeeze %dma_wait3A_1202 : memref<1x8x2048xf32, #tpu.memory_space<hbm>> -> memref<8x2048xf32, #tpu.memory_space<hbm>>
        %dma_wait3A_1204 = arith.constant 0 : i32
        %dma_wait3A_1205 = tpu.memref_slice %arg4[%rem3A_1182, %dma_wait3A_1204, %multiple_of3A_1189] : memref<3x8x4096xf32, #tpu.memory_space<vmem>> -> memref<1x8x2048xf32, #tpu.memory_space<vmem>>
        %dma_wait3A_1206 = tpu.memref_squeeze %dma_wait3A_1205 : memref<1x8x2048xf32, #tpu.memory_space<vmem>> -> memref<8x2048xf32, #tpu.memory_space<vmem>>
        tpu.wait_dma2 semaphore(%dma_wait3A_1200 : memref<!tpu.dma_semaphore, #tpu.memory_space<semaphore_mem>>) src(%dma_wait3A_1206 : memref<8x2048xf32, #tpu.memory_space<vmem>>) dst(%dma_wait3A_1203 : memref<8x2048xf32, #tpu.memory_space<hbm>>)
        %sub3A_1207 = arith.constant 1 : i32
        %sub3A_1208 = arith.subi %scan3A_494, %sub3A_1207 : i32
        %sub3A_1209 = arith.constant 1 : i32
        %sub3A_1210 = arith.subi %scan3A_494, %sub3A_1209 : i32
        %rem3A_1211 = arith.constant 3 : i32
        %rem3A_1212 = arith.remsi %sub3A_1210, %rem3A_1211 : i32
        %mul3A_1213 = arith.constant 8 : i32
        %mul3A_1214 = arith.muli %mul3A_1213, %arg1 : i32
        %add3A_1215 = arith.constant 1280 : i32
        %add3A_1216 = arith.addi %mul3A_1214, %add3A_1215 : i32
        %multiple_of3A_1217 = tpu.assume_multiple %add3A_1216, 8 : i32
        %multiple_of3A_1218 = arith.constant 768 : i32
        %multiple_of3A_1219 = tpu.assume_multiple %multiple_of3A_1218, 128 : i32
        %mul3A_1220 = arith.constant 8 : i32
        %mul3A_1221 = arith.muli %mul3A_1220, %arg0 : i32
        %add3A_1222 = arith.addi %mul3A_1221, %sub3A_1208 : i32
        %dma_wait3A_1223 = arith.constant 0 : i32
        %dma_wait3A_1224 = tpu.memref_slice %arg4[%rem3A_1212, %dma_wait3A_1223, %multiple_of3A_1219] : memref<3x8x4096xf32, #tpu.memory_space<vmem>> -> memref<1x8x2048xf32, #tpu.memory_space<vmem>>
        %dma_wait3A_1225 = tpu.memref_squeeze %dma_wait3A_1224 : memref<1x8x2048xf32, #tpu.memory_space<vmem>> -> memref<8x2048xf32, #tpu.memory_space<vmem>>
        %dma_wait3A_1226 = arith.constant 0 : i32
        %dma_wait3A_1227 = tpu.memref_slice %arg3[%add3A_1222, %multiple_of3A_1217, %dma_wait3A_1226] : memref<16x2048x2048xf32, #tpu.memory_space<hbm>> -> memref<1x8x2048xf32, #tpu.memory_space<hbm>>
        %dma_wait3A_1228 = tpu.memref_squeeze %dma_wait3A_1227 : memref<1x8x2048xf32, #tpu.memory_space<hbm>> -> memref<8x2048xf32, #tpu.memory_space<hbm>>
        %dma_wait3A_1229 = tpu.memref_slice %arg6[%rem3A_1212] : memref<3x!tpu.dma_semaphore, #tpu.memory_space<semaphore_mem>> -> memref<1x!tpu.dma_semaphore, #tpu.memory_space<semaphore_mem>>
        %dma_wait3A_1230 = tpu.memref_squeeze %dma_wait3A_1229 : memref<1x!tpu.dma_semaphore, #tpu.memory_space<semaphore_mem>> -> memref<!tpu.dma_semaphore, #tpu.memory_space<semaphore_mem>>
        %dma_wait3A_1231 = arith.constant 0 : i32
        %dma_wait3A_1232 = tpu.memref_slice %arg3[%add3A_1222, %multiple_of3A_1217, %dma_wait3A_1231] : memref<16x2048x2048xf32, #tpu.memory_space<hbm>> -> memref<1x8x2048xf32, #tpu.memory_space<hbm>>
        %dma_wait3A_1233 = tpu.memref_squeeze %dma_wait3A_1232 : memref<1x8x2048xf32, #tpu.memory_space<hbm>> -> memref<8x2048xf32, #tpu.memory_space<hbm>>
        %dma_wait3A_1234 = arith.constant 0 : i32
        %dma_wait3A_1235 = tpu.memref_slice %arg4[%rem3A_1212, %dma_wait3A_1234, %multiple_of3A_1219] : memref<3x8x4096xf32, #tpu.memory_space<vmem>> -> memref<1x8x2048xf32, #tpu.memory_space<vmem>>
        %dma_wait3A_1236 = tpu.memref_squeeze %dma_wait3A_1235 : memref<1x8x2048xf32, #tpu.memory_space<vmem>> -> memref<8x2048xf32, #tpu.memory_space<vmem>>
        tpu.wait_dma2 semaphore(%dma_wait3A_1230 : memref<!tpu.dma_semaphore, #tpu.memory_space<semaphore_mem>>) src(%dma_wait3A_1236 : memref<8x2048xf32, #tpu.memory_space<vmem>>) dst(%dma_wait3A_1233 : memref<8x2048xf32, #tpu.memory_space<hbm>>)
        %sub3A_1237 = arith.constant 1 : i32
        %sub3A_1238 = arith.subi %scan3A_494, %sub3A_1237 : i32
        %sub3A_1239 = arith.constant 1 : i32
        %sub3A_1240 = arith.subi %scan3A_494, %sub3A_1239 : i32
        %rem3A_1241 = arith.constant 3 : i32
        %rem3A_1242 = arith.remsi %sub3A_1240, %rem3A_1241 : i32
        %mul3A_1243 = arith.constant 8 : i32
        %mul3A_1244 = arith.muli %mul3A_1243, %arg1 : i32
        %add3A_1245 = arith.constant 1408 : i32
        %add3A_1246 = arith.addi %mul3A_1244, %add3A_1245 : i32
        %multiple_of3A_1247 = tpu.assume_multiple %add3A_1246, 8 : i32
        %multiple_of3A_1248 = arith.constant 640 : i32
        %multiple_of3A_1249 = tpu.assume_multiple %multiple_of3A_1248, 128 : i32
        %mul3A_1250 = arith.constant 8 : i32
        %mul3A_1251 = arith.muli %mul3A_1250, %arg0 : i32
        %add3A_1252 = arith.addi %mul3A_1251, %sub3A_1238 : i32
        %dma_wait3A_1253 = arith.constant 0 : i32
        %dma_wait3A_1254 = tpu.memref_slice %arg4[%rem3A_1242, %dma_wait3A_1253, %multiple_of3A_1249] : memref<3x8x4096xf32, #tpu.memory_space<vmem>> -> memref<1x8x2048xf32, #tpu.memory_space<vmem>>
        %dma_wait3A_1255 = tpu.memref_squeeze %dma_wait3A_1254 : memref<1x8x2048xf32, #tpu.memory_space<vmem>> -> memref<8x2048xf32, #tpu.memory_space<vmem>>
        %dma_wait3A_1256 = arith.constant 0 : i32
        %dma_wait3A_1257 = tpu.memref_slice %arg3[%add3A_1252, %multiple_of3A_1247, %dma_wait3A_1256] : memref<16x2048x2048xf32, #tpu.memory_space<hbm>> -> memref<1x8x2048xf32, #tpu.memory_space<hbm>>
        %dma_wait3A_1258 = tpu.memref_squeeze %dma_wait3A_1257 : memref<1x8x2048xf32, #tpu.memory_space<hbm>> -> memref<8x2048xf32, #tpu.memory_space<hbm>>
        %dma_wait3A_1259 = tpu.memref_slice %arg6[%rem3A_1242] : memref<3x!tpu.dma_semaphore, #tpu.memory_space<semaphore_mem>> -> memref<1x!tpu.dma_semaphore, #tpu.memory_space<semaphore_mem>>
        %dma_wait3A_1260 = tpu.memref_squeeze %dma_wait3A_1259 : memref<1x!tpu.dma_semaphore, #tpu.memory_space<semaphore_mem>> -> memref<!tpu.dma_semaphore, #tpu.memory_space<semaphore_mem>>
        %dma_wait3A_1261 = arith.constant 0 : i32
        %dma_wait3A_1262 = tpu.memref_slice %arg3[%add3A_1252, %multiple_of3A_1247, %dma_wait3A_1261] : memref<16x2048x2048xf32, #tpu.memory_space<hbm>> -> memref<1x8x2048xf32, #tpu.memory_space<hbm>>
        %dma_wait3A_1263 = tpu.memref_squeeze %dma_wait3A_1262 : memref<1x8x2048xf32, #tpu.memory_space<hbm>> -> memref<8x2048xf32, #tpu.memory_space<hbm>>
        %dma_wait3A_1264 = arith.constant 0 : i32
        %dma_wait3A_1265 = tpu.memref_slice %arg4[%rem3A_1242, %dma_wait3A_1264, %multiple_of3A_1249] : memref<3x8x4096xf32, #tpu.memory_space<vmem>> -> memref<1x8x2048xf32, #tpu.memory_space<vmem>>
        %dma_wait3A_1266 = tpu.memref_squeeze %dma_wait3A_1265 : memref<1x8x2048xf32, #tpu.memory_space<vmem>> -> memref<8x2048xf32, #tpu.memory_space<vmem>>
        tpu.wait_dma2 semaphore(%dma_wait3A_1260 : memref<!tpu.dma_semaphore, #tpu.memory_space<semaphore_mem>>) src(%dma_wait3A_1266 : memref<8x2048xf32, #tpu.memory_space<vmem>>) dst(%dma_wait3A_1263 : memref<8x2048xf32, #tpu.memory_space<hbm>>)
        %sub3A_1267 = arith.constant 1 : i32
        %sub3A_1268 = arith.subi %scan3A_494, %sub3A_1267 : i32
        %sub3A_1269 = arith.constant 1 : i32
        %sub3A_1270 = arith.subi %scan3A_494, %sub3A_1269 : i32
        %rem3A_1271 = arith.constant 3 : i32
        %rem3A_1272 = arith.remsi %sub3A_1270, %rem3A_1271 : i32
        %mul3A_1273 = arith.constant 8 : i32
        %mul3A_1274 = arith.muli %mul3A_1273, %arg1 : i32
        %add3A_1275 = arith.constant 1536 : i32
        %add3A_1276 = arith.addi %mul3A_1274, %add3A_1275 : i32
        %multiple_of3A_1277 = tpu.assume_multiple %add3A_1276, 8 : i32
        %multiple_of3A_1278 = arith.constant 512 : i32
        %multiple_of3A_1279 = tpu.assume_multiple %multiple_of3A_1278, 128 : i32
        %mul3A_1280 = arith.constant 8 : i32
        %mul3A_1281 = arith.muli %mul3A_1280, %arg0 : i32
        %add3A_1282 = arith.addi %mul3A_1281, %sub3A_1268 : i32
        %dma_wait3A_1283 = arith.constant 0 : i32
        %dma_wait3A_1284 = tpu.memref_slice %arg4[%rem3A_1272, %dma_wait3A_1283, %multiple_of3A_1279] : memref<3x8x4096xf32, #tpu.memory_space<vmem>> -> memref<1x8x2048xf32, #tpu.memory_space<vmem>>
        %dma_wait3A_1285 = tpu.memref_squeeze %dma_wait3A_1284 : memref<1x8x2048xf32, #tpu.memory_space<vmem>> -> memref<8x2048xf32, #tpu.memory_space<vmem>>
        %dma_wait3A_1286 = arith.constant 0 : i32
        %dma_wait3A_1287 = tpu.memref_slice %arg3[%add3A_1282, %multiple_of3A_1277, %dma_wait3A_1286] : memref<16x2048x2048xf32, #tpu.memory_space<hbm>> -> memref<1x8x2048xf32, #tpu.memory_space<hbm>>
        %dma_wait3A_1288 = tpu.memref_squeeze %dma_wait3A_1287 : memref<1x8x2048xf32, #tpu.memory_space<hbm>> -> memref<8x2048xf32, #tpu.memory_space<hbm>>
        %dma_wait3A_1289 = tpu.memref_slice %arg6[%rem3A_1272] : memref<3x!tpu.dma_semaphore, #tpu.memory_space<semaphore_mem>> -> memref<1x!tpu.dma_semaphore, #tpu.memory_space<semaphore_mem>>
        %dma_wait3A_1290 = tpu.memref_squeeze %dma_wait3A_1289 : memref<1x!tpu.dma_semaphore, #tpu.memory_space<semaphore_mem>> -> memref<!tpu.dma_semaphore, #tpu.memory_space<semaphore_mem>>
        %dma_wait3A_1291 = arith.constant 0 : i32
        %dma_wait3A_1292 = tpu.memref_slice %arg3[%add3A_1282, %multiple_of3A_1277, %dma_wait3A_1291] : memref<16x2048x2048xf32, #tpu.memory_space<hbm>> -> memref<1x8x2048xf32, #tpu.memory_space<hbm>>
        %dma_wait3A_1293 = tpu.memref_squeeze %dma_wait3A_1292 : memref<1x8x2048xf32, #tpu.memory_space<hbm>> -> memref<8x2048xf32, #tpu.memory_space<hbm>>
        %dma_wait3A_1294 = arith.constant 0 : i32
        %dma_wait3A_1295 = tpu.memref_slice %arg4[%rem3A_1272, %dma_wait3A_1294, %multiple_of3A_1279] : memref<3x8x4096xf32, #tpu.memory_space<vmem>> -> memref<1x8x2048xf32, #tpu.memory_space<vmem>>
        %dma_wait3A_1296 = tpu.memref_squeeze %dma_wait3A_1295 : memref<1x8x2048xf32, #tpu.memory_space<vmem>> -> memref<8x2048xf32, #tpu.memory_space<vmem>>
        tpu.wait_dma2 semaphore(%dma_wait3A_1290 : memref<!tpu.dma_semaphore, #tpu.memory_space<semaphore_mem>>) src(%dma_wait3A_1296 : memref<8x2048xf32, #tpu.memory_space<vmem>>) dst(%dma_wait3A_1293 : memref<8x2048xf32, #tpu.memory_space<hbm>>)
        %sub3A_1297 = arith.constant 1 : i32
        %sub3A_1298 = arith.subi %scan3A_494, %sub3A_1297 : i32
        %sub3A_1299 = arith.constant 1 : i32
        %sub3A_1300 = arith.subi %scan3A_494, %sub3A_1299 : i32
        %rem3A_1301 = arith.constant 3 : i32
        %rem3A_1302 = arith.remsi %sub3A_1300, %rem3A_1301 : i32
        %mul3A_1303 = arith.constant 8 : i32
        %mul3A_1304 = arith.muli %mul3A_1303, %arg1 : i32
        %add3A_1305 = arith.constant 1664 : i32
        %add3A_1306 = arith.addi %mul3A_1304, %add3A_1305 : i32
        %multiple_of3A_1307 = tpu.assume_multiple %add3A_1306, 8 : i32
        %multiple_of3A_1308 = arith.constant 384 : i32
        %multiple_of3A_1309 = tpu.assume_multiple %multiple_of3A_1308, 128 : i32
        %mul3A_1310 = arith.constant 8 : i32
        %mul3A_1311 = arith.muli %mul3A_1310, %arg0 : i32
        %add3A_1312 = arith.addi %mul3A_1311, %sub3A_1298 : i32
        %dma_wait3A_1313 = arith.constant 0 : i32
        %dma_wait3A_1314 = tpu.memref_slice %arg4[%rem3A_1302, %dma_wait3A_1313, %multiple_of3A_1309] : memref<3x8x4096xf32, #tpu.memory_space<vmem>> -> memref<1x8x2048xf32, #tpu.memory_space<vmem>>
        %dma_wait3A_1315 = tpu.memref_squeeze %dma_wait3A_1314 : memref<1x8x2048xf32, #tpu.memory_space<vmem>> -> memref<8x2048xf32, #tpu.memory_space<vmem>>
        %dma_wait3A_1316 = arith.constant 0 : i32
        %dma_wait3A_1317 = tpu.memref_slice %arg3[%add3A_1312, %multiple_of3A_1307, %dma_wait3A_1316] : memref<16x2048x2048xf32, #tpu.memory_space<hbm>> -> memref<1x8x2048xf32, #tpu.memory_space<hbm>>
        %dma_wait3A_1318 = tpu.memref_squeeze %dma_wait3A_1317 : memref<1x8x2048xf32, #tpu.memory_space<hbm>> -> memref<8x2048xf32, #tpu.memory_space<hbm>>
        %dma_wait3A_1319 = tpu.memref_slice %arg6[%rem3A_1302] : memref<3x!tpu.dma_semaphore, #tpu.memory_space<semaphore_mem>> -> memref<1x!tpu.dma_semaphore, #tpu.memory_space<semaphore_mem>>
        %dma_wait3A_1320 = tpu.memref_squeeze %dma_wait3A_1319 : memref<1x!tpu.dma_semaphore, #tpu.memory_space<semaphore_mem>> -> memref<!tpu.dma_semaphore, #tpu.memory_space<semaphore_mem>>
        %dma_wait3A_1321 = arith.constant 0 : i32
        %dma_wait3A_1322 = tpu.memref_slice %arg3[%add3A_1312, %multiple_of3A_1307, %dma_wait3A_1321] : memref<16x2048x2048xf32, #tpu.memory_space<hbm>> -> memref<1x8x2048xf32, #tpu.memory_space<hbm>>
        %dma_wait3A_1323 = tpu.memref_squeeze %dma_wait3A_1322 : memref<1x8x2048xf32, #tpu.memory_space<hbm>> -> memref<8x2048xf32, #tpu.memory_space<hbm>>
        %dma_wait3A_1324 = arith.constant 0 : i32
        %dma_wait3A_1325 = tpu.memref_slice %arg4[%rem3A_1302, %dma_wait3A_1324, %multiple_of3A_1309] : memref<3x8x4096xf32, #tpu.memory_space<vmem>> -> memref<1x8x2048xf32, #tpu.memory_space<vmem>>
        %dma_wait3A_1326 = tpu.memref_squeeze %dma_wait3A_1325 : memref<1x8x2048xf32, #tpu.memory_space<vmem>> -> memref<8x2048xf32, #tpu.memory_space<vmem>>
        tpu.wait_dma2 semaphore(%dma_wait3A_1320 : memref<!tpu.dma_semaphore, #tpu.memory_space<semaphore_mem>>) src(%dma_wait3A_1326 : memref<8x2048xf32, #tpu.memory_space<vmem>>) dst(%dma_wait3A_1323 : memref<8x2048xf32, #tpu.memory_space<hbm>>)
        %sub3A_1327 = arith.constant 1 : i32
        %sub3A_1328 = arith.subi %scan3A_494, %sub3A_1327 : i32
        %sub3A_1329 = arith.constant 1 : i32
        %sub3A_1330 = arith.subi %scan3A_494, %sub3A_1329 : i32
        %rem3A_1331 = arith.constant 3 : i32
        %rem3A_1332 = arith.remsi %sub3A_1330, %rem3A_1331 : i32
        %mul3A_1333 = arith.constant 8 : i32
        %mul3A_1334 = arith.muli %mul3A_1333, %arg1 : i32
        %add3A_1335 = arith.constant 1792 : i32
        %add3A_1336 = arith.addi %mul3A_1334, %add3A_1335 : i32
        %multiple_of3A_1337 = tpu.assume_multiple %add3A_1336, 8 : i32
        %multiple_of3A_1338 = arith.constant 256 : i32
        %multiple_of3A_1339 = tpu.assume_multiple %multiple_of3A_1338, 128 : i32
        %mul3A_1340 = arith.constant 8 : i32
        %mul3A_1341 = arith.muli %mul3A_1340, %arg0 : i32
        %add3A_1342 = arith.addi %mul3A_1341, %sub3A_1328 : i32
        %dma_wait3A_1343 = arith.constant 0 : i32
        %dma_wait3A_1344 = tpu.memref_slice %arg4[%rem3A_1332, %dma_wait3A_1343, %multiple_of3A_1339] : memref<3x8x4096xf32, #tpu.memory_space<vmem>> -> memref<1x8x2048xf32, #tpu.memory_space<vmem>>
        %dma_wait3A_1345 = tpu.memref_squeeze %dma_wait3A_1344 : memref<1x8x2048xf32, #tpu.memory_space<vmem>> -> memref<8x2048xf32, #tpu.memory_space<vmem>>
        %dma_wait3A_1346 = arith.constant 0 : i32
        %dma_wait3A_1347 = tpu.memref_slice %arg3[%add3A_1342, %multiple_of3A_1337, %dma_wait3A_1346] : memref<16x2048x2048xf32, #tpu.memory_space<hbm>> -> memref<1x8x2048xf32, #tpu.memory_space<hbm>>
        %dma_wait3A_1348 = tpu.memref_squeeze %dma_wait3A_1347 : memref<1x8x2048xf32, #tpu.memory_space<hbm>> -> memref<8x2048xf32, #tpu.memory_space<hbm>>
        %dma_wait3A_1349 = tpu.memref_slice %arg6[%rem3A_1332] : memref<3x!tpu.dma_semaphore, #tpu.memory_space<semaphore_mem>> -> memref<1x!tpu.dma_semaphore, #tpu.memory_space<semaphore_mem>>
        %dma_wait3A_1350 = tpu.memref_squeeze %dma_wait3A_1349 : memref<1x!tpu.dma_semaphore, #tpu.memory_space<semaphore_mem>> -> memref<!tpu.dma_semaphore, #tpu.memory_space<semaphore_mem>>
        %dma_wait3A_1351 = arith.constant 0 : i32
        %dma_wait3A_1352 = tpu.memref_slice %arg3[%add3A_1342, %multiple_of3A_1337, %dma_wait3A_1351] : memref<16x2048x2048xf32, #tpu.memory_space<hbm>> -> memref<1x8x2048xf32, #tpu.memory_space<hbm>>
        %dma_wait3A_1353 = tpu.memref_squeeze %dma_wait3A_1352 : memref<1x8x2048xf32, #tpu.memory_space<hbm>> -> memref<8x2048xf32, #tpu.memory_space<hbm>>
        %dma_wait3A_1354 = arith.constant 0 : i32
        %dma_wait3A_1355 = tpu.memref_slice %arg4[%rem3A_1332, %dma_wait3A_1354, %multiple_of3A_1339] : memref<3x8x4096xf32, #tpu.memory_space<vmem>> -> memref<1x8x2048xf32, #tpu.memory_space<vmem>>
        %dma_wait3A_1356 = tpu.memref_squeeze %dma_wait3A_1355 : memref<1x8x2048xf32, #tpu.memory_space<vmem>> -> memref<8x2048xf32, #tpu.memory_space<vmem>>
        tpu.wait_dma2 semaphore(%dma_wait3A_1350 : memref<!tpu.dma_semaphore, #tpu.memory_space<semaphore_mem>>) src(%dma_wait3A_1356 : memref<8x2048xf32, #tpu.memory_space<vmem>>) dst(%dma_wait3A_1353 : memref<8x2048xf32, #tpu.memory_space<hbm>>)
        %sub3A_1357 = arith.constant 1 : i32
        %sub3A_1358 = arith.subi %scan3A_494, %sub3A_1357 : i32
        %sub3A_1359 = arith.constant 1 : i32
        %sub3A_1360 = arith.subi %scan3A_494, %sub3A_1359 : i32
        %rem3A_1361 = arith.constant 3 : i32
        %rem3A_1362 = arith.remsi %sub3A_1360, %rem3A_1361 : i32
        %mul3A_1363 = arith.constant 8 : i32
        %mul3A_1364 = arith.muli %mul3A_1363, %arg1 : i32
        %add3A_1365 = arith.constant 1920 : i32
        %add3A_1366 = arith.addi %mul3A_1364, %add3A_1365 : i32
        %multiple_of3A_1367 = tpu.assume_multiple %add3A_1366, 8 : i32
        %multiple_of3A_1368 = arith.constant 128 : i32
        %multiple_of3A_1369 = tpu.assume_multiple %multiple_of3A_1368, 128 : i32
        %mul3A_1370 = arith.constant 8 : i32
        %mul3A_1371 = arith.muli %mul3A_1370, %arg0 : i32
        %add3A_1372 = arith.addi %mul3A_1371, %sub3A_1358 : i32
        %dma_wait3A_1373 = arith.constant 0 : i32
        %dma_wait3A_1374 = tpu.memref_slice %arg4[%rem3A_1362, %dma_wait3A_1373, %multiple_of3A_1369] : memref<3x8x4096xf32, #tpu.memory_space<vmem>> -> memref<1x8x2048xf32, #tpu.memory_space<vmem>>
        %dma_wait3A_1375 = tpu.memref_squeeze %dma_wait3A_1374 : memref<1x8x2048xf32, #tpu.memory_space<vmem>> -> memref<8x2048xf32, #tpu.memory_space<vmem>>
        %dma_wait3A_1376 = arith.constant 0 : i32
        %dma_wait3A_1377 = tpu.memref_slice %arg3[%add3A_1372, %multiple_of3A_1367, %dma_wait3A_1376] : memref<16x2048x2048xf32, #tpu.memory_space<hbm>> -> memref<1x8x2048xf32, #tpu.memory_space<hbm>>
        %dma_wait3A_1378 = tpu.memref_squeeze %dma_wait3A_1377 : memref<1x8x2048xf32, #tpu.memory_space<hbm>> -> memref<8x2048xf32, #tpu.memory_space<hbm>>
        %dma_wait3A_1379 = tpu.memref_slice %arg6[%rem3A_1362] : memref<3x!tpu.dma_semaphore, #tpu.memory_space<semaphore_mem>> -> memref<1x!tpu.dma_semaphore, #tpu.memory_space<semaphore_mem>>
        %dma_wait3A_1380 = tpu.memref_squeeze %dma_wait3A_1379 : memref<1x!tpu.dma_semaphore, #tpu.memory_space<semaphore_mem>> -> memref<!tpu.dma_semaphore, #tpu.memory_space<semaphore_mem>>
        %dma_wait3A_1381 = arith.constant 0 : i32
        %dma_wait3A_1382 = tpu.memref_slice %arg3[%add3A_1372, %multiple_of3A_1367, %dma_wait3A_1381] : memref<16x2048x2048xf32, #tpu.memory_space<hbm>> -> memref<1x8x2048xf32, #tpu.memory_space<hbm>>
        %dma_wait3A_1383 = tpu.memref_squeeze %dma_wait3A_1382 : memref<1x8x2048xf32, #tpu.memory_space<hbm>> -> memref<8x2048xf32, #tpu.memory_space<hbm>>
        %dma_wait3A_1384 = arith.constant 0 : i32
        %dma_wait3A_1385 = tpu.memref_slice %arg4[%rem3A_1362, %dma_wait3A_1384, %multiple_of3A_1369] : memref<3x8x4096xf32, #tpu.memory_space<vmem>> -> memref<1x8x2048xf32, #tpu.memory_space<vmem>>
        %dma_wait3A_1386 = tpu.memref_squeeze %dma_wait3A_1385 : memref<1x8x2048xf32, #tpu.memory_space<vmem>> -> memref<8x2048xf32, #tpu.memory_space<vmem>>
        tpu.wait_dma2 semaphore(%dma_wait3A_1380 : memref<!tpu.dma_semaphore, #tpu.memory_space<semaphore_mem>>) src(%dma_wait3A_1386 : memref<8x2048xf32, #tpu.memory_space<vmem>>) dst(%dma_wait3A_1383 : memref<8x2048xf32, #tpu.memory_space<hbm>>)
      } else {
      }
      %mul3A_499 = arith.constant 8 : i32
      %mul3A_500 = arith.muli %mul3A_499, %arg0 : i32
      %add3A_501 = arith.addi %mul3A_500, %scan3A_494 : i32
      %dma_wait3A_502 = arith.constant 0 : i32
      %dma_wait3A_503 = arith.constant 0 : i32
      %dma_wait3A_504 = tpu.memref_slice %arg4[%rem3A_496, %dma_wait3A_502, %dma_wait3A_503] : memref<3x8x4096xf32, #tpu.memory_space<vmem>> -> memref<1x8x4096xf32, #tpu.memory_space<vmem>>
      %dma_wait3A_505 = tpu.memref_squeeze %dma_wait3A_504 : memref<1x8x4096xf32, #tpu.memory_space<vmem>> -> memref<8x4096xf32, #tpu.memory_space<vmem>>
      %dma_wait3A_506 = arith.constant 0 : i32
      %dma_wait3A_507 = tpu.memref_slice %arg2[%add3A_501, %multiple_of3A, %dma_wait3A_506] : memref<16x128x4096xf32, #tpu.memory_space<hbm>> -> memref<1x8x4096xf32, #tpu.memory_space<hbm>>
      %dma_wait3A_508 = tpu.memref_squeeze %dma_wait3A_507 : memref<1x8x4096xf32, #tpu.memory_space<hbm>> -> memref<8x4096xf32, #tpu.memory_space<hbm>>
      %dma_wait3A_509 = tpu.memref_slice %arg5[%rem3A_496] : memref<3x!tpu.dma_semaphore, #tpu.memory_space<semaphore_mem>> -> memref<1x!tpu.dma_semaphore, #tpu.memory_space<semaphore_mem>>
      %dma_wait3A_510 = tpu.memref_squeeze %dma_wait3A_509 : memref<1x!tpu.dma_semaphore, #tpu.memory_space<semaphore_mem>> -> memref<!tpu.dma_semaphore, #tpu.memory_space<semaphore_mem>>
      %dma_wait3A_511 = arith.constant 0 : i32
      %dma_wait3A_512 = arith.constant 0 : i32
      %dma_wait3A_513 = tpu.memref_slice %arg4[%rem3A_496, %dma_wait3A_511, %dma_wait3A_512] : memref<3x8x4096xf32, #tpu.memory_space<vmem>> -> memref<1x8x4096xf32, #tpu.memory_space<vmem>>
      %dma_wait3A_514 = tpu.memref_squeeze %dma_wait3A_513 : memref<1x8x4096xf32, #tpu.memory_space<vmem>> -> memref<8x4096xf32, #tpu.memory_space<vmem>>
      %dma_wait3A_515 = arith.constant 0 : i32
      %dma_wait3A_516 = tpu.memref_slice %arg2[%add3A_501, %multiple_of3A, %dma_wait3A_515] : memref<16x128x4096xf32, #tpu.memory_space<hbm>> -> memref<1x8x4096xf32, #tpu.memory_space<hbm>>
      %dma_wait3A_517 = tpu.memref_squeeze %dma_wait3A_516 : memref<1x8x4096xf32, #tpu.memory_space<hbm>> -> memref<8x4096xf32, #tpu.memory_space<hbm>>
      tpu.wait_dma2 semaphore(%dma_wait3A_510 : memref<!tpu.dma_semaphore, #tpu.memory_space<semaphore_mem>>) src(%dma_wait3A_517 : memref<8x4096xf32, #tpu.memory_space<hbm>>) dst(%dma_wait3A_514 : memref<8x4096xf32, #tpu.memory_space<vmem>>)
      %mul3A_518 = arith.constant 8 : i32
      %mul3A_519 = arith.muli %mul3A_518, %arg1 : i32
      %add3A_520 = arith.constant 0 : i32
      %add3A_521 = arith.addi %mul3A_519, %add3A_520 : i32
      %multiple_of3A_522 = tpu.assume_multiple %add3A_521, 8 : i32
      %multiple_of3A_523 = arith.constant 2048 : i32
      %multiple_of3A_524 = tpu.assume_multiple %multiple_of3A_523, 128 : i32
      %mul3A_525 = arith.constant 8 : i32
      %mul3A_526 = arith.muli %mul3A_525, %arg0 : i32
      %add3A_527 = arith.addi %mul3A_526, %scan3A_494 : i32
      %dma_start3A_528 = arith.constant 0 : i32
      %dma_start3A_529 = tpu.memref_slice %arg4[%rem3A_496, %dma_start3A_528, %multiple_of3A_524] : memref<3x8x4096xf32, #tpu.memory_space<vmem>> -> memref<1x8x2048xf32, #tpu.memory_space<vmem>>
      %dma_start3A_530 = tpu.memref_squeeze %dma_start3A_529 : memref<1x8x2048xf32, #tpu.memory_space<vmem>> -> memref<8x2048xf32, #tpu.memory_space<vmem>>
      %dma_start3A_531 = arith.constant 0 : i32
      %dma_start3A_532 = tpu.memref_slice %arg3[%add3A_527, %multiple_of3A_522, %dma_start3A_531] : memref<16x2048x2048xf32, #tpu.memory_space<hbm>> -> memref<1x8x2048xf32, #tpu.memory_space<hbm>>
      %dma_start3A_533 = tpu.memref_squeeze %dma_start3A_532 : memref<1x8x2048xf32, #tpu.memory_space<hbm>> -> memref<8x2048xf32, #tpu.memory_space<hbm>>
      %dma_start3A_534 = tpu.memref_slice %arg6[%rem3A_496] : memref<3x!tpu.dma_semaphore, #tpu.memory_space<semaphore_mem>> -> memref<1x!tpu.dma_semaphore, #tpu.memory_space<semaphore_mem>>
      %dma_start3A_535 = tpu.memref_squeeze %dma_start3A_534 : memref<1x!tpu.dma_semaphore, #tpu.memory_space<semaphore_mem>> -> memref<!tpu.dma_semaphore, #tpu.memory_space<semaphore_mem>>
      %dma_start3A_536 = arith.constant 0 : i32
      %dma_start3A_537 = tpu.memref_slice %arg3[%add3A_527, %multiple_of3A_522, %dma_start3A_536] : memref<16x2048x2048xf32, #tpu.memory_space<hbm>> -> memref<1x8x2048xf32, #tpu.memory_space<hbm>>
      %dma_start3A_538 = tpu.memref_squeeze %dma_start3A_537 : memref<1x8x2048xf32, #tpu.memory_space<hbm>> -> memref<8x2048xf32, #tpu.memory_space<hbm>>
      %dma_start3A_539 = arith.constant 0 : i32
      %dma_start3A_540 = tpu.memref_slice %arg4[%rem3A_496, %dma_start3A_539, %multiple_of3A_524] : memref<3x8x4096xf32, #tpu.memory_space<vmem>> -> memref<1x8x2048xf32, #tpu.memory_space<vmem>>
      %dma_start3A_541 = tpu.memref_squeeze %dma_start3A_540 : memref<1x8x2048xf32, #tpu.memory_space<vmem>> -> memref<8x2048xf32, #tpu.memory_space<vmem>>
      tpu.enqueue_dma source(%dma_start3A_541 : memref<8x2048xf32, #tpu.memory_space<vmem>>) target(%dma_start3A_538 : memref<8x2048xf32, #tpu.memory_space<hbm>>) target_semaphore(%dma_start3A_535 : memref<!tpu.dma_semaphore, #tpu.memory_space<semaphore_mem>>)
      %mul3A_542 = arith.constant 8 : i32
      %mul3A_543 = arith.muli %mul3A_542, %arg1 : i32
      %add3A_544 = arith.constant 128 : i32
      %add3A_545 = arith.addi %mul3A_543, %add3A_544 : i32
      %multiple_of3A_546 = tpu.assume_multiple %add3A_545, 8 : i32
      %multiple_of3A_547 = arith.constant 1920 : i32
      %multiple_of3A_548 = tpu.assume_multiple %multiple_of3A_547, 128 : i32
      %mul3A_549 = arith.constant 8 : i32
      %mul3A_550 = arith.muli %mul3A_549, %arg0 : i32
      %add3A_551 = arith.addi %mul3A_550, %scan3A_494 : i32
      %dma_start3A_552 = arith.constant 0 : i32
      %dma_start3A_553 = tpu.memref_slice %arg4[%rem3A_496, %dma_start3A_552, %multiple_of3A_548] : memref<3x8x4096xf32, #tpu.memory_space<vmem>> -> memref<1x8x2048xf32, #tpu.memory_space<vmem>>
      %dma_start3A_554 = tpu.memref_squeeze %dma_start3A_553 : memref<1x8x2048xf32, #tpu.memory_space<vmem>> -> memref<8x2048xf32, #tpu.memory_space<vmem>>
      %dma_start3A_555 = arith.constant 0 : i32
      %dma_start3A_556 = tpu.memref_slice %arg3[%add3A_551, %multiple_of3A_546, %dma_start3A_555] : memref<16x2048x2048xf32, #tpu.memory_space<hbm>> -> memref<1x8x2048xf32, #tpu.memory_space<hbm>>
      %dma_start3A_557 = tpu.memref_squeeze %dma_start3A_556 : memref<1x8x2048xf32, #tpu.memory_space<hbm>> -> memref<8x2048xf32, #tpu.memory_space<hbm>>
      %dma_start3A_558 = tpu.memref_slice %arg6[%rem3A_496] : memref<3x!tpu.dma_semaphore, #tpu.memory_space<semaphore_mem>> -> memref<1x!tpu.dma_semaphore, #tpu.memory_space<semaphore_mem>>
      %dma_start3A_559 = tpu.memref_squeeze %dma_start3A_558 : memref<1x!tpu.dma_semaphore, #tpu.memory_space<semaphore_mem>> -> memref<!tpu.dma_semaphore, #tpu.memory_space<semaphore_mem>>
      %dma_start3A_560 = arith.constant 0 : i32
      %dma_start3A_561 = tpu.memref_slice %arg3[%add3A_551, %multiple_of3A_546, %dma_start3A_560] : memref<16x2048x2048xf32, #tpu.memory_space<hbm>> -> memref<1x8x2048xf32, #tpu.memory_space<hbm>>
      %dma_start3A_562 = tpu.memref_squeeze %dma_start3A_561 : memref<1x8x2048xf32, #tpu.memory_space<hbm>> -> memref<8x2048xf32, #tpu.memory_space<hbm>>
      %dma_start3A_563 = arith.constant 0 : i32
      %dma_start3A_564 = tpu.memref_slice %arg4[%rem3A_496, %dma_start3A_563, %multiple_of3A_548] : memref<3x8x4096xf32, #tpu.memory_space<vmem>> -> memref<1x8x2048xf32, #tpu.memory_space<vmem>>
      %dma_start3A_565 = tpu.memref_squeeze %dma_start3A_564 : memref<1x8x2048xf32, #tpu.memory_space<vmem>> -> memref<8x2048xf32, #tpu.memory_space<vmem>>
      tpu.enqueue_dma source(%dma_start3A_565 : memref<8x2048xf32, #tpu.memory_space<vmem>>) target(%dma_start3A_562 : memref<8x2048xf32, #tpu.memory_space<hbm>>) target_semaphore(%dma_start3A_559 : memref<!tpu.dma_semaphore, #tpu.memory_space<semaphore_mem>>)
      %mul3A_566 = arith.constant 8 : i32
      %mul3A_567 = arith.muli %mul3A_566, %arg1 : i32
      %add3A_568 = arith.constant 256 : i32
      %add3A_569 = arith.addi %mul3A_567, %add3A_568 : i32
      %multiple_of3A_570 = tpu.assume_multiple %add3A_569, 8 : i32
      %multiple_of3A_571 = arith.constant 1792 : i32
      %multiple_of3A_572 = tpu.assume_multiple %multiple_of3A_571, 128 : i32
      %mul3A_573 = arith.constant 8 : i32
      %mul3A_574 = arith.muli %mul3A_573, %arg0 : i32
      %add3A_575 = arith.addi %mul3A_574, %scan3A_494 : i32
      %dma_start3A_576 = arith.constant 0 : i32
      %dma_start3A_577 = tpu.memref_slice %arg4[%rem3A_496, %dma_start3A_576, %multiple_of3A_572] : memref<3x8x4096xf32, #tpu.memory_space<vmem>> -> memref<1x8x2048xf32, #tpu.memory_space<vmem>>
      %dma_start3A_578 = tpu.memref_squeeze %dma_start3A_577 : memref<1x8x2048xf32, #tpu.memory_space<vmem>> -> memref<8x2048xf32, #tpu.memory_space<vmem>>
      %dma_start3A_579 = arith.constant 0 : i32
      %dma_start3A_580 = tpu.memref_slice %arg3[%add3A_575, %multiple_of3A_570, %dma_start3A_579] : memref<16x2048x2048xf32, #tpu.memory_space<hbm>> -> memref<1x8x2048xf32, #tpu.memory_space<hbm>>
      %dma_start3A_581 = tpu.memref_squeeze %dma_start3A_580 : memref<1x8x2048xf32, #tpu.memory_space<hbm>> -> memref<8x2048xf32, #tpu.memory_space<hbm>>
      %dma_start3A_582 = tpu.memref_slice %arg6[%rem3A_496] : memref<3x!tpu.dma_semaphore, #tpu.memory_space<semaphore_mem>> -> memref<1x!tpu.dma_semaphore, #tpu.memory_space<semaphore_mem>>
      %dma_start3A_583 = tpu.memref_squeeze %dma_start3A_582 : memref<1x!tpu.dma_semaphore, #tpu.memory_space<semaphore_mem>> -> memref<!tpu.dma_semaphore, #tpu.memory_space<semaphore_mem>>
      %dma_start3A_584 = arith.constant 0 : i32
      %dma_start3A_585 = tpu.memref_slice %arg3[%add3A_575, %multiple_of3A_570, %dma_start3A_584] : memref<16x2048x2048xf32, #tpu.memory_space<hbm>> -> memref<1x8x2048xf32, #tpu.memory_space<hbm>>
      %dma_start3A_586 = tpu.memref_squeeze %dma_start3A_585 : memref<1x8x2048xf32, #tpu.memory_space<hbm>> -> memref<8x2048xf32, #tpu.memory_space<hbm>>
      %dma_start3A_587 = arith.constant 0 : i32
      %dma_start3A_588 = tpu.memref_slice %arg4[%rem3A_496, %dma_start3A_587, %multiple_of3A_572] : memref<3x8x4096xf32, #tpu.memory_space<vmem>> -> memref<1x8x2048xf32, #tpu.memory_space<vmem>>
      %dma_start3A_589 = tpu.memref_squeeze %dma_start3A_588 : memref<1x8x2048xf32, #tpu.memory_space<vmem>> -> memref<8x2048xf32, #tpu.memory_space<vmem>>
      tpu.enqueue_dma source(%dma_start3A_589 : memref<8x2048xf32, #tpu.memory_space<vmem>>) target(%dma_start3A_586 : memref<8x2048xf32, #tpu.memory_space<hbm>>) target_semaphore(%dma_start3A_583 : memref<!tpu.dma_semaphore, #tpu.memory_space<semaphore_mem>>)
      %mul3A_590 = arith.constant 8 : i32
      %mul3A_591 = arith.muli %mul3A_590, %arg1 : i32
      %add3A_592 = arith.constant 384 : i32
      %add3A_593 = arith.addi %mul3A_591, %add3A_592 : i32
      %multiple_of3A_594 = tpu.assume_multiple %add3A_593, 8 : i32
      %multiple_of3A_595 = arith.constant 1664 : i32
      %multiple_of3A_596 = tpu.assume_multiple %multiple_of3A_595, 128 : i32
      %mul3A_597 = arith.constant 8 : i32
      %mul3A_598 = arith.muli %mul3A_597, %arg0 : i32
      %add3A_599 = arith.addi %mul3A_598, %scan3A_494 : i32
      %dma_start3A_600 = arith.constant 0 : i32
      %dma_start3A_601 = tpu.memref_slice %arg4[%rem3A_496, %dma_start3A_600, %multiple_of3A_596] : memref<3x8x4096xf32, #tpu.memory_space<vmem>> -> memref<1x8x2048xf32, #tpu.memory_space<vmem>>
      %dma_start3A_602 = tpu.memref_squeeze %dma_start3A_601 : memref<1x8x2048xf32, #tpu.memory_space<vmem>> -> memref<8x2048xf32, #tpu.memory_space<vmem>>
      %dma_start3A_603 = arith.constant 0 : i32
      %dma_start3A_604 = tpu.memref_slice %arg3[%add3A_599, %multiple_of3A_594, %dma_start3A_603] : memref<16x2048x2048xf32, #tpu.memory_space<hbm>> -> memref<1x8x2048xf32, #tpu.memory_space<hbm>>
      %dma_start3A_605 = tpu.memref_squeeze %dma_start3A_604 : memref<1x8x2048xf32, #tpu.memory_space<hbm>> -> memref<8x2048xf32, #tpu.memory_space<hbm>>
      %dma_start3A_606 = tpu.memref_slice %arg6[%rem3A_496] : memref<3x!tpu.dma_semaphore, #tpu.memory_space<semaphore_mem>> -> memref<1x!tpu.dma_semaphore, #tpu.memory_space<semaphore_mem>>
      %dma_start3A_607 = tpu.memref_squeeze %dma_start3A_606 : memref<1x!tpu.dma_semaphore, #tpu.memory_space<semaphore_mem>> -> memref<!tpu.dma_semaphore, #tpu.memory_space<semaphore_mem>>
      %dma_start3A_608 = arith.constant 0 : i32
      %dma_start3A_609 = tpu.memref_slice %arg3[%add3A_599, %multiple_of3A_594, %dma_start3A_608] : memref<16x2048x2048xf32, #tpu.memory_space<hbm>> -> memref<1x8x2048xf32, #tpu.memory_space<hbm>>
      %dma_start3A_610 = tpu.memref_squeeze %dma_start3A_609 : memref<1x8x2048xf32, #tpu.memory_space<hbm>> -> memref<8x2048xf32, #tpu.memory_space<hbm>>
      %dma_start3A_611 = arith.constant 0 : i32
      %dma_start3A_612 = tpu.memref_slice %arg4[%rem3A_496, %dma_start3A_611, %multiple_of3A_596] : memref<3x8x4096xf32, #tpu.memory_space<vmem>> -> memref<1x8x2048xf32, #tpu.memory_space<vmem>>
      %dma_start3A_613 = tpu.memref_squeeze %dma_start3A_612 : memref<1x8x2048xf32, #tpu.memory_space<vmem>> -> memref<8x2048xf32, #tpu.memory_space<vmem>>
      tpu.enqueue_dma source(%dma_start3A_613 : memref<8x2048xf32, #tpu.memory_space<vmem>>) target(%dma_start3A_610 : memref<8x2048xf32, #tpu.memory_space<hbm>>) target_semaphore(%dma_start3A_607 : memref<!tpu.dma_semaphore, #tpu.memory_space<semaphore_mem>>)
      %mul3A_614 = arith.constant 8 : i32
      %mul3A_615 = arith.muli %mul3A_614, %arg1 : i32
      %add3A_616 = arith.constant 512 : i32
      %add3A_617 = arith.addi %mul3A_615, %add3A_616 : i32
      %multiple_of3A_618 = tpu.assume_multiple %add3A_617, 8 : i32
      %multiple_of3A_619 = arith.constant 1536 : i32
      %multiple_of3A_620 = tpu.assume_multiple %multiple_of3A_619, 128 : i32
      %mul3A_621 = arith.constant 8 : i32
      %mul3A_622 = arith.muli %mul3A_621, %arg0 : i32
      %add3A_623 = arith.addi %mul3A_622, %scan3A_494 : i32
      %dma_start3A_624 = arith.constant 0 : i32
      %dma_start3A_625 = tpu.memref_slice %arg4[%rem3A_496, %dma_start3A_624, %multiple_of3A_620] : memref<3x8x4096xf32, #tpu.memory_space<vmem>> -> memref<1x8x2048xf32, #tpu.memory_space<vmem>>
      %dma_start3A_626 = tpu.memref_squeeze %dma_start3A_625 : memref<1x8x2048xf32, #tpu.memory_space<vmem>> -> memref<8x2048xf32, #tpu.memory_space<vmem>>
      %dma_start3A_627 = arith.constant 0 : i32
      %dma_start3A_628 = tpu.memref_slice %arg3[%add3A_623, %multiple_of3A_618, %dma_start3A_627] : memref<16x2048x2048xf32, #tpu.memory_space<hbm>> -> memref<1x8x2048xf32, #tpu.memory_space<hbm>>
      %dma_start3A_629 = tpu.memref_squeeze %dma_start3A_628 : memref<1x8x2048xf32, #tpu.memory_space<hbm>> -> memref<8x2048xf32, #tpu.memory_space<hbm>>
      %dma_start3A_630 = tpu.memref_slice %arg6[%rem3A_496] : memref<3x!tpu.dma_semaphore, #tpu.memory_space<semaphore_mem>> -> memref<1x!tpu.dma_semaphore, #tpu.memory_space<semaphore_mem>>
      %dma_start3A_631 = tpu.memref_squeeze %dma_start3A_630 : memref<1x!tpu.dma_semaphore, #tpu.memory_space<semaphore_mem>> -> memref<!tpu.dma_semaphore, #tpu.memory_space<semaphore_mem>>
      %dma_start3A_632 = arith.constant 0 : i32
      %dma_start3A_633 = tpu.memref_slice %arg3[%add3A_623, %multiple_of3A_618, %dma_start3A_632] : memref<16x2048x2048xf32, #tpu.memory_space<hbm>> -> memref<1x8x2048xf32, #tpu.memory_space<hbm>>
      %dma_start3A_634 = tpu.memref_squeeze %dma_start3A_633 : memref<1x8x2048xf32, #tpu.memory_space<hbm>> -> memref<8x2048xf32, #tpu.memory_space<hbm>>
      %dma_start3A_635 = arith.constant 0 : i32
      %dma_start3A_636 = tpu.memref_slice %arg4[%rem3A_496, %dma_start3A_635, %multiple_of3A_620] : memref<3x8x4096xf32, #tpu.memory_space<vmem>> -> memref<1x8x2048xf32, #tpu.memory_space<vmem>>
      %dma_start3A_637 = tpu.memref_squeeze %dma_start3A_636 : memref<1x8x2048xf32, #tpu.memory_space<vmem>> -> memref<8x2048xf32, #tpu.memory_space<vmem>>
      tpu.enqueue_dma source(%dma_start3A_637 : memref<8x2048xf32, #tpu.memory_space<vmem>>) target(%dma_start3A_634 : memref<8x2048xf32, #tpu.memory_space<hbm>>) target_semaphore(%dma_start3A_631 : memref<!tpu.dma_semaphore, #tpu.memory_space<semaphore_mem>>)
      %mul3A_638 = arith.constant 8 : i32
      %mul3A_639 = arith.muli %mul3A_638, %arg1 : i32
      %add3A_640 = arith.constant 640 : i32
      %add3A_641 = arith.addi %mul3A_639, %add3A_640 : i32
      %multiple_of3A_642 = tpu.assume_multiple %add3A_641, 8 : i32
      %multiple_of3A_643 = arith.constant 1408 : i32
      %multiple_of3A_644 = tpu.assume_multiple %multiple_of3A_643, 128 : i32
      %mul3A_645 = arith.constant 8 : i32
      %mul3A_646 = arith.muli %mul3A_645, %arg0 : i32
      %add3A_647 = arith.addi %mul3A_646, %scan3A_494 : i32
      %dma_start3A_648 = arith.constant 0 : i32
      %dma_start3A_649 = tpu.memref_slice %arg4[%rem3A_496, %dma_start3A_648, %multiple_of3A_644] : memref<3x8x4096xf32, #tpu.memory_space<vmem>> -> memref<1x8x2048xf32, #tpu.memory_space<vmem>>
      %dma_start3A_650 = tpu.memref_squeeze %dma_start3A_649 : memref<1x8x2048xf32, #tpu.memory_space<vmem>> -> memref<8x2048xf32, #tpu.memory_space<vmem>>
      %dma_start3A_651 = arith.constant 0 : i32
      %dma_start3A_652 = tpu.memref_slice %arg3[%add3A_647, %multiple_of3A_642, %dma_start3A_651] : memref<16x2048x2048xf32, #tpu.memory_space<hbm>> -> memref<1x8x2048xf32, #tpu.memory_space<hbm>>
      %dma_start3A_653 = tpu.memref_squeeze %dma_start3A_652 : memref<1x8x2048xf32, #tpu.memory_space<hbm>> -> memref<8x2048xf32, #tpu.memory_space<hbm>>
      %dma_start3A_654 = tpu.memref_slice %arg6[%rem3A_496] : memref<3x!tpu.dma_semaphore, #tpu.memory_space<semaphore_mem>> -> memref<1x!tpu.dma_semaphore, #tpu.memory_space<semaphore_mem>>
      %dma_start3A_655 = tpu.memref_squeeze %dma_start3A_654 : memref<1x!tpu.dma_semaphore, #tpu.memory_space<semaphore_mem>> -> memref<!tpu.dma_semaphore, #tpu.memory_space<semaphore_mem>>
      %dma_start3A_656 = arith.constant 0 : i32
      %dma_start3A_657 = tpu.memref_slice %arg3[%add3A_647, %multiple_of3A_642, %dma_start3A_656] : memref<16x2048x2048xf32, #tpu.memory_space<hbm>> -> memref<1x8x2048xf32, #tpu.memory_space<hbm>>
      %dma_start3A_658 = tpu.memref_squeeze %dma_start3A_657 : memref<1x8x2048xf32, #tpu.memory_space<hbm>> -> memref<8x2048xf32, #tpu.memory_space<hbm>>
      %dma_start3A_659 = arith.constant 0 : i32
      %dma_start3A_660 = tpu.memref_slice %arg4[%rem3A_496, %dma_start3A_659, %multiple_of3A_644] : memref<3x8x4096xf32, #tpu.memory_space<vmem>> -> memref<1x8x2048xf32, #tpu.memory_space<vmem>>
      %dma_start3A_661 = tpu.memref_squeeze %dma_start3A_660 : memref<1x8x2048xf32, #tpu.memory_space<vmem>> -> memref<8x2048xf32, #tpu.memory_space<vmem>>
      tpu.enqueue_dma source(%dma_start3A_661 : memref<8x2048xf32, #tpu.memory_space<vmem>>) target(%dma_start3A_658 : memref<8x2048xf32, #tpu.memory_space<hbm>>) target_semaphore(%dma_start3A_655 : memref<!tpu.dma_semaphore, #tpu.memory_space<semaphore_mem>>)
      %mul3A_662 = arith.constant 8 : i32
      %mul3A_663 = arith.muli %mul3A_662, %arg1 : i32
      %add3A_664 = arith.constant 768 : i32
      %add3A_665 = arith.addi %mul3A_663, %add3A_664 : i32
      %multiple_of3A_666 = tpu.assume_multiple %add3A_665, 8 : i32
      %multiple_of3A_667 = arith.constant 1280 : i32
      %multiple_of3A_668 = tpu.assume_multiple %multiple_of3A_667, 128 : i32
      %mul3A_669 = arith.constant 8 : i32
      %mul3A_670 = arith.muli %mul3A_669, %arg0 : i32
      %add3A_671 = arith.addi %mul3A_670, %scan3A_494 : i32
      %dma_start3A_672 = arith.constant 0 : i32
      %dma_start3A_673 = tpu.memref_slice %arg4[%rem3A_496, %dma_start3A_672, %multiple_of3A_668] : memref<3x8x4096xf32, #tpu.memory_space<vmem>> -> memref<1x8x2048xf32, #tpu.memory_space<vmem>>
      %dma_start3A_674 = tpu.memref_squeeze %dma_start3A_673 : memref<1x8x2048xf32, #tpu.memory_space<vmem>> -> memref<8x2048xf32, #tpu.memory_space<vmem>>
      %dma_start3A_675 = arith.constant 0 : i32
      %dma_start3A_676 = tpu.memref_slice %arg3[%add3A_671, %multiple_of3A_666, %dma_start3A_675] : memref<16x2048x2048xf32, #tpu.memory_space<hbm>> -> memref<1x8x2048xf32, #tpu.memory_space<hbm>>
      %dma_start3A_677 = tpu.memref_squeeze %dma_start3A_676 : memref<1x8x2048xf32, #tpu.memory_space<hbm>> -> memref<8x2048xf32, #tpu.memory_space<hbm>>
      %dma_start3A_678 = tpu.memref_slice %arg6[%rem3A_496] : memref<3x!tpu.dma_semaphore, #tpu.memory_space<semaphore_mem>> -> memref<1x!tpu.dma_semaphore, #tpu.memory_space<semaphore_mem>>
      %dma_start3A_679 = tpu.memref_squeeze %dma_start3A_678 : memref<1x!tpu.dma_semaphore, #tpu.memory_space<semaphore_mem>> -> memref<!tpu.dma_semaphore, #tpu.memory_space<semaphore_mem>>
      %dma_start3A_680 = arith.constant 0 : i32
      %dma_start3A_681 = tpu.memref_slice %arg3[%add3A_671, %multiple_of3A_666, %dma_start3A_680] : memref<16x2048x2048xf32, #tpu.memory_space<hbm>> -> memref<1x8x2048xf32, #tpu.memory_space<hbm>>
      %dma_start3A_682 = tpu.memref_squeeze %dma_start3A_681 : memref<1x8x2048xf32, #tpu.memory_space<hbm>> -> memref<8x2048xf32, #tpu.memory_space<hbm>>
      %dma_start3A_683 = arith.constant 0 : i32
      %dma_start3A_684 = tpu.memref_slice %arg4[%rem3A_496, %dma_start3A_683, %multiple_of3A_668] : memref<3x8x4096xf32, #tpu.memory_space<vmem>> -> memref<1x8x2048xf32, #tpu.memory_space<vmem>>
      %dma_start3A_685 = tpu.memref_squeeze %dma_start3A_684 : memref<1x8x2048xf32, #tpu.memory_space<vmem>> -> memref<8x2048xf32, #tpu.memory_space<vmem>>
      tpu.enqueue_dma source(%dma_start3A_685 : memref<8x2048xf32, #tpu.memory_space<vmem>>) target(%dma_start3A_682 : memref<8x2048xf32, #tpu.memory_space<hbm>>) target_semaphore(%dma_start3A_679 : memref<!tpu.dma_semaphore, #tpu.memory_space<semaphore_mem>>)
      %mul3A_686 = arith.constant 8 : i32
      %mul3A_687 = arith.muli %mul3A_686, %arg1 : i32
      %add3A_688 = arith.constant 896 : i32
      %add3A_689 = arith.addi %mul3A_687, %add3A_688 : i32
      %multiple_of3A_690 = tpu.assume_multiple %add3A_689, 8 : i32
      %multiple_of3A_691 = arith.constant 1152 : i32
      %multiple_of3A_692 = tpu.assume_multiple %multiple_of3A_691, 128 : i32
      %mul3A_693 = arith.constant 8 : i32
      %mul3A_694 = arith.muli %mul3A_693, %arg0 : i32
      %add3A_695 = arith.addi %mul3A_694, %scan3A_494 : i32
      %dma_start3A_696 = arith.constant 0 : i32
      %dma_start3A_697 = tpu.memref_slice %arg4[%rem3A_496, %dma_start3A_696, %multiple_of3A_692] : memref<3x8x4096xf32, #tpu.memory_space<vmem>> -> memref<1x8x2048xf32, #tpu.memory_space<vmem>>
      %dma_start3A_698 = tpu.memref_squeeze %dma_start3A_697 : memref<1x8x2048xf32, #tpu.memory_space<vmem>> -> memref<8x2048xf32, #tpu.memory_space<vmem>>
      %dma_start3A_699 = arith.constant 0 : i32
      %dma_start3A_700 = tpu.memref_slice %arg3[%add3A_695, %multiple_of3A_690, %dma_start3A_699] : memref<16x2048x2048xf32, #tpu.memory_space<hbm>> -> memref<1x8x2048xf32, #tpu.memory_space<hbm>>
      %dma_start3A_701 = tpu.memref_squeeze %dma_start3A_700 : memref<1x8x2048xf32, #tpu.memory_space<hbm>> -> memref<8x2048xf32, #tpu.memory_space<hbm>>
      %dma_start3A_702 = tpu.memref_slice %arg6[%rem3A_496] : memref<3x!tpu.dma_semaphore, #tpu.memory_space<semaphore_mem>> -> memref<1x!tpu.dma_semaphore, #tpu.memory_space<semaphore_mem>>
      %dma_start3A_703 = tpu.memref_squeeze %dma_start3A_702 : memref<1x!tpu.dma_semaphore, #tpu.memory_space<semaphore_mem>> -> memref<!tpu.dma_semaphore, #tpu.memory_space<semaphore_mem>>
      %dma_start3A_704 = arith.constant 0 : i32
      %dma_start3A_705 = tpu.memref_slice %arg3[%add3A_695, %multiple_of3A_690, %dma_start3A_704] : memref<16x2048x2048xf32, #tpu.memory_space<hbm>> -> memref<1x8x2048xf32, #tpu.memory_space<hbm>>
      %dma_start3A_706 = tpu.memref_squeeze %dma_start3A_705 : memref<1x8x2048xf32, #tpu.memory_space<hbm>> -> memref<8x2048xf32, #tpu.memory_space<hbm>>
      %dma_start3A_707 = arith.constant 0 : i32
      %dma_start3A_708 = tpu.memref_slice %arg4[%rem3A_496, %dma_start3A_707, %multiple_of3A_692] : memref<3x8x4096xf32, #tpu.memory_space<vmem>> -> memref<1x8x2048xf32, #tpu.memory_space<vmem>>
      %dma_start3A_709 = tpu.memref_squeeze %dma_start3A_708 : memref<1x8x2048xf32, #tpu.memory_space<vmem>> -> memref<8x2048xf32, #tpu.memory_space<vmem>>
      tpu.enqueue_dma source(%dma_start3A_709 : memref<8x2048xf32, #tpu.memory_space<vmem>>) target(%dma_start3A_706 : memref<8x2048xf32, #tpu.memory_space<hbm>>) target_semaphore(%dma_start3A_703 : memref<!tpu.dma_semaphore, #tpu.memory_space<semaphore_mem>>)
      %mul3A_710 = arith.constant 8 : i32
      %mul3A_711 = arith.muli %mul3A_710, %arg1 : i32
      %add3A_712 = arith.constant 1024 : i32
      %add3A_713 = arith.addi %mul3A_711, %add3A_712 : i32
      %multiple_of3A_714 = tpu.assume_multiple %add3A_713, 8 : i32
      %multiple_of3A_715 = arith.constant 1024 : i32
      %multiple_of3A_716 = tpu.assume_multiple %multiple_of3A_715, 128 : i32
      %mul3A_717 = arith.constant 8 : i32
      %mul3A_718 = arith.muli %mul3A_717, %arg0 : i32
      %add3A_719 = arith.addi %mul3A_718, %scan3A_494 : i32
      %dma_start3A_720 = arith.constant 0 : i32
      %dma_start3A_721 = tpu.memref_slice %arg4[%rem3A_496, %dma_start3A_720, %multiple_of3A_716] : memref<3x8x4096xf32, #tpu.memory_space<vmem>> -> memref<1x8x2048xf32, #tpu.memory_space<vmem>>
      %dma_start3A_722 = tpu.memref_squeeze %dma_start3A_721 : memref<1x8x2048xf32, #tpu.memory_space<vmem>> -> memref<8x2048xf32, #tpu.memory_space<vmem>>
      %dma_start3A_723 = arith.constant 0 : i32
      %dma_start3A_724 = tpu.memref_slice %arg3[%add3A_719, %multiple_of3A_714, %dma_start3A_723] : memref<16x2048x2048xf32, #tpu.memory_space<hbm>> -> memref<1x8x2048xf32, #tpu.memory_space<hbm>>
      %dma_start3A_725 = tpu.memref_squeeze %dma_start3A_724 : memref<1x8x2048xf32, #tpu.memory_space<hbm>> -> memref<8x2048xf32, #tpu.memory_space<hbm>>
      %dma_start3A_726 = tpu.memref_slice %arg6[%rem3A_496] : memref<3x!tpu.dma_semaphore, #tpu.memory_space<semaphore_mem>> -> memref<1x!tpu.dma_semaphore, #tpu.memory_space<semaphore_mem>>
      %dma_start3A_727 = tpu.memref_squeeze %dma_start3A_726 : memref<1x!tpu.dma_semaphore, #tpu.memory_space<semaphore_mem>> -> memref<!tpu.dma_semaphore, #tpu.memory_space<semaphore_mem>>
      %dma_start3A_728 = arith.constant 0 : i32
      %dma_start3A_729 = tpu.memref_slice %arg3[%add3A_719, %multiple_of3A_714, %dma_start3A_728] : memref<16x2048x2048xf32, #tpu.memory_space<hbm>> -> memref<1x8x2048xf32, #tpu.memory_space<hbm>>
      %dma_start3A_730 = tpu.memref_squeeze %dma_start3A_729 : memref<1x8x2048xf32, #tpu.memory_space<hbm>> -> memref<8x2048xf32, #tpu.memory_space<hbm>>
      %dma_start3A_731 = arith.constant 0 : i32
      %dma_start3A_732 = tpu.memref_slice %arg4[%rem3A_496, %dma_start3A_731, %multiple_of3A_716] : memref<3x8x4096xf32, #tpu.memory_space<vmem>> -> memref<1x8x2048xf32, #tpu.memory_space<vmem>>
      %dma_start3A_733 = tpu.memref_squeeze %dma_start3A_732 : memref<1x8x2048xf32, #tpu.memory_space<vmem>> -> memref<8x2048xf32, #tpu.memory_space<vmem>>
      tpu.enqueue_dma source(%dma_start3A_733 : memref<8x2048xf32, #tpu.memory_space<vmem>>) target(%dma_start3A_730 : memref<8x2048xf32, #tpu.memory_space<hbm>>) target_semaphore(%dma_start3A_727 : memref<!tpu.dma_semaphore, #tpu.memory_space<semaphore_mem>>)
      %mul3A_734 = arith.constant 8 : i32
      %mul3A_735 = arith.muli %mul3A_734, %arg1 : i32
      %add3A_736 = arith.constant 1152 : i32
      %add3A_737 = arith.addi %mul3A_735, %add3A_736 : i32
      %multiple_of3A_738 = tpu.assume_multiple %add3A_737, 8 : i32
      %multiple_of3A_739 = arith.constant 896 : i32
      %multiple_of3A_740 = tpu.assume_multiple %multiple_of3A_739, 128 : i32
      %mul3A_741 = arith.constant 8 : i32
      %mul3A_742 = arith.muli %mul3A_741, %arg0 : i32
      %add3A_743 = arith.addi %mul3A_742, %scan3A_494 : i32
      %dma_start3A_744 = arith.constant 0 : i32
      %dma_start3A_745 = tpu.memref_slice %arg4[%rem3A_496, %dma_start3A_744, %multiple_of3A_740] : memref<3x8x4096xf32, #tpu.memory_space<vmem>> -> memref<1x8x2048xf32, #tpu.memory_space<vmem>>
      %dma_start3A_746 = tpu.memref_squeeze %dma_start3A_745 : memref<1x8x2048xf32, #tpu.memory_space<vmem>> -> memref<8x2048xf32, #tpu.memory_space<vmem>>
      %dma_start3A_747 = arith.constant 0 : i32
      %dma_start3A_748 = tpu.memref_slice %arg3[%add3A_743, %multiple_of3A_738, %dma_start3A_747] : memref<16x2048x2048xf32, #tpu.memory_space<hbm>> -> memref<1x8x2048xf32, #tpu.memory_space<hbm>>
      %dma_start3A_749 = tpu.memref_squeeze %dma_start3A_748 : memref<1x8x2048xf32, #tpu.memory_space<hbm>> -> memref<8x2048xf32, #tpu.memory_space<hbm>>
      %dma_start3A_750 = tpu.memref_slice %arg6[%rem3A_496] : memref<3x!tpu.dma_semaphore, #tpu.memory_space<semaphore_mem>> -> memref<1x!tpu.dma_semaphore, #tpu.memory_space<semaphore_mem>>
      %dma_start3A_751 = tpu.memref_squeeze %dma_start3A_750 : memref<1x!tpu.dma_semaphore, #tpu.memory_space<semaphore_mem>> -> memref<!tpu.dma_semaphore, #tpu.memory_space<semaphore_mem>>
      %dma_start3A_752 = arith.constant 0 : i32
      %dma_start3A_753 = tpu.memref_slice %arg3[%add3A_743, %multiple_of3A_738, %dma_start3A_752] : memref<16x2048x2048xf32, #tpu.memory_space<hbm>> -> memref<1x8x2048xf32, #tpu.memory_space<hbm>>
      %dma_start3A_754 = tpu.memref_squeeze %dma_start3A_753 : memref<1x8x2048xf32, #tpu.memory_space<hbm>> -> memref<8x2048xf32, #tpu.memory_space<hbm>>
      %dma_start3A_755 = arith.constant 0 : i32
      %dma_start3A_756 = tpu.memref_slice %arg4[%rem3A_496, %dma_start3A_755, %multiple_of3A_740] : memref<3x8x4096xf32, #tpu.memory_space<vmem>> -> memref<1x8x2048xf32, #tpu.memory_space<vmem>>
      %dma_start3A_757 = tpu.memref_squeeze %dma_start3A_756 : memref<1x8x2048xf32, #tpu.memory_space<vmem>> -> memref<8x2048xf32, #tpu.memory_space<vmem>>
      tpu.enqueue_dma source(%dma_start3A_757 : memref<8x2048xf32, #tpu.memory_space<vmem>>) target(%dma_start3A_754 : memref<8x2048xf32, #tpu.memory_space<hbm>>) target_semaphore(%dma_start3A_751 : memref<!tpu.dma_semaphore, #tpu.memory_space<semaphore_mem>>)
      %mul3A_758 = arith.constant 8 : i32
      %mul3A_759 = arith.muli %mul3A_758, %arg1 : i32
      %add3A_760 = arith.constant 1280 : i32
      %add3A_761 = arith.addi %mul3A_759, %add3A_760 : i32
      %multiple_of3A_762 = tpu.assume_multiple %add3A_761, 8 : i32
      %multiple_of3A_763 = arith.constant 768 : i32
      %multiple_of3A_764 = tpu.assume_multiple %multiple_of3A_763, 128 : i32
      %mul3A_765 = arith.constant 8 : i32
      %mul3A_766 = arith.muli %mul3A_765, %arg0 : i32
      %add3A_767 = arith.addi %mul3A_766, %scan3A_494 : i32
      %dma_start3A_768 = arith.constant 0 : i32
      %dma_start3A_769 = tpu.memref_slice %arg4[%rem3A_496, %dma_start3A_768, %multiple_of3A_764] : memref<3x8x4096xf32, #tpu.memory_space<vmem>> -> memref<1x8x2048xf32, #tpu.memory_space<vmem>>
      %dma_start3A_770 = tpu.memref_squeeze %dma_start3A_769 : memref<1x8x2048xf32, #tpu.memory_space<vmem>> -> memref<8x2048xf32, #tpu.memory_space<vmem>>
      %dma_start3A_771 = arith.constant 0 : i32
      %dma_start3A_772 = tpu.memref_slice %arg3[%add3A_767, %multiple_of3A_762, %dma_start3A_771] : memref<16x2048x2048xf32, #tpu.memory_space<hbm>> -> memref<1x8x2048xf32, #tpu.memory_space<hbm>>
      %dma_start3A_773 = tpu.memref_squeeze %dma_start3A_772 : memref<1x8x2048xf32, #tpu.memory_space<hbm>> -> memref<8x2048xf32, #tpu.memory_space<hbm>>
      %dma_start3A_774 = tpu.memref_slice %arg6[%rem3A_496] : memref<3x!tpu.dma_semaphore, #tpu.memory_space<semaphore_mem>> -> memref<1x!tpu.dma_semaphore, #tpu.memory_space<semaphore_mem>>
      %dma_start3A_775 = tpu.memref_squeeze %dma_start3A_774 : memref<1x!tpu.dma_semaphore, #tpu.memory_space<semaphore_mem>> -> memref<!tpu.dma_semaphore, #tpu.memory_space<semaphore_mem>>
      %dma_start3A_776 = arith.constant 0 : i32
      %dma_start3A_777 = tpu.memref_slice %arg3[%add3A_767, %multiple_of3A_762, %dma_start3A_776] : memref<16x2048x2048xf32, #tpu.memory_space<hbm>> -> memref<1x8x2048xf32, #tpu.memory_space<hbm>>
      %dma_start3A_778 = tpu.memref_squeeze %dma_start3A_777 : memref<1x8x2048xf32, #tpu.memory_space<hbm>> -> memref<8x2048xf32, #tpu.memory_space<hbm>>
      %dma_start3A_779 = arith.constant 0 : i32
      %dma_start3A_780 = tpu.memref_slice %arg4[%rem3A_496, %dma_start3A_779, %multiple_of3A_764] : memref<3x8x4096xf32, #tpu.memory_space<vmem>> -> memref<1x8x2048xf32, #tpu.memory_space<vmem>>
      %dma_start3A_781 = tpu.memref_squeeze %dma_start3A_780 : memref<1x8x2048xf32, #tpu.memory_space<vmem>> -> memref<8x2048xf32, #tpu.memory_space<vmem>>
      tpu.enqueue_dma source(%dma_start3A_781 : memref<8x2048xf32, #tpu.memory_space<vmem>>) target(%dma_start3A_778 : memref<8x2048xf32, #tpu.memory_space<hbm>>) target_semaphore(%dma_start3A_775 : memref<!tpu.dma_semaphore, #tpu.memory_space<semaphore_mem>>)
      %mul3A_782 = arith.constant 8 : i32
      %mul3A_783 = arith.muli %mul3A_782, %arg1 : i32
      %add3A_784 = arith.constant 1408 : i32
      %add3A_785 = arith.addi %mul3A_783, %add3A_784 : i32
      %multiple_of3A_786 = tpu.assume_multiple %add3A_785, 8 : i32
      %multiple_of3A_787 = arith.constant 640 : i32
      %multiple_of3A_788 = tpu.assume_multiple %multiple_of3A_787, 128 : i32
      %mul3A_789 = arith.constant 8 : i32
      %mul3A_790 = arith.muli %mul3A_789, %arg0 : i32
      %add3A_791 = arith.addi %mul3A_790, %scan3A_494 : i32
      %dma_start3A_792 = arith.constant 0 : i32
      %dma_start3A_793 = tpu.memref_slice %arg4[%rem3A_496, %dma_start3A_792, %multiple_of3A_788] : memref<3x8x4096xf32, #tpu.memory_space<vmem>> -> memref<1x8x2048xf32, #tpu.memory_space<vmem>>
      %dma_start3A_794 = tpu.memref_squeeze %dma_start3A_793 : memref<1x8x2048xf32, #tpu.memory_space<vmem>> -> memref<8x2048xf32, #tpu.memory_space<vmem>>
      %dma_start3A_795 = arith.constant 0 : i32
      %dma_start3A_796 = tpu.memref_slice %arg3[%add3A_791, %multiple_of3A_786, %dma_start3A_795] : memref<16x2048x2048xf32, #tpu.memory_space<hbm>> -> memref<1x8x2048xf32, #tpu.memory_space<hbm>>
      %dma_start3A_797 = tpu.memref_squeeze %dma_start3A_796 : memref<1x8x2048xf32, #tpu.memory_space<hbm>> -> memref<8x2048xf32, #tpu.memory_space<hbm>>
      %dma_start3A_798 = tpu.memref_slice %arg6[%rem3A_496] : memref<3x!tpu.dma_semaphore, #tpu.memory_space<semaphore_mem>> -> memref<1x!tpu.dma_semaphore, #tpu.memory_space<semaphore_mem>>
      %dma_start3A_799 = tpu.memref_squeeze %dma_start3A_798 : memref<1x!tpu.dma_semaphore, #tpu.memory_space<semaphore_mem>> -> memref<!tpu.dma_semaphore, #tpu.memory_space<semaphore_mem>>
      %dma_start3A_800 = arith.constant 0 : i32
      %dma_start3A_801 = tpu.memref_slice %arg3[%add3A_791, %multiple_of3A_786, %dma_start3A_800] : memref<16x2048x2048xf32, #tpu.memory_space<hbm>> -> memref<1x8x2048xf32, #tpu.memory_space<hbm>>
      %dma_start3A_802 = tpu.memref_squeeze %dma_start3A_801 : memref<1x8x2048xf32, #tpu.memory_space<hbm>> -> memref<8x2048xf32, #tpu.memory_space<hbm>>
      %dma_start3A_803 = arith.constant 0 : i32
      %dma_start3A_804 = tpu.memref_slice %arg4[%rem3A_496, %dma_start3A_803, %multiple_of3A_788] : memref<3x8x4096xf32, #tpu.memory_space<vmem>> -> memref<1x8x2048xf32, #tpu.memory_space<vmem>>
      %dma_start3A_805 = tpu.memref_squeeze %dma_start3A_804 : memref<1x8x2048xf32, #tpu.memory_space<vmem>> -> memref<8x2048xf32, #tpu.memory_space<vmem>>
      tpu.enqueue_dma source(%dma_start3A_805 : memref<8x2048xf32, #tpu.memory_space<vmem>>) target(%dma_start3A_802 : memref<8x2048xf32, #tpu.memory_space<hbm>>) target_semaphore(%dma_start3A_799 : memref<!tpu.dma_semaphore, #tpu.memory_space<semaphore_mem>>)
      %mul3A_806 = arith.constant 8 : i32
      %mul3A_807 = arith.muli %mul3A_806, %arg1 : i32
      %add3A_808 = arith.constant 1536 : i32
      %add3A_809 = arith.addi %mul3A_807, %add3A_808 : i32
      %multiple_of3A_810 = tpu.assume_multiple %add3A_809, 8 : i32
      %multiple_of3A_811 = arith.constant 512 : i32
      %multiple_of3A_812 = tpu.assume_multiple %multiple_of3A_811, 128 : i32
      %mul3A_813 = arith.constant 8 : i32
      %mul3A_814 = arith.muli %mul3A_813, %arg0 : i32
      %add3A_815 = arith.addi %mul3A_814, %scan3A_494 : i32
      %dma_start3A_816 = arith.constant 0 : i32
      %dma_start3A_817 = tpu.memref_slice %arg4[%rem3A_496, %dma_start3A_816, %multiple_of3A_812] : memref<3x8x4096xf32, #tpu.memory_space<vmem>> -> memref<1x8x2048xf32, #tpu.memory_space<vmem>>
      %dma_start3A_818 = tpu.memref_squeeze %dma_start3A_817 : memref<1x8x2048xf32, #tpu.memory_space<vmem>> -> memref<8x2048xf32, #tpu.memory_space<vmem>>
      %dma_start3A_819 = arith.constant 0 : i32
      %dma_start3A_820 = tpu.memref_slice %arg3[%add3A_815, %multiple_of3A_810, %dma_start3A_819] : memref<16x2048x2048xf32, #tpu.memory_space<hbm>> -> memref<1x8x2048xf32, #tpu.memory_space<hbm>>
      %dma_start3A_821 = tpu.memref_squeeze %dma_start3A_820 : memref<1x8x2048xf32, #tpu.memory_space<hbm>> -> memref<8x2048xf32, #tpu.memory_space<hbm>>
      %dma_start3A_822 = tpu.memref_slice %arg6[%rem3A_496] : memref<3x!tpu.dma_semaphore, #tpu.memory_space<semaphore_mem>> -> memref<1x!tpu.dma_semaphore, #tpu.memory_space<semaphore_mem>>
      %dma_start3A_823 = tpu.memref_squeeze %dma_start3A_822 : memref<1x!tpu.dma_semaphore, #tpu.memory_space<semaphore_mem>> -> memref<!tpu.dma_semaphore, #tpu.memory_space<semaphore_mem>>
      %dma_start3A_824 = arith.constant 0 : i32
      %dma_start3A_825 = tpu.memref_slice %arg3[%add3A_815, %multiple_of3A_810, %dma_start3A_824] : memref<16x2048x2048xf32, #tpu.memory_space<hbm>> -> memref<1x8x2048xf32, #tpu.memory_space<hbm>>
      %dma_start3A_826 = tpu.memref_squeeze %dma_start3A_825 : memref<1x8x2048xf32, #tpu.memory_space<hbm>> -> memref<8x2048xf32, #tpu.memory_space<hbm>>
      %dma_start3A_827 = arith.constant 0 : i32
      %dma_start3A_828 = tpu.memref_slice %arg4[%rem3A_496, %dma_start3A_827, %multiple_of3A_812] : memref<3x8x4096xf32, #tpu.memory_space<vmem>> -> memref<1x8x2048xf32, #tpu.memory_space<vmem>>
      %dma_start3A_829 = tpu.memref_squeeze %dma_start3A_828 : memref<1x8x2048xf32, #tpu.memory_space<vmem>> -> memref<8x2048xf32, #tpu.memory_space<vmem>>
      tpu.enqueue_dma source(%dma_start3A_829 : memref<8x2048xf32, #tpu.memory_space<vmem>>) target(%dma_start3A_826 : memref<8x2048xf32, #tpu.memory_space<hbm>>) target_semaphore(%dma_start3A_823 : memref<!tpu.dma_semaphore, #tpu.memory_space<semaphore_mem>>)
      %mul3A_830 = arith.constant 8 : i32
      %mul3A_831 = arith.muli %mul3A_830, %arg1 : i32
      %add3A_832 = arith.constant 1664 : i32
      %add3A_833 = arith.addi %mul3A_831, %add3A_832 : i32
      %multiple_of3A_834 = tpu.assume_multiple %add3A_833, 8 : i32
      %multiple_of3A_835 = arith.constant 384 : i32
      %multiple_of3A_836 = tpu.assume_multiple %multiple_of3A_835, 128 : i32
      %mul3A_837 = arith.constant 8 : i32
      %mul3A_838 = arith.muli %mul3A_837, %arg0 : i32
      %add3A_839 = arith.addi %mul3A_838, %scan3A_494 : i32
      %dma_start3A_840 = arith.constant 0 : i32
      %dma_start3A_841 = tpu.memref_slice %arg4[%rem3A_496, %dma_start3A_840, %multiple_of3A_836] : memref<3x8x4096xf32, #tpu.memory_space<vmem>> -> memref<1x8x2048xf32, #tpu.memory_space<vmem>>
      %dma_start3A_842 = tpu.memref_squeeze %dma_start3A_841 : memref<1x8x2048xf32, #tpu.memory_space<vmem>> -> memref<8x2048xf32, #tpu.memory_space<vmem>>
      %dma_start3A_843 = arith.constant 0 : i32
      %dma_start3A_844 = tpu.memref_slice %arg3[%add3A_839, %multiple_of3A_834, %dma_start3A_843] : memref<16x2048x2048xf32, #tpu.memory_space<hbm>> -> memref<1x8x2048xf32, #tpu.memory_space<hbm>>
      %dma_start3A_845 = tpu.memref_squeeze %dma_start3A_844 : memref<1x8x2048xf32, #tpu.memory_space<hbm>> -> memref<8x2048xf32, #tpu.memory_space<hbm>>
      %dma_start3A_846 = tpu.memref_slice %arg6[%rem3A_496] : memref<3x!tpu.dma_semaphore, #tpu.memory_space<semaphore_mem>> -> memref<1x!tpu.dma_semaphore, #tpu.memory_space<semaphore_mem>>
      %dma_start3A_847 = tpu.memref_squeeze %dma_start3A_846 : memref<1x!tpu.dma_semaphore, #tpu.memory_space<semaphore_mem>> -> memref<!tpu.dma_semaphore, #tpu.memory_space<semaphore_mem>>
      %dma_start3A_848 = arith.constant 0 : i32
      %dma_start3A_849 = tpu.memref_slice %arg3[%add3A_839, %multiple_of3A_834, %dma_start3A_848] : memref<16x2048x2048xf32, #tpu.memory_space<hbm>> -> memref<1x8x2048xf32, #tpu.memory_space<hbm>>
      %dma_start3A_850 = tpu.memref_squeeze %dma_start3A_849 : memref<1x8x2048xf32, #tpu.memory_space<hbm>> -> memref<8x2048xf32, #tpu.memory_space<hbm>>
      %dma_start3A_851 = arith.constant 0 : i32
      %dma_start3A_852 = tpu.memref_slice %arg4[%rem3A_496, %dma_start3A_851, %multiple_of3A_836] : memref<3x8x4096xf32, #tpu.memory_space<vmem>> -> memref<1x8x2048xf32, #tpu.memory_space<vmem>>
      %dma_start3A_853 = tpu.memref_squeeze %dma_start3A_852 : memref<1x8x2048xf32, #tpu.memory_space<vmem>> -> memref<8x2048xf32, #tpu.memory_space<vmem>>
      tpu.enqueue_dma source(%dma_start3A_853 : memref<8x2048xf32, #tpu.memory_space<vmem>>) target(%dma_start3A_850 : memref<8x2048xf32, #tpu.memory_space<hbm>>) target_semaphore(%dma_start3A_847 : memref<!tpu.dma_semaphore, #tpu.memory_space<semaphore_mem>>)
      %mul3A_854 = arith.constant 8 : i32
      %mul3A_855 = arith.muli %mul3A_854, %arg1 : i32
      %add3A_856 = arith.constant 1792 : i32
      %add3A_857 = arith.addi %mul3A_855, %add3A_856 : i32
      %multiple_of3A_858 = tpu.assume_multiple %add3A_857, 8 : i32
      %multiple_of3A_859 = arith.constant 256 : i32
      %multiple_of3A_860 = tpu.assume_multiple %multiple_of3A_859, 128 : i32
      %mul3A_861 = arith.constant 8 : i32
      %mul3A_862 = arith.muli %mul3A_861, %arg0 : i32
      %add3A_863 = arith.addi %mul3A_862, %scan3A_494 : i32
      %dma_start3A_864 = arith.constant 0 : i32
      %dma_start3A_865 = tpu.memref_slice %arg4[%rem3A_496, %dma_start3A_864, %multiple_of3A_860] : memref<3x8x4096xf32, #tpu.memory_space<vmem>> -> memref<1x8x2048xf32, #tpu.memory_space<vmem>>
      %dma_start3A_866 = tpu.memref_squeeze %dma_start3A_865 : memref<1x8x2048xf32, #tpu.memory_space<vmem>> -> memref<8x2048xf32, #tpu.memory_space<vmem>>
      %dma_start3A_867 = arith.constant 0 : i32
      %dma_start3A_868 = tpu.memref_slice %arg3[%add3A_863, %multiple_of3A_858, %dma_start3A_867] : memref<16x2048x2048xf32, #tpu.memory_space<hbm>> -> memref<1x8x2048xf32, #tpu.memory_space<hbm>>
      %dma_start3A_869 = tpu.memref_squeeze %dma_start3A_868 : memref<1x8x2048xf32, #tpu.memory_space<hbm>> -> memref<8x2048xf32, #tpu.memory_space<hbm>>
      %dma_start3A_870 = tpu.memref_slice %arg6[%rem3A_496] : memref<3x!tpu.dma_semaphore, #tpu.memory_space<semaphore_mem>> -> memref<1x!tpu.dma_semaphore, #tpu.memory_space<semaphore_mem>>
      %dma_start3A_871 = tpu.memref_squeeze %dma_start3A_870 : memref<1x!tpu.dma_semaphore, #tpu.memory_space<semaphore_mem>> -> memref<!tpu.dma_semaphore, #tpu.memory_space<semaphore_mem>>
      %dma_start3A_872 = arith.constant 0 : i32
      %dma_start3A_873 = tpu.memref_slice %arg3[%add3A_863, %multiple_of3A_858, %dma_start3A_872] : memref<16x2048x2048xf32, #tpu.memory_space<hbm>> -> memref<1x8x2048xf32, #tpu.memory_space<hbm>>
      %dma_start3A_874 = tpu.memref_squeeze %dma_start3A_873 : memref<1x8x2048xf32, #tpu.memory_space<hbm>> -> memref<8x2048xf32, #tpu.memory_space<hbm>>
      %dma_start3A_875 = arith.constant 0 : i32
      %dma_start3A_876 = tpu.memref_slice %arg4[%rem3A_496, %dma_start3A_875, %multiple_of3A_860] : memref<3x8x4096xf32, #tpu.memory_space<vmem>> -> memref<1x8x2048xf32, #tpu.memory_space<vmem>>
      %dma_start3A_877 = tpu.memref_squeeze %dma_start3A_876 : memref<1x8x2048xf32, #tpu.memory_space<vmem>> -> memref<8x2048xf32, #tpu.memory_space<vmem>>
      tpu.enqueue_dma source(%dma_start3A_877 : memref<8x2048xf32, #tpu.memory_space<vmem>>) target(%dma_start3A_874 : memref<8x2048xf32, #tpu.memory_space<hbm>>) target_semaphore(%dma_start3A_871 : memref<!tpu.dma_semaphore, #tpu.memory_space<semaphore_mem>>)
      %mul3A_878 = arith.constant 8 : i32
      %mul3A_879 = arith.muli %mul3A_878, %arg1 : i32
      %add3A_880 = arith.constant 1920 : i32
      %add3A_881 = arith.addi %mul3A_879, %add3A_880 : i32
      %multiple_of3A_882 = tpu.assume_multiple %add3A_881, 8 : i32
      %multiple_of3A_883 = arith.constant 128 : i32
      %multiple_of3A_884 = tpu.assume_multiple %multiple_of3A_883, 128 : i32
      %mul3A_885 = arith.constant 8 : i32
      %mul3A_886 = arith.muli %mul3A_885, %arg0 : i32
      %add3A_887 = arith.addi %mul3A_886, %scan3A_494 : i32
      %dma_start3A_888 = arith.constant 0 : i32
      %dma_start3A_889 = tpu.memref_slice %arg4[%rem3A_496, %dma_start3A_888, %multiple_of3A_884] : memref<3x8x4096xf32, #tpu.memory_space<vmem>> -> memref<1x8x2048xf32, #tpu.memory_space<vmem>>
      %dma_start3A_890 = tpu.memref_squeeze %dma_start3A_889 : memref<1x8x2048xf32, #tpu.memory_space<vmem>> -> memref<8x2048xf32, #tpu.memory_space<vmem>>
      %dma_start3A_891 = arith.constant 0 : i32
      %dma_start3A_892 = tpu.memref_slice %arg3[%add3A_887, %multiple_of3A_882, %dma_start3A_891] : memref<16x2048x2048xf32, #tpu.memory_space<hbm>> -> memref<1x8x2048xf32, #tpu.memory_space<hbm>>
      %dma_start3A_893 = tpu.memref_squeeze %dma_start3A_892 : memref<1x8x2048xf32, #tpu.memory_space<hbm>> -> memref<8x2048xf32, #tpu.memory_space<hbm>>
      %dma_start3A_894 = tpu.memref_slice %arg6[%rem3A_496] : memref<3x!tpu.dma_semaphore, #tpu.memory_space<semaphore_mem>> -> memref<1x!tpu.dma_semaphore, #tpu.memory_space<semaphore_mem>>
      %dma_start3A_895 = tpu.memref_squeeze %dma_start3A_894 : memref<1x!tpu.dma_semaphore, #tpu.memory_space<semaphore_mem>> -> memref<!tpu.dma_semaphore, #tpu.memory_space<semaphore_mem>>
      %dma_start3A_896 = arith.constant 0 : i32
      %dma_start3A_897 = tpu.memref_slice %arg3[%add3A_887, %multiple_of3A_882, %dma_start3A_896] : memref<16x2048x2048xf32, #tpu.memory_space<hbm>> -> memref<1x8x2048xf32, #tpu.memory_space<hbm>>
      %dma_start3A_898 = tpu.memref_squeeze %dma_start3A_897 : memref<1x8x2048xf32, #tpu.memory_space<hbm>> -> memref<8x2048xf32, #tpu.memory_space<hbm>>
      %dma_start3A_899 = arith.constant 0 : i32
      %dma_start3A_900 = tpu.memref_slice %arg4[%rem3A_496, %dma_start3A_899, %multiple_of3A_884] : memref<3x8x4096xf32, #tpu.memory_space<vmem>> -> memref<1x8x2048xf32, #tpu.memory_space<vmem>>
      %dma_start3A_901 = tpu.memref_squeeze %dma_start3A_900 : memref<1x8x2048xf32, #tpu.memory_space<vmem>> -> memref<8x2048xf32, #tpu.memory_space<vmem>>
      tpu.enqueue_dma source(%dma_start3A_901 : memref<8x2048xf32, #tpu.memory_space<vmem>>) target(%dma_start3A_898 : memref<8x2048xf32, #tpu.memory_space<hbm>>) target_semaphore(%dma_start3A_895 : memref<!tpu.dma_semaphore, #tpu.memory_space<semaphore_mem>>)
      %add3A_902 = arith.constant 2 : i32
      %add3A_903 = arith.addi %scan3A_494, %add3A_902 : i32
      %lt3A = arith.constant 8 : i32
      %lt3A_904 = arith.cmpi slt, %add3A_903, %lt3A : i32
      %convert_element_type3A_905 = arith.extui %lt3A_904 : i1 to i32
      %cond3A_906 = arith.constant 0 : i32
      %cond3A_907 = arith.cmpi ne, %convert_element_type3A_905, %cond3A_906 : i32
      scf.if %cond3A_907 {
        %add3A_908 = arith.constant 2 : i32
        %add3A_909 = arith.addi %scan3A_494, %add3A_908 : i32
        %add3A_910 = arith.constant 2 : i32
        %add3A_911 = arith.addi %scan3A_494, %add3A_910 : i32
        %rem3A_912 = arith.constant 3 : i32
        %rem3A_913 = arith.remsi %add3A_911, %rem3A_912 : i32
        %mul3A_914 = arith.constant 8 : i32
        %mul3A_915 = arith.muli %mul3A_914, %arg0 : i32
        %add3A_916 = arith.addi %mul3A_915, %add3A_909 : i32
        %dma_start3A_917 = arith.constant 0 : i32
        %dma_start3A_918 = arith.constant 0 : i32
        %dma_start3A_919 = tpu.memref_slice %arg4[%rem3A_913, %dma_start3A_917, %dma_start3A_918] : memref<3x8x4096xf32, #tpu.memory_space<vmem>> -> memref<1x8x4096xf32, #tpu.memory_space<vmem>>
        %dma_start3A_920 = tpu.memref_squeeze %dma_start3A_919 : memref<1x8x4096xf32, #tpu.memory_space<vmem>> -> memref<8x4096xf32, #tpu.memory_space<vmem>>
        %dma_start3A_921 = arith.constant 0 : i32
        %dma_start3A_922 = tpu.memref_slice %arg2[%add3A_916, %multiple_of3A, %dma_start3A_921] : memref<16x128x4096xf32, #tpu.memory_space<hbm>> -> memref<1x8x4096xf32, #tpu.memory_space<hbm>>
        %dma_start3A_923 = tpu.memref_squeeze %dma_start3A_922 : memref<1x8x4096xf32, #tpu.memory_space<hbm>> -> memref<8x4096xf32, #tpu.memory_space<hbm>>
        %dma_start3A_924 = tpu.memref_slice %arg5[%rem3A_913] : memref<3x!tpu.dma_semaphore, #tpu.memory_space<semaphore_mem>> -> memref<1x!tpu.dma_semaphore, #tpu.memory_space<semaphore_mem>>
        %dma_start3A_925 = tpu.memref_squeeze %dma_start3A_924 : memref<1x!tpu.dma_semaphore, #tpu.memory_space<semaphore_mem>> -> memref<!tpu.dma_semaphore, #tpu.memory_space<semaphore_mem>>
        %dma_start3A_926 = arith.constant 0 : i32
        %dma_start3A_927 = arith.constant 0 : i32
        %dma_start3A_928 = tpu.memref_slice %arg4[%rem3A_913, %dma_start3A_926, %dma_start3A_927] : memref<3x8x4096xf32, #tpu.memory_space<vmem>> -> memref<1x8x4096xf32, #tpu.memory_space<vmem>>
        %dma_start3A_929 = tpu.memref_squeeze %dma_start3A_928 : memref<1x8x4096xf32, #tpu.memory_space<vmem>> -> memref<8x4096xf32, #tpu.memory_space<vmem>>
        %dma_start3A_930 = arith.constant 0 : i32
        %dma_start3A_931 = tpu.memref_slice %arg2[%add3A_916, %multiple_of3A, %dma_start3A_930] : memref<16x128x4096xf32, #tpu.memory_space<hbm>> -> memref<1x8x4096xf32, #tpu.memory_space<hbm>>
        %dma_start3A_932 = tpu.memref_squeeze %dma_start3A_931 : memref<1x8x4096xf32, #tpu.memory_space<hbm>> -> memref<8x4096xf32, #tpu.memory_space<hbm>>
        tpu.enqueue_dma source(%dma_start3A_932 : memref<8x4096xf32, #tpu.memory_space<hbm>>) target(%dma_start3A_929 : memref<8x4096xf32, #tpu.memory_space<vmem>>) target_semaphore(%dma_start3A_925 : memref<!tpu.dma_semaphore, #tpu.memory_space<semaphore_mem>>)
      } else {
      }
    }
    %scan3A_47 = arith.constant 8 : i32
    %rem3A = arith.constant 7 : i32
    %rem3A_48 = arith.constant 3 : i32
    %rem3A_49 = arith.remsi %rem3A, %rem3A_48 : i32
    %mul3A_50 = arith.constant 8 : i32
    %mul3A_51 = arith.muli %mul3A_50, %arg1 : i32
    %add3A_52 = arith.constant 0 : i32
    %add3A_53 = arith.addi %mul3A_51, %add3A_52 : i32
    %multiple_of3A_54 = tpu.assume_multiple %add3A_53, 8 : i32
    %multiple_of3A_55 = arith.constant 2048 : i32
    %multiple_of3A_56 = tpu.assume_multiple %multiple_of3A_55, 128 : i32
    %mul3A_57 = arith.constant 8 : i32
    %mul3A_58 = arith.muli %mul3A_57, %arg0 : i32
    %add3A_59 = arith.constant 7 : i32
    %add3A_60 = arith.addi %mul3A_58, %add3A_59 : i32
    %dma_wait3A = arith.constant 0 : i32
    %dma_wait3A_61 = tpu.memref_slice %arg4[%rem3A_49, %dma_wait3A, %multiple_of3A_56] : memref<3x8x4096xf32, #tpu.memory_space<vmem>> -> memref<1x8x2048xf32, #tpu.memory_space<vmem>>
    %dma_wait3A_62 = tpu.memref_squeeze %dma_wait3A_61 : memref<1x8x2048xf32, #tpu.memory_space<vmem>> -> memref<8x2048xf32, #tpu.memory_space<vmem>>
    %dma_wait3A_63 = arith.constant 0 : i32
    %dma_wait3A_64 = tpu.memref_slice %arg3[%add3A_60, %multiple_of3A_54, %dma_wait3A_63] : memref<16x2048x2048xf32, #tpu.memory_space<hbm>> -> memref<1x8x2048xf32, #tpu.memory_space<hbm>>
    %dma_wait3A_65 = tpu.memref_squeeze %dma_wait3A_64 : memref<1x8x2048xf32, #tpu.memory_space<hbm>> -> memref<8x2048xf32, #tpu.memory_space<hbm>>
    %dma_wait3A_66 = tpu.memref_slice %arg6[%rem3A_49] : memref<3x!tpu.dma_semaphore, #tpu.memory_space<semaphore_mem>> -> memref<1x!tpu.dma_semaphore, #tpu.memory_space<semaphore_mem>>
    %dma_wait3A_67 = tpu.memref_squeeze %dma_wait3A_66 : memref<1x!tpu.dma_semaphore, #tpu.memory_space<semaphore_mem>> -> memref<!tpu.dma_semaphore, #tpu.memory_space<semaphore_mem>>
    %dma_wait3A_68 = arith.constant 0 : i32
    %dma_wait3A_69 = tpu.memref_slice %arg3[%add3A_60, %multiple_of3A_54, %dma_wait3A_68] : memref<16x2048x2048xf32, #tpu.memory_space<hbm>> -> memref<1x8x2048xf32, #tpu.memory_space<hbm>>
    %dma_wait3A_70 = tpu.memref_squeeze %dma_wait3A_69 : memref<1x8x2048xf32, #tpu.memory_space<hbm>> -> memref<8x2048xf32, #tpu.memory_space<hbm>>
    %dma_wait3A_71 = arith.constant 0 : i32
    %dma_wait3A_72 = tpu.memref_slice %arg4[%rem3A_49, %dma_wait3A_71, %multiple_of3A_56] : memref<3x8x4096xf32, #tpu.memory_space<vmem>> -> memref<1x8x2048xf32, #tpu.memory_space<vmem>>
    %dma_wait3A_73 = tpu.memref_squeeze %dma_wait3A_72 : memref<1x8x2048xf32, #tpu.memory_space<vmem>> -> memref<8x2048xf32, #tpu.memory_space<vmem>>
    tpu.wait_dma2 semaphore(%dma_wait3A_67 : memref<!tpu.dma_semaphore, #tpu.memory_space<semaphore_mem>>) src(%dma_wait3A_73 : memref<8x2048xf32, #tpu.memory_space<vmem>>) dst(%dma_wait3A_70 : memref<8x2048xf32, #tpu.memory_space<hbm>>)
    %rem3A_74 = arith.constant 7 : i32
    %rem3A_75 = arith.constant 3 : i32
    %rem3A_76 = arith.remsi %rem3A_74, %rem3A_75 : i32
    %mul3A_77 = arith.constant 8 : i32
    %mul3A_78 = arith.muli %mul3A_77, %arg1 : i32
    %add3A_79 = arith.constant 128 : i32
    %add3A_80 = arith.addi %mul3A_78, %add3A_79 : i32
    %multiple_of3A_81 = tpu.assume_multiple %add3A_80, 8 : i32
    %multiple_of3A_82 = arith.constant 1920 : i32
    %multiple_of3A_83 = tpu.assume_multiple %multiple_of3A_82, 128 : i32
    %mul3A_84 = arith.constant 8 : i32
    %mul3A_85 = arith.muli %mul3A_84, %arg0 : i32
    %add3A_86 = arith.constant 7 : i32
    %add3A_87 = arith.addi %mul3A_85, %add3A_86 : i32
    %dma_wait3A_88 = arith.constant 0 : i32
    %dma_wait3A_89 = tpu.memref_slice %arg4[%rem3A_76, %dma_wait3A_88, %multiple_of3A_83] : memref<3x8x4096xf32, #tpu.memory_space<vmem>> -> memref<1x8x2048xf32, #tpu.memory_space<vmem>>
    %dma_wait3A_90 = tpu.memref_squeeze %dma_wait3A_89 : memref<1x8x2048xf32, #tpu.memory_space<vmem>> -> memref<8x2048xf32, #tpu.memory_space<vmem>>
    %dma_wait3A_91 = arith.constant 0 : i32
    %dma_wait3A_92 = tpu.memref_slice %arg3[%add3A_87, %multiple_of3A_81, %dma_wait3A_91] : memref<16x2048x2048xf32, #tpu.memory_space<hbm>> -> memref<1x8x2048xf32, #tpu.memory_space<hbm>>
    %dma_wait3A_93 = tpu.memref_squeeze %dma_wait3A_92 : memref<1x8x2048xf32, #tpu.memory_space<hbm>> -> memref<8x2048xf32, #tpu.memory_space<hbm>>
    %dma_wait3A_94 = tpu.memref_slice %arg6[%rem3A_76] : memref<3x!tpu.dma_semaphore, #tpu.memory_space<semaphore_mem>> -> memref<1x!tpu.dma_semaphore, #tpu.memory_space<semaphore_mem>>
    %dma_wait3A_95 = tpu.memref_squeeze %dma_wait3A_94 : memref<1x!tpu.dma_semaphore, #tpu.memory_space<semaphore_mem>> -> memref<!tpu.dma_semaphore, #tpu.memory_space<semaphore_mem>>
    %dma_wait3A_96 = arith.constant 0 : i32
    %dma_wait3A_97 = tpu.memref_slice %arg3[%add3A_87, %multiple_of3A_81, %dma_wait3A_96] : memref<16x2048x2048xf32, #tpu.memory_space<hbm>> -> memref<1x8x2048xf32, #tpu.memory_space<hbm>>
    %dma_wait3A_98 = tpu.memref_squeeze %dma_wait3A_97 : memref<1x8x2048xf32, #tpu.memory_space<hbm>> -> memref<8x2048xf32, #tpu.memory_space<hbm>>
    %dma_wait3A_99 = arith.constant 0 : i32
    %dma_wait3A_100 = tpu.memref_slice %arg4[%rem3A_76, %dma_wait3A_99, %multiple_of3A_83] : memref<3x8x4096xf32, #tpu.memory_space<vmem>> -> memref<1x8x2048xf32, #tpu.memory_space<vmem>>
    %dma_wait3A_101 = tpu.memref_squeeze %dma_wait3A_100 : memref<1x8x2048xf32, #tpu.memory_space<vmem>> -> memref<8x2048xf32, #tpu.memory_space<vmem>>
    tpu.wait_dma2 semaphore(%dma_wait3A_95 : memref<!tpu.dma_semaphore, #tpu.memory_space<semaphore_mem>>) src(%dma_wait3A_101 : memref<8x2048xf32, #tpu.memory_space<vmem>>) dst(%dma_wait3A_98 : memref<8x2048xf32, #tpu.memory_space<hbm>>)
    %rem3A_102 = arith.constant 7 : i32
    %rem3A_103 = arith.constant 3 : i32
    %rem3A_104 = arith.remsi %rem3A_102, %rem3A_103 : i32
    %mul3A_105 = arith.constant 8 : i32
    %mul3A_106 = arith.muli %mul3A_105, %arg1 : i32
    %add3A_107 = arith.constant 256 : i32
    %add3A_108 = arith.addi %mul3A_106, %add3A_107 : i32
    %multiple_of3A_109 = tpu.assume_multiple %add3A_108, 8 : i32
    %multiple_of3A_110 = arith.constant 1792 : i32
    %multiple_of3A_111 = tpu.assume_multiple %multiple_of3A_110, 128 : i32
    %mul3A_112 = arith.constant 8 : i32
    %mul3A_113 = arith.muli %mul3A_112, %arg0 : i32
    %add3A_114 = arith.constant 7 : i32
    %add3A_115 = arith.addi %mul3A_113, %add3A_114 : i32
    %dma_wait3A_116 = arith.constant 0 : i32
    %dma_wait3A_117 = tpu.memref_slice %arg4[%rem3A_104, %dma_wait3A_116, %multiple_of3A_111] : memref<3x8x4096xf32, #tpu.memory_space<vmem>> -> memref<1x8x2048xf32, #tpu.memory_space<vmem>>
    %dma_wait3A_118 = tpu.memref_squeeze %dma_wait3A_117 : memref<1x8x2048xf32, #tpu.memory_space<vmem>> -> memref<8x2048xf32, #tpu.memory_space<vmem>>
    %dma_wait3A_119 = arith.constant 0 : i32
    %dma_wait3A_120 = tpu.memref_slice %arg3[%add3A_115, %multiple_of3A_109, %dma_wait3A_119] : memref<16x2048x2048xf32, #tpu.memory_space<hbm>> -> memref<1x8x2048xf32, #tpu.memory_space<hbm>>
    %dma_wait3A_121 = tpu.memref_squeeze %dma_wait3A_120 : memref<1x8x2048xf32, #tpu.memory_space<hbm>> -> memref<8x2048xf32, #tpu.memory_space<hbm>>
    %dma_wait3A_122 = tpu.memref_slice %arg6[%rem3A_104] : memref<3x!tpu.dma_semaphore, #tpu.memory_space<semaphore_mem>> -> memref<1x!tpu.dma_semaphore, #tpu.memory_space<semaphore_mem>>
    %dma_wait3A_123 = tpu.memref_squeeze %dma_wait3A_122 : memref<1x!tpu.dma_semaphore, #tpu.memory_space<semaphore_mem>> -> memref<!tpu.dma_semaphore, #tpu.memory_space<semaphore_mem>>
    %dma_wait3A_124 = arith.constant 0 : i32
    %dma_wait3A_125 = tpu.memref_slice %arg3[%add3A_115, %multiple_of3A_109, %dma_wait3A_124] : memref<16x2048x2048xf32, #tpu.memory_space<hbm>> -> memref<1x8x2048xf32, #tpu.memory_space<hbm>>
    %dma_wait3A_126 = tpu.memref_squeeze %dma_wait3A_125 : memref<1x8x2048xf32, #tpu.memory_space<hbm>> -> memref<8x2048xf32, #tpu.memory_space<hbm>>
    %dma_wait3A_127 = arith.constant 0 : i32
    %dma_wait3A_128 = tpu.memref_slice %arg4[%rem3A_104, %dma_wait3A_127, %multiple_of3A_111] : memref<3x8x4096xf32, #tpu.memory_space<vmem>> -> memref<1x8x2048xf32, #tpu.memory_space<vmem>>
    %dma_wait3A_129 = tpu.memref_squeeze %dma_wait3A_128 : memref<1x8x2048xf32, #tpu.memory_space<vmem>> -> memref<8x2048xf32, #tpu.memory_space<vmem>>
    tpu.wait_dma2 semaphore(%dma_wait3A_123 : memref<!tpu.dma_semaphore, #tpu.memory_space<semaphore_mem>>) src(%dma_wait3A_129 : memref<8x2048xf32, #tpu.memory_space<vmem>>) dst(%dma_wait3A_126 : memref<8x2048xf32, #tpu.memory_space<hbm>>)
    %rem3A_130 = arith.constant 7 : i32
    %rem3A_131 = arith.constant 3 : i32
    %rem3A_132 = arith.remsi %rem3A_130, %rem3A_131 : i32
    %mul3A_133 = arith.constant 8 : i32
    %mul3A_134 = arith.muli %mul3A_133, %arg1 : i32
    %add3A_135 = arith.constant 384 : i32
    %add3A_136 = arith.addi %mul3A_134, %add3A_135 : i32
    %multiple_of3A_137 = tpu.assume_multiple %add3A_136, 8 : i32
    %multiple_of3A_138 = arith.constant 1664 : i32
    %multiple_of3A_139 = tpu.assume_multiple %multiple_of3A_138, 128 : i32
    %mul3A_140 = arith.constant 8 : i32
    %mul3A_141 = arith.muli %mul3A_140, %arg0 : i32
    %add3A_142 = arith.constant 7 : i32
    %add3A_143 = arith.addi %mul3A_141, %add3A_142 : i32
    %dma_wait3A_144 = arith.constant 0 : i32
    %dma_wait3A_145 = tpu.memref_slice %arg4[%rem3A_132, %dma_wait3A_144, %multiple_of3A_139] : memref<3x8x4096xf32, #tpu.memory_space<vmem>> -> memref<1x8x2048xf32, #tpu.memory_space<vmem>>
    %dma_wait3A_146 = tpu.memref_squeeze %dma_wait3A_145 : memref<1x8x2048xf32, #tpu.memory_space<vmem>> -> memref<8x2048xf32, #tpu.memory_space<vmem>>
    %dma_wait3A_147 = arith.constant 0 : i32
    %dma_wait3A_148 = tpu.memref_slice %arg3[%add3A_143, %multiple_of3A_137, %dma_wait3A_147] : memref<16x2048x2048xf32, #tpu.memory_space<hbm>> -> memref<1x8x2048xf32, #tpu.memory_space<hbm>>
    %dma_wait3A_149 = tpu.memref_squeeze %dma_wait3A_148 : memref<1x8x2048xf32, #tpu.memory_space<hbm>> -> memref<8x2048xf32, #tpu.memory_space<hbm>>
    %dma_wait3A_150 = tpu.memref_slice %arg6[%rem3A_132] : memref<3x!tpu.dma_semaphore, #tpu.memory_space<semaphore_mem>> -> memref<1x!tpu.dma_semaphore, #tpu.memory_space<semaphore_mem>>
    %dma_wait3A_151 = tpu.memref_squeeze %dma_wait3A_150 : memref<1x!tpu.dma_semaphore, #tpu.memory_space<semaphore_mem>> -> memref<!tpu.dma_semaphore, #tpu.memory_space<semaphore_mem>>
    %dma_wait3A_152 = arith.constant 0 : i32
    %dma_wait3A_153 = tpu.memref_slice %arg3[%add3A_143, %multiple_of3A_137, %dma_wait3A_152] : memref<16x2048x2048xf32, #tpu.memory_space<hbm>> -> memref<1x8x2048xf32, #tpu.memory_space<hbm>>
    %dma_wait3A_154 = tpu.memref_squeeze %dma_wait3A_153 : memref<1x8x2048xf32, #tpu.memory_space<hbm>> -> memref<8x2048xf32, #tpu.memory_space<hbm>>
    %dma_wait3A_155 = arith.constant 0 : i32
    %dma_wait3A_156 = tpu.memref_slice %arg4[%rem3A_132, %dma_wait3A_155, %multiple_of3A_139] : memref<3x8x4096xf32, #tpu.memory_space<vmem>> -> memref<1x8x2048xf32, #tpu.memory_space<vmem>>
    %dma_wait3A_157 = tpu.memref_squeeze %dma_wait3A_156 : memref<1x8x2048xf32, #tpu.memory_space<vmem>> -> memref<8x2048xf32, #tpu.memory_space<vmem>>
    tpu.wait_dma2 semaphore(%dma_wait3A_151 : memref<!tpu.dma_semaphore, #tpu.memory_space<semaphore_mem>>) src(%dma_wait3A_157 : memref<8x2048xf32, #tpu.memory_space<vmem>>) dst(%dma_wait3A_154 : memref<8x2048xf32, #tpu.memory_space<hbm>>)
    %rem3A_158 = arith.constant 7 : i32
    %rem3A_159 = arith.constant 3 : i32
    %rem3A_160 = arith.remsi %rem3A_158, %rem3A_159 : i32
    %mul3A_161 = arith.constant 8 : i32
    %mul3A_162 = arith.muli %mul3A_161, %arg1 : i32
    %add3A_163 = arith.constant 512 : i32
    %add3A_164 = arith.addi %mul3A_162, %add3A_163 : i32
    %multiple_of3A_165 = tpu.assume_multiple %add3A_164, 8 : i32
    %multiple_of3A_166 = arith.constant 1536 : i32
    %multiple_of3A_167 = tpu.assume_multiple %multiple_of3A_166, 128 : i32
    %mul3A_168 = arith.constant 8 : i32
    %mul3A_169 = arith.muli %mul3A_168, %arg0 : i32
    %add3A_170 = arith.constant 7 : i32
    %add3A_171 = arith.addi %mul3A_169, %add3A_170 : i32
    %dma_wait3A_172 = arith.constant 0 : i32
    %dma_wait3A_173 = tpu.memref_slice %arg4[%rem3A_160, %dma_wait3A_172, %multiple_of3A_167] : memref<3x8x4096xf32, #tpu.memory_space<vmem>> -> memref<1x8x2048xf32, #tpu.memory_space<vmem>>
    %dma_wait3A_174 = tpu.memref_squeeze %dma_wait3A_173 : memref<1x8x2048xf32, #tpu.memory_space<vmem>> -> memref<8x2048xf32, #tpu.memory_space<vmem>>
    %dma_wait3A_175 = arith.constant 0 : i32
    %dma_wait3A_176 = tpu.memref_slice %arg3[%add3A_171, %multiple_of3A_165, %dma_wait3A_175] : memref<16x2048x2048xf32, #tpu.memory_space<hbm>> -> memref<1x8x2048xf32, #tpu.memory_space<hbm>>
    %dma_wait3A_177 = tpu.memref_squeeze %dma_wait3A_176 : memref<1x8x2048xf32, #tpu.memory_space<hbm>> -> memref<8x2048xf32, #tpu.memory_space<hbm>>
    %dma_wait3A_178 = tpu.memref_slice %arg6[%rem3A_160] : memref<3x!tpu.dma_semaphore, #tpu.memory_space<semaphore_mem>> -> memref<1x!tpu.dma_semaphore, #tpu.memory_space<semaphore_mem>>
    %dma_wait3A_179 = tpu.memref_squeeze %dma_wait3A_178 : memref<1x!tpu.dma_semaphore, #tpu.memory_space<semaphore_mem>> -> memref<!tpu.dma_semaphore, #tpu.memory_space<semaphore_mem>>
    %dma_wait3A_180 = arith.constant 0 : i32
    %dma_wait3A_181 = tpu.memref_slice %arg3[%add3A_171, %multiple_of3A_165, %dma_wait3A_180] : memref<16x2048x2048xf32, #tpu.memory_space<hbm>> -> memref<1x8x2048xf32, #tpu.memory_space<hbm>>
    %dma_wait3A_182 = tpu.memref_squeeze %dma_wait3A_181 : memref<1x8x2048xf32, #tpu.memory_space<hbm>> -> memref<8x2048xf32, #tpu.memory_space<hbm>>
    %dma_wait3A_183 = arith.constant 0 : i32
    %dma_wait3A_184 = tpu.memref_slice %arg4[%rem3A_160, %dma_wait3A_183, %multiple_of3A_167] : memref<3x8x4096xf32, #tpu.memory_space<vmem>> -> memref<1x8x2048xf32, #tpu.memory_space<vmem>>
    %dma_wait3A_185 = tpu.memref_squeeze %dma_wait3A_184 : memref<1x8x2048xf32, #tpu.memory_space<vmem>> -> memref<8x2048xf32, #tpu.memory_space<vmem>>
    tpu.wait_dma2 semaphore(%dma_wait3A_179 : memref<!tpu.dma_semaphore, #tpu.memory_space<semaphore_mem>>) src(%dma_wait3A_185 : memref<8x2048xf32, #tpu.memory_space<vmem>>) dst(%dma_wait3A_182 : memref<8x2048xf32, #tpu.memory_space<hbm>>)
    %rem3A_186 = arith.constant 7 : i32
    %rem3A_187 = arith.constant 3 : i32
    %rem3A_188 = arith.remsi %rem3A_186, %rem3A_187 : i32
    %mul3A_189 = arith.constant 8 : i32
    %mul3A_190 = arith.muli %mul3A_189, %arg1 : i32
    %add3A_191 = arith.constant 640 : i32
    %add3A_192 = arith.addi %mul3A_190, %add3A_191 : i32
    %multiple_of3A_193 = tpu.assume_multiple %add3A_192, 8 : i32
    %multiple_of3A_194 = arith.constant 1408 : i32
    %multiple_of3A_195 = tpu.assume_multiple %multiple_of3A_194, 128 : i32
    %mul3A_196 = arith.constant 8 : i32
    %mul3A_197 = arith.muli %mul3A_196, %arg0 : i32
    %add3A_198 = arith.constant 7 : i32
    %add3A_199 = arith.addi %mul3A_197, %add3A_198 : i32
    %dma_wait3A_200 = arith.constant 0 : i32
    %dma_wait3A_201 = tpu.memref_slice %arg4[%rem3A_188, %dma_wait3A_200, %multiple_of3A_195] : memref<3x8x4096xf32, #tpu.memory_space<vmem>> -> memref<1x8x2048xf32, #tpu.memory_space<vmem>>
    %dma_wait3A_202 = tpu.memref_squeeze %dma_wait3A_201 : memref<1x8x2048xf32, #tpu.memory_space<vmem>> -> memref<8x2048xf32, #tpu.memory_space<vmem>>
    %dma_wait3A_203 = arith.constant 0 : i32
    %dma_wait3A_204 = tpu.memref_slice %arg3[%add3A_199, %multiple_of3A_193, %dma_wait3A_203] : memref<16x2048x2048xf32, #tpu.memory_space<hbm>> -> memref<1x8x2048xf32, #tpu.memory_space<hbm>>
    %dma_wait3A_205 = tpu.memref_squeeze %dma_wait3A_204 : memref<1x8x2048xf32, #tpu.memory_space<hbm>> -> memref<8x2048xf32, #tpu.memory_space<hbm>>
    %dma_wait3A_206 = tpu.memref_slice %arg6[%rem3A_188] : memref<3x!tpu.dma_semaphore, #tpu.memory_space<semaphore_mem>> -> memref<1x!tpu.dma_semaphore, #tpu.memory_space<semaphore_mem>>
    %dma_wait3A_207 = tpu.memref_squeeze %dma_wait3A_206 : memref<1x!tpu.dma_semaphore, #tpu.memory_space<semaphore_mem>> -> memref<!tpu.dma_semaphore, #tpu.memory_space<semaphore_mem>>
    %dma_wait3A_208 = arith.constant 0 : i32
    %dma_wait3A_209 = tpu.memref_slice %arg3[%add3A_199, %multiple_of3A_193, %dma_wait3A_208] : memref<16x2048x2048xf32, #tpu.memory_space<hbm>> -> memref<1x8x2048xf32, #tpu.memory_space<hbm>>
    %dma_wait3A_210 = tpu.memref_squeeze %dma_wait3A_209 : memref<1x8x2048xf32, #tpu.memory_space<hbm>> -> memref<8x2048xf32, #tpu.memory_space<hbm>>
    %dma_wait3A_211 = arith.constant 0 : i32
    %dma_wait3A_212 = tpu.memref_slice %arg4[%rem3A_188, %dma_wait3A_211, %multiple_of3A_195] : memref<3x8x4096xf32, #tpu.memory_space<vmem>> -> memref<1x8x2048xf32, #tpu.memory_space<vmem>>
    %dma_wait3A_213 = tpu.memref_squeeze %dma_wait3A_212 : memref<1x8x2048xf32, #tpu.memory_space<vmem>> -> memref<8x2048xf32, #tpu.memory_space<vmem>>
    tpu.wait_dma2 semaphore(%dma_wait3A_207 : memref<!tpu.dma_semaphore, #tpu.memory_space<semaphore_mem>>) src(%dma_wait3A_213 : memref<8x2048xf32, #tpu.memory_space<vmem>>) dst(%dma_wait3A_210 : memref<8x2048xf32, #tpu.memory_space<hbm>>)
    %rem3A_214 = arith.constant 7 : i32
    %rem3A_215 = arith.constant 3 : i32
    %rem3A_216 = arith.remsi %rem3A_214, %rem3A_215 : i32
    %mul3A_217 = arith.constant 8 : i32
    %mul3A_218 = arith.muli %mul3A_217, %arg1 : i32
    %add3A_219 = arith.constant 768 : i32
    %add3A_220 = arith.addi %mul3A_218, %add3A_219 : i32
    %multiple_of3A_221 = tpu.assume_multiple %add3A_220, 8 : i32
    %multiple_of3A_222 = arith.constant 1280 : i32
    %multiple_of3A_223 = tpu.assume_multiple %multiple_of3A_222, 128 : i32
    %mul3A_224 = arith.constant 8 : i32
    %mul3A_225 = arith.muli %mul3A_224, %arg0 : i32
    %add3A_226 = arith.constant 7 : i32
    %add3A_227 = arith.addi %mul3A_225, %add3A_226 : i32
    %dma_wait3A_228 = arith.constant 0 : i32
    %dma_wait3A_229 = tpu.memref_slice %arg4[%rem3A_216, %dma_wait3A_228, %multiple_of3A_223] : memref<3x8x4096xf32, #tpu.memory_space<vmem>> -> memref<1x8x2048xf32, #tpu.memory_space<vmem>>
    %dma_wait3A_230 = tpu.memref_squeeze %dma_wait3A_229 : memref<1x8x2048xf32, #tpu.memory_space<vmem>> -> memref<8x2048xf32, #tpu.memory_space<vmem>>
    %dma_wait3A_231 = arith.constant 0 : i32
    %dma_wait3A_232 = tpu.memref_slice %arg3[%add3A_227, %multiple_of3A_221, %dma_wait3A_231] : memref<16x2048x2048xf32, #tpu.memory_space<hbm>> -> memref<1x8x2048xf32, #tpu.memory_space<hbm>>
    %dma_wait3A_233 = tpu.memref_squeeze %dma_wait3A_232 : memref<1x8x2048xf32, #tpu.memory_space<hbm>> -> memref<8x2048xf32, #tpu.memory_space<hbm>>
    %dma_wait3A_234 = tpu.memref_slice %arg6[%rem3A_216] : memref<3x!tpu.dma_semaphore, #tpu.memory_space<semaphore_mem>> -> memref<1x!tpu.dma_semaphore, #tpu.memory_space<semaphore_mem>>
    %dma_wait3A_235 = tpu.memref_squeeze %dma_wait3A_234 : memref<1x!tpu.dma_semaphore, #tpu.memory_space<semaphore_mem>> -> memref<!tpu.dma_semaphore, #tpu.memory_space<semaphore_mem>>
    %dma_wait3A_236 = arith.constant 0 : i32
    %dma_wait3A_237 = tpu.memref_slice %arg3[%add3A_227, %multiple_of3A_221, %dma_wait3A_236] : memref<16x2048x2048xf32, #tpu.memory_space<hbm>> -> memref<1x8x2048xf32, #tpu.memory_space<hbm>>
    %dma_wait3A_238 = tpu.memref_squeeze %dma_wait3A_237 : memref<1x8x2048xf32, #tpu.memory_space<hbm>> -> memref<8x2048xf32, #tpu.memory_space<hbm>>
    %dma_wait3A_239 = arith.constant 0 : i32
    %dma_wait3A_240 = tpu.memref_slice %arg4[%rem3A_216, %dma_wait3A_239, %multiple_of3A_223] : memref<3x8x4096xf32, #tpu.memory_space<vmem>> -> memref<1x8x2048xf32, #tpu.memory_space<vmem>>
    %dma_wait3A_241 = tpu.memref_squeeze %dma_wait3A_240 : memref<1x8x2048xf32, #tpu.memory_space<vmem>> -> memref<8x2048xf32, #tpu.memory_space<vmem>>
    tpu.wait_dma2 semaphore(%dma_wait3A_235 : memref<!tpu.dma_semaphore, #tpu.memory_space<semaphore_mem>>) src(%dma_wait3A_241 : memref<8x2048xf32, #tpu.memory_space<vmem>>) dst(%dma_wait3A_238 : memref<8x2048xf32, #tpu.memory_space<hbm>>)
    %rem3A_242 = arith.constant 7 : i32
    %rem3A_243 = arith.constant 3 : i32
    %rem3A_244 = arith.remsi %rem3A_242, %rem3A_243 : i32
    %mul3A_245 = arith.constant 8 : i32
    %mul3A_246 = arith.muli %mul3A_245, %arg1 : i32
    %add3A_247 = arith.constant 896 : i32
    %add3A_248 = arith.addi %mul3A_246, %add3A_247 : i32
    %multiple_of3A_249 = tpu.assume_multiple %add3A_248, 8 : i32
    %multiple_of3A_250 = arith.constant 1152 : i32
    %multiple_of3A_251 = tpu.assume_multiple %multiple_of3A_250, 128 : i32
    %mul3A_252 = arith.constant 8 : i32
    %mul3A_253 = arith.muli %mul3A_252, %arg0 : i32
    %add3A_254 = arith.constant 7 : i32
    %add3A_255 = arith.addi %mul3A_253, %add3A_254 : i32
    %dma_wait3A_256 = arith.constant 0 : i32
    %dma_wait3A_257 = tpu.memref_slice %arg4[%rem3A_244, %dma_wait3A_256, %multiple_of3A_251] : memref<3x8x4096xf32, #tpu.memory_space<vmem>> -> memref<1x8x2048xf32, #tpu.memory_space<vmem>>
    %dma_wait3A_258 = tpu.memref_squeeze %dma_wait3A_257 : memref<1x8x2048xf32, #tpu.memory_space<vmem>> -> memref<8x2048xf32, #tpu.memory_space<vmem>>
    %dma_wait3A_259 = arith.constant 0 : i32
    %dma_wait3A_260 = tpu.memref_slice %arg3[%add3A_255, %multiple_of3A_249, %dma_wait3A_259] : memref<16x2048x2048xf32, #tpu.memory_space<hbm>> -> memref<1x8x2048xf32, #tpu.memory_space<hbm>>
    %dma_wait3A_261 = tpu.memref_squeeze %dma_wait3A_260 : memref<1x8x2048xf32, #tpu.memory_space<hbm>> -> memref<8x2048xf32, #tpu.memory_space<hbm>>
    %dma_wait3A_262 = tpu.memref_slice %arg6[%rem3A_244] : memref<3x!tpu.dma_semaphore, #tpu.memory_space<semaphore_mem>> -> memref<1x!tpu.dma_semaphore, #tpu.memory_space<semaphore_mem>>
    %dma_wait3A_263 = tpu.memref_squeeze %dma_wait3A_262 : memref<1x!tpu.dma_semaphore, #tpu.memory_space<semaphore_mem>> -> memref<!tpu.dma_semaphore, #tpu.memory_space<semaphore_mem>>
    %dma_wait3A_264 = arith.constant 0 : i32
    %dma_wait3A_265 = tpu.memref_slice %arg3[%add3A_255, %multiple_of3A_249, %dma_wait3A_264] : memref<16x2048x2048xf32, #tpu.memory_space<hbm>> -> memref<1x8x2048xf32, #tpu.memory_space<hbm>>
    %dma_wait3A_266 = tpu.memref_squeeze %dma_wait3A_265 : memref<1x8x2048xf32, #tpu.memory_space<hbm>> -> memref<8x2048xf32, #tpu.memory_space<hbm>>
    %dma_wait3A_267 = arith.constant 0 : i32
    %dma_wait3A_268 = tpu.memref_slice %arg4[%rem3A_244, %dma_wait3A_267, %multiple_of3A_251] : memref<3x8x4096xf32, #tpu.memory_space<vmem>> -> memref<1x8x2048xf32, #tpu.memory_space<vmem>>
    %dma_wait3A_269 = tpu.memref_squeeze %dma_wait3A_268 : memref<1x8x2048xf32, #tpu.memory_space<vmem>> -> memref<8x2048xf32, #tpu.memory_space<vmem>>
    tpu.wait_dma2 semaphore(%dma_wait3A_263 : memref<!tpu.dma_semaphore, #tpu.memory_space<semaphore_mem>>) src(%dma_wait3A_269 : memref<8x2048xf32, #tpu.memory_space<vmem>>) dst(%dma_wait3A_266 : memref<8x2048xf32, #tpu.memory_space<hbm>>)
    %rem3A_270 = arith.constant 7 : i32
    %rem3A_271 = arith.constant 3 : i32
    %rem3A_272 = arith.remsi %rem3A_270, %rem3A_271 : i32
    %mul3A_273 = arith.constant 8 : i32
    %mul3A_274 = arith.muli %mul3A_273, %arg1 : i32
    %add3A_275 = arith.constant 1024 : i32
    %add3A_276 = arith.addi %mul3A_274, %add3A_275 : i32
    %multiple_of3A_277 = tpu.assume_multiple %add3A_276, 8 : i32
    %multiple_of3A_278 = arith.constant 1024 : i32
    %multiple_of3A_279 = tpu.assume_multiple %multiple_of3A_278, 128 : i32
    %mul3A_280 = arith.constant 8 : i32
    %mul3A_281 = arith.muli %mul3A_280, %arg0 : i32
    %add3A_282 = arith.constant 7 : i32
    %add3A_283 = arith.addi %mul3A_281, %add3A_282 : i32
    %dma_wait3A_284 = arith.constant 0 : i32
    %dma_wait3A_285 = tpu.memref_slice %arg4[%rem3A_272, %dma_wait3A_284, %multiple_of3A_279] : memref<3x8x4096xf32, #tpu.memory_space<vmem>> -> memref<1x8x2048xf32, #tpu.memory_space<vmem>>
    %dma_wait3A_286 = tpu.memref_squeeze %dma_wait3A_285 : memref<1x8x2048xf32, #tpu.memory_space<vmem>> -> memref<8x2048xf32, #tpu.memory_space<vmem>>
    %dma_wait3A_287 = arith.constant 0 : i32
    %dma_wait3A_288 = tpu.memref_slice %arg3[%add3A_283, %multiple_of3A_277, %dma_wait3A_287] : memref<16x2048x2048xf32, #tpu.memory_space<hbm>> -> memref<1x8x2048xf32, #tpu.memory_space<hbm>>
    %dma_wait3A_289 = tpu.memref_squeeze %dma_wait3A_288 : memref<1x8x2048xf32, #tpu.memory_space<hbm>> -> memref<8x2048xf32, #tpu.memory_space<hbm>>
    %dma_wait3A_290 = tpu.memref_slice %arg6[%rem3A_272] : memref<3x!tpu.dma_semaphore, #tpu.memory_space<semaphore_mem>> -> memref<1x!tpu.dma_semaphore, #tpu.memory_space<semaphore_mem>>
    %dma_wait3A_291 = tpu.memref_squeeze %dma_wait3A_290 : memref<1x!tpu.dma_semaphore, #tpu.memory_space<semaphore_mem>> -> memref<!tpu.dma_semaphore, #tpu.memory_space<semaphore_mem>>
    %dma_wait3A_292 = arith.constant 0 : i32
    %dma_wait3A_293 = tpu.memref_slice %arg3[%add3A_283, %multiple_of3A_277, %dma_wait3A_292] : memref<16x2048x2048xf32, #tpu.memory_space<hbm>> -> memref<1x8x2048xf32, #tpu.memory_space<hbm>>
    %dma_wait3A_294 = tpu.memref_squeeze %dma_wait3A_293 : memref<1x8x2048xf32, #tpu.memory_space<hbm>> -> memref<8x2048xf32, #tpu.memory_space<hbm>>
    %dma_wait3A_295 = arith.constant 0 : i32
    %dma_wait3A_296 = tpu.memref_slice %arg4[%rem3A_272, %dma_wait3A_295, %multiple_of3A_279] : memref<3x8x4096xf32, #tpu.memory_space<vmem>> -> memref<1x8x2048xf32, #tpu.memory_space<vmem>>
    %dma_wait3A_297 = tpu.memref_squeeze %dma_wait3A_296 : memref<1x8x2048xf32, #tpu.memory_space<vmem>> -> memref<8x2048xf32, #tpu.memory_space<vmem>>
    tpu.wait_dma2 semaphore(%dma_wait3A_291 : memref<!tpu.dma_semaphore, #tpu.memory_space<semaphore_mem>>) src(%dma_wait3A_297 : memref<8x2048xf32, #tpu.memory_space<vmem>>) dst(%dma_wait3A_294 : memref<8x2048xf32, #tpu.memory_space<hbm>>)
    %rem3A_298 = arith.constant 7 : i32
    %rem3A_299 = arith.constant 3 : i32
    %rem3A_300 = arith.remsi %rem3A_298, %rem3A_299 : i32
    %mul3A_301 = arith.constant 8 : i32
    %mul3A_302 = arith.muli %mul3A_301, %arg1 : i32
    %add3A_303 = arith.constant 1152 : i32
    %add3A_304 = arith.addi %mul3A_302, %add3A_303 : i32
    %multiple_of3A_305 = tpu.assume_multiple %add3A_304, 8 : i32
    %multiple_of3A_306 = arith.constant 896 : i32
    %multiple_of3A_307 = tpu.assume_multiple %multiple_of3A_306, 128 : i32
    %mul3A_308 = arith.constant 8 : i32
    %mul3A_309 = arith.muli %mul3A_308, %arg0 : i32
    %add3A_310 = arith.constant 7 : i32
    %add3A_311 = arith.addi %mul3A_309, %add3A_310 : i32
    %dma_wait3A_312 = arith.constant 0 : i32
    %dma_wait3A_313 = tpu.memref_slice %arg4[%rem3A_300, %dma_wait3A_312, %multiple_of3A_307] : memref<3x8x4096xf32, #tpu.memory_space<vmem>> -> memref<1x8x2048xf32, #tpu.memory_space<vmem>>
    %dma_wait3A_314 = tpu.memref_squeeze %dma_wait3A_313 : memref<1x8x2048xf32, #tpu.memory_space<vmem>> -> memref<8x2048xf32, #tpu.memory_space<vmem>>
    %dma_wait3A_315 = arith.constant 0 : i32
    %dma_wait3A_316 = tpu.memref_slice %arg3[%add3A_311, %multiple_of3A_305, %dma_wait3A_315] : memref<16x2048x2048xf32, #tpu.memory_space<hbm>> -> memref<1x8x2048xf32, #tpu.memory_space<hbm>>
    %dma_wait3A_317 = tpu.memref_squeeze %dma_wait3A_316 : memref<1x8x2048xf32, #tpu.memory_space<hbm>> -> memref<8x2048xf32, #tpu.memory_space<hbm>>
    %dma_wait3A_318 = tpu.memref_slice %arg6[%rem3A_300] : memref<3x!tpu.dma_semaphore, #tpu.memory_space<semaphore_mem>> -> memref<1x!tpu.dma_semaphore, #tpu.memory_space<semaphore_mem>>
    %dma_wait3A_319 = tpu.memref_squeeze %dma_wait3A_318 : memref<1x!tpu.dma_semaphore, #tpu.memory_space<semaphore_mem>> -> memref<!tpu.dma_semaphore, #tpu.memory_space<semaphore_mem>>
    %dma_wait3A_320 = arith.constant 0 : i32
    %dma_wait3A_321 = tpu.memref_slice %arg3[%add3A_311, %multiple_of3A_305, %dma_wait3A_320] : memref<16x2048x2048xf32, #tpu.memory_space<hbm>> -> memref<1x8x2048xf32, #tpu.memory_space<hbm>>
    %dma_wait3A_322 = tpu.memref_squeeze %dma_wait3A_321 : memref<1x8x2048xf32, #tpu.memory_space<hbm>> -> memref<8x2048xf32, #tpu.memory_space<hbm>>
    %dma_wait3A_323 = arith.constant 0 : i32
    %dma_wait3A_324 = tpu.memref_slice %arg4[%rem3A_300, %dma_wait3A_323, %multiple_of3A_307] : memref<3x8x4096xf32, #tpu.memory_space<vmem>> -> memref<1x8x2048xf32, #tpu.memory_space<vmem>>
    %dma_wait3A_325 = tpu.memref_squeeze %dma_wait3A_324 : memref<1x8x2048xf32, #tpu.memory_space<vmem>> -> memref<8x2048xf32, #tpu.memory_space<vmem>>
    tpu.wait_dma2 semaphore(%dma_wait3A_319 : memref<!tpu.dma_semaphore, #tpu.memory_space<semaphore_mem>>) src(%dma_wait3A_325 : memref<8x2048xf32, #tpu.memory_space<vmem>>) dst(%dma_wait3A_322 : memref<8x2048xf32, #tpu.memory_space<hbm>>)
    %rem3A_326 = arith.constant 7 : i32
    %rem3A_327 = arith.constant 3 : i32
    %rem3A_328 = arith.remsi %rem3A_326, %rem3A_327 : i32
    %mul3A_329 = arith.constant 8 : i32
    %mul3A_330 = arith.muli %mul3A_329, %arg1 : i32
    %add3A_331 = arith.constant 1280 : i32
    %add3A_332 = arith.addi %mul3A_330, %add3A_331 : i32
    %multiple_of3A_333 = tpu.assume_multiple %add3A_332, 8 : i32
    %multiple_of3A_334 = arith.constant 768 : i32
    %multiple_of3A_335 = tpu.assume_multiple %multiple_of3A_334, 128 : i32
    %mul3A_336 = arith.constant 8 : i32
    %mul3A_337 = arith.muli %mul3A_336, %arg0 : i32
    %add3A_338 = arith.constant 7 : i32
    %add3A_339 = arith.addi %mul3A_337, %add3A_338 : i32
    %dma_wait3A_340 = arith.constant 0 : i32
    %dma_wait3A_341 = tpu.memref_slice %arg4[%rem3A_328, %dma_wait3A_340, %multiple_of3A_335] : memref<3x8x4096xf32, #tpu.memory_space<vmem>> -> memref<1x8x2048xf32, #tpu.memory_space<vmem>>
    %dma_wait3A_342 = tpu.memref_squeeze %dma_wait3A_341 : memref<1x8x2048xf32, #tpu.memory_space<vmem>> -> memref<8x2048xf32, #tpu.memory_space<vmem>>
    %dma_wait3A_343 = arith.constant 0 : i32
    %dma_wait3A_344 = tpu.memref_slice %arg3[%add3A_339, %multiple_of3A_333, %dma_wait3A_343] : memref<16x2048x2048xf32, #tpu.memory_space<hbm>> -> memref<1x8x2048xf32, #tpu.memory_space<hbm>>
    %dma_wait3A_345 = tpu.memref_squeeze %dma_wait3A_344 : memref<1x8x2048xf32, #tpu.memory_space<hbm>> -> memref<8x2048xf32, #tpu.memory_space<hbm>>
    %dma_wait3A_346 = tpu.memref_slice %arg6[%rem3A_328] : memref<3x!tpu.dma_semaphore, #tpu.memory_space<semaphore_mem>> -> memref<1x!tpu.dma_semaphore, #tpu.memory_space<semaphore_mem>>
    %dma_wait3A_347 = tpu.memref_squeeze %dma_wait3A_346 : memref<1x!tpu.dma_semaphore, #tpu.memory_space<semaphore_mem>> -> memref<!tpu.dma_semaphore, #tpu.memory_space<semaphore_mem>>
    %dma_wait3A_348 = arith.constant 0 : i32
    %dma_wait3A_349 = tpu.memref_slice %arg3[%add3A_339, %multiple_of3A_333, %dma_wait3A_348] : memref<16x2048x2048xf32, #tpu.memory_space<hbm>> -> memref<1x8x2048xf32, #tpu.memory_space<hbm>>
    %dma_wait3A_350 = tpu.memref_squeeze %dma_wait3A_349 : memref<1x8x2048xf32, #tpu.memory_space<hbm>> -> memref<8x2048xf32, #tpu.memory_space<hbm>>
    %dma_wait3A_351 = arith.constant 0 : i32
    %dma_wait3A_352 = tpu.memref_slice %arg4[%rem3A_328, %dma_wait3A_351, %multiple_of3A_335] : memref<3x8x4096xf32, #tpu.memory_space<vmem>> -> memref<1x8x2048xf32, #tpu.memory_space<vmem>>
    %dma_wait3A_353 = tpu.memref_squeeze %dma_wait3A_352 : memref<1x8x2048xf32, #tpu.memory_space<vmem>> -> memref<8x2048xf32, #tpu.memory_space<vmem>>
    tpu.wait_dma2 semaphore(%dma_wait3A_347 : memref<!tpu.dma_semaphore, #tpu.memory_space<semaphore_mem>>) src(%dma_wait3A_353 : memref<8x2048xf32, #tpu.memory_space<vmem>>) dst(%dma_wait3A_350 : memref<8x2048xf32, #tpu.memory_space<hbm>>)
    %rem3A_354 = arith.constant 7 : i32
    %rem3A_355 = arith.constant 3 : i32
    %rem3A_356 = arith.remsi %rem3A_354, %rem3A_355 : i32
    %mul3A_357 = arith.constant 8 : i32
    %mul3A_358 = arith.muli %mul3A_357, %arg1 : i32
    %add3A_359 = arith.constant 1408 : i32
    %add3A_360 = arith.addi %mul3A_358, %add3A_359 : i32
    %multiple_of3A_361 = tpu.assume_multiple %add3A_360, 8 : i32
    %multiple_of3A_362 = arith.constant 640 : i32
    %multiple_of3A_363 = tpu.assume_multiple %multiple_of3A_362, 128 : i32
    %mul3A_364 = arith.constant 8 : i32
    %mul3A_365 = arith.muli %mul3A_364, %arg0 : i32
    %add3A_366 = arith.constant 7 : i32
    %add3A_367 = arith.addi %mul3A_365, %add3A_366 : i32
    %dma_wait3A_368 = arith.constant 0 : i32
    %dma_wait3A_369 = tpu.memref_slice %arg4[%rem3A_356, %dma_wait3A_368, %multiple_of3A_363] : memref<3x8x4096xf32, #tpu.memory_space<vmem>> -> memref<1x8x2048xf32, #tpu.memory_space<vmem>>
    %dma_wait3A_370 = tpu.memref_squeeze %dma_wait3A_369 : memref<1x8x2048xf32, #tpu.memory_space<vmem>> -> memref<8x2048xf32, #tpu.memory_space<vmem>>
    %dma_wait3A_371 = arith.constant 0 : i32
    %dma_wait3A_372 = tpu.memref_slice %arg3[%add3A_367, %multiple_of3A_361, %dma_wait3A_371] : memref<16x2048x2048xf32, #tpu.memory_space<hbm>> -> memref<1x8x2048xf32, #tpu.memory_space<hbm>>
    %dma_wait3A_373 = tpu.memref_squeeze %dma_wait3A_372 : memref<1x8x2048xf32, #tpu.memory_space<hbm>> -> memref<8x2048xf32, #tpu.memory_space<hbm>>
    %dma_wait3A_374 = tpu.memref_slice %arg6[%rem3A_356] : memref<3x!tpu.dma_semaphore, #tpu.memory_space<semaphore_mem>> -> memref<1x!tpu.dma_semaphore, #tpu.memory_space<semaphore_mem>>
    %dma_wait3A_375 = tpu.memref_squeeze %dma_wait3A_374 : memref<1x!tpu.dma_semaphore, #tpu.memory_space<semaphore_mem>> -> memref<!tpu.dma_semaphore, #tpu.memory_space<semaphore_mem>>
    %dma_wait3A_376 = arith.constant 0 : i32
    %dma_wait3A_377 = tpu.memref_slice %arg3[%add3A_367, %multiple_of3A_361, %dma_wait3A_376] : memref<16x2048x2048xf32, #tpu.memory_space<hbm>> -> memref<1x8x2048xf32, #tpu.memory_space<hbm>>
    %dma_wait3A_378 = tpu.memref_squeeze %dma_wait3A_377 : memref<1x8x2048xf32, #tpu.memory_space<hbm>> -> memref<8x2048xf32, #tpu.memory_space<hbm>>
    %dma_wait3A_379 = arith.constant 0 : i32
    %dma_wait3A_380 = tpu.memref_slice %arg4[%rem3A_356, %dma_wait3A_379, %multiple_of3A_363] : memref<3x8x4096xf32, #tpu.memory_space<vmem>> -> memref<1x8x2048xf32, #tpu.memory_space<vmem>>
    %dma_wait3A_381 = tpu.memref_squeeze %dma_wait3A_380 : memref<1x8x2048xf32, #tpu.memory_space<vmem>> -> memref<8x2048xf32, #tpu.memory_space<vmem>>
    tpu.wait_dma2 semaphore(%dma_wait3A_375 : memref<!tpu.dma_semaphore, #tpu.memory_space<semaphore_mem>>) src(%dma_wait3A_381 : memref<8x2048xf32, #tpu.memory_space<vmem>>) dst(%dma_wait3A_378 : memref<8x2048xf32, #tpu.memory_space<hbm>>)
    %rem3A_382 = arith.constant 7 : i32
    %rem3A_383 = arith.constant 3 : i32
    %rem3A_384 = arith.remsi %rem3A_382, %rem3A_383 : i32
    %mul3A_385 = arith.constant 8 : i32
    %mul3A_386 = arith.muli %mul3A_385, %arg1 : i32
    %add3A_387 = arith.constant 1536 : i32
    %add3A_388 = arith.addi %mul3A_386, %add3A_387 : i32
    %multiple_of3A_389 = tpu.assume_multiple %add3A_388, 8 : i32
    %multiple_of3A_390 = arith.constant 512 : i32
    %multiple_of3A_391 = tpu.assume_multiple %multiple_of3A_390, 128 : i32
    %mul3A_392 = arith.constant 8 : i32
    %mul3A_393 = arith.muli %mul3A_392, %arg0 : i32
    %add3A_394 = arith.constant 7 : i32
    %add3A_395 = arith.addi %mul3A_393, %add3A_394 : i32
    %dma_wait3A_396 = arith.constant 0 : i32
    %dma_wait3A_397 = tpu.memref_slice %arg4[%rem3A_384, %dma_wait3A_396, %multiple_of3A_391] : memref<3x8x4096xf32, #tpu.memory_space<vmem>> -> memref<1x8x2048xf32, #tpu.memory_space<vmem>>
    %dma_wait3A_398 = tpu.memref_squeeze %dma_wait3A_397 : memref<1x8x2048xf32, #tpu.memory_space<vmem>> -> memref<8x2048xf32, #tpu.memory_space<vmem>>
    %dma_wait3A_399 = arith.constant 0 : i32
    %dma_wait3A_400 = tpu.memref_slice %arg3[%add3A_395, %multiple_of3A_389, %dma_wait3A_399] : memref<16x2048x2048xf32, #tpu.memory_space<hbm>> -> memref<1x8x2048xf32, #tpu.memory_space<hbm>>
    %dma_wait3A_401 = tpu.memref_squeeze %dma_wait3A_400 : memref<1x8x2048xf32, #tpu.memory_space<hbm>> -> memref<8x2048xf32, #tpu.memory_space<hbm>>
    %dma_wait3A_402 = tpu.memref_slice %arg6[%rem3A_384] : memref<3x!tpu.dma_semaphore, #tpu.memory_space<semaphore_mem>> -> memref<1x!tpu.dma_semaphore, #tpu.memory_space<semaphore_mem>>
    %dma_wait3A_403 = tpu.memref_squeeze %dma_wait3A_402 : memref<1x!tpu.dma_semaphore, #tpu.memory_space<semaphore_mem>> -> memref<!tpu.dma_semaphore, #tpu.memory_space<semaphore_mem>>
    %dma_wait3A_404 = arith.constant 0 : i32
    %dma_wait3A_405 = tpu.memref_slice %arg3[%add3A_395, %multiple_of3A_389, %dma_wait3A_404] : memref<16x2048x2048xf32, #tpu.memory_space<hbm>> -> memref<1x8x2048xf32, #tpu.memory_space<hbm>>
    %dma_wait3A_406 = tpu.memref_squeeze %dma_wait3A_405 : memref<1x8x2048xf32, #tpu.memory_space<hbm>> -> memref<8x2048xf32, #tpu.memory_space<hbm>>
    %dma_wait3A_407 = arith.constant 0 : i32
    %dma_wait3A_408 = tpu.memref_slice %arg4[%rem3A_384, %dma_wait3A_407, %multiple_of3A_391] : memref<3x8x4096xf32, #tpu.memory_space<vmem>> -> memref<1x8x2048xf32, #tpu.memory_space<vmem>>
    %dma_wait3A_409 = tpu.memref_squeeze %dma_wait3A_408 : memref<1x8x2048xf32, #tpu.memory_space<vmem>> -> memref<8x2048xf32, #tpu.memory_space<vmem>>
    tpu.wait_dma2 semaphore(%dma_wait3A_403 : memref<!tpu.dma_semaphore, #tpu.memory_space<semaphore_mem>>) src(%dma_wait3A_409 : memref<8x2048xf32, #tpu.memory_space<vmem>>) dst(%dma_wait3A_406 : memref<8x2048xf32, #tpu.memory_space<hbm>>)
    %rem3A_410 = arith.constant 7 : i32
    %rem3A_411 = arith.constant 3 : i32
    %rem3A_412 = arith.remsi %rem3A_410, %rem3A_411 : i32
    %mul3A_413 = arith.constant 8 : i32
    %mul3A_414 = arith.muli %mul3A_413, %arg1 : i32
    %add3A_415 = arith.constant 1664 : i32
    %add3A_416 = arith.addi %mul3A_414, %add3A_415 : i32
    %multiple_of3A_417 = tpu.assume_multiple %add3A_416, 8 : i32
    %multiple_of3A_418 = arith.constant 384 : i32
    %multiple_of3A_419 = tpu.assume_multiple %multiple_of3A_418, 128 : i32
    %mul3A_420 = arith.constant 8 : i32
    %mul3A_421 = arith.muli %mul3A_420, %arg0 : i32
    %add3A_422 = arith.constant 7 : i32
    %add3A_423 = arith.addi %mul3A_421, %add3A_422 : i32
    %dma_wait3A_424 = arith.constant 0 : i32
    %dma_wait3A_425 = tpu.memref_slice %arg4[%rem3A_412, %dma_wait3A_424, %multiple_of3A_419] : memref<3x8x4096xf32, #tpu.memory_space<vmem>> -> memref<1x8x2048xf32, #tpu.memory_space<vmem>>
    %dma_wait3A_426 = tpu.memref_squeeze %dma_wait3A_425 : memref<1x8x2048xf32, #tpu.memory_space<vmem>> -> memref<8x2048xf32, #tpu.memory_space<vmem>>
    %dma_wait3A_427 = arith.constant 0 : i32
    %dma_wait3A_428 = tpu.memref_slice %arg3[%add3A_423, %multiple_of3A_417, %dma_wait3A_427] : memref<16x2048x2048xf32, #tpu.memory_space<hbm>> -> memref<1x8x2048xf32, #tpu.memory_space<hbm>>
    %dma_wait3A_429 = tpu.memref_squeeze %dma_wait3A_428 : memref<1x8x2048xf32, #tpu.memory_space<hbm>> -> memref<8x2048xf32, #tpu.memory_space<hbm>>
    %dma_wait3A_430 = tpu.memref_slice %arg6[%rem3A_412] : memref<3x!tpu.dma_semaphore, #tpu.memory_space<semaphore_mem>> -> memref<1x!tpu.dma_semaphore, #tpu.memory_space<semaphore_mem>>
    %dma_wait3A_431 = tpu.memref_squeeze %dma_wait3A_430 : memref<1x!tpu.dma_semaphore, #tpu.memory_space<semaphore_mem>> -> memref<!tpu.dma_semaphore, #tpu.memory_space<semaphore_mem>>
    %dma_wait3A_432 = arith.constant 0 : i32
    %dma_wait3A_433 = tpu.memref_slice %arg3[%add3A_423, %multiple_of3A_417, %dma_wait3A_432] : memref<16x2048x2048xf32, #tpu.memory_space<hbm>> -> memref<1x8x2048xf32, #tpu.memory_space<hbm>>
    %dma_wait3A_434 = tpu.memref_squeeze %dma_wait3A_433 : memref<1x8x2048xf32, #tpu.memory_space<hbm>> -> memref<8x2048xf32, #tpu.memory_space<hbm>>
    %dma_wait3A_435 = arith.constant 0 : i32
    %dma_wait3A_436 = tpu.memref_slice %arg4[%rem3A_412, %dma_wait3A_435, %multiple_of3A_419] : memref<3x8x4096xf32, #tpu.memory_space<vmem>> -> memref<1x8x2048xf32, #tpu.memory_space<vmem>>
    %dma_wait3A_437 = tpu.memref_squeeze %dma_wait3A_436 : memref<1x8x2048xf32, #tpu.memory_space<vmem>> -> memref<8x2048xf32, #tpu.memory_space<vmem>>
    tpu.wait_dma2 semaphore(%dma_wait3A_431 : memref<!tpu.dma_semaphore, #tpu.memory_space<semaphore_mem>>) src(%dma_wait3A_437 : memref<8x2048xf32, #tpu.memory_space<vmem>>) dst(%dma_wait3A_434 : memref<8x2048xf32, #tpu.memory_space<hbm>>)
    %rem3A_438 = arith.constant 7 : i32
    %rem3A_439 = arith.constant 3 : i32
    %rem3A_440 = arith.remsi %rem3A_438, %rem3A_439 : i32
    %mul3A_441 = arith.constant 8 : i32
    %mul3A_442 = arith.muli %mul3A_441, %arg1 : i32
    %add3A_443 = arith.constant 1792 : i32
    %add3A_444 = arith.addi %mul3A_442, %add3A_443 : i32
    %multiple_of3A_445 = tpu.assume_multiple %add3A_444, 8 : i32
    %multiple_of3A_446 = arith.constant 256 : i32
    %multiple_of3A_447 = tpu.assume_multiple %multiple_of3A_446, 128 : i32
    %mul3A_448 = arith.constant 8 : i32
    %mul3A_449 = arith.muli %mul3A_448, %arg0 : i32
    %add3A_450 = arith.constant 7 : i32
    %add3A_451 = arith.addi %mul3A_449, %add3A_450 : i32
    %dma_wait3A_452 = arith.constant 0 : i32
    %dma_wait3A_453 = tpu.memref_slice %arg4[%rem3A_440, %dma_wait3A_452, %multiple_of3A_447] : memref<3x8x4096xf32, #tpu.memory_space<vmem>> -> memref<1x8x2048xf32, #tpu.memory_space<vmem>>
    %dma_wait3A_454 = tpu.memref_squeeze %dma_wait3A_453 : memref<1x8x2048xf32, #tpu.memory_space<vmem>> -> memref<8x2048xf32, #tpu.memory_space<vmem>>
    %dma_wait3A_455 = arith.constant 0 : i32
    %dma_wait3A_456 = tpu.memref_slice %arg3[%add3A_451, %multiple_of3A_445, %dma_wait3A_455] : memref<16x2048x2048xf32, #tpu.memory_space<hbm>> -> memref<1x8x2048xf32, #tpu.memory_space<hbm>>
    %dma_wait3A_457 = tpu.memref_squeeze %dma_wait3A_456 : memref<1x8x2048xf32, #tpu.memory_space<hbm>> -> memref<8x2048xf32, #tpu.memory_space<hbm>>
    %dma_wait3A_458 = tpu.memref_slice %arg6[%rem3A_440] : memref<3x!tpu.dma_semaphore, #tpu.memory_space<semaphore_mem>> -> memref<1x!tpu.dma_semaphore, #tpu.memory_space<semaphore_mem>>
    %dma_wait3A_459 = tpu.memref_squeeze %dma_wait3A_458 : memref<1x!tpu.dma_semaphore, #tpu.memory_space<semaphore_mem>> -> memref<!tpu.dma_semaphore, #tpu.memory_space<semaphore_mem>>
    %dma_wait3A_460 = arith.constant 0 : i32
    %dma_wait3A_461 = tpu.memref_slice %arg3[%add3A_451, %multiple_of3A_445, %dma_wait3A_460] : memref<16x2048x2048xf32, #tpu.memory_space<hbm>> -> memref<1x8x2048xf32, #tpu.memory_space<hbm>>
    %dma_wait3A_462 = tpu.memref_squeeze %dma_wait3A_461 : memref<1x8x2048xf32, #tpu.memory_space<hbm>> -> memref<8x2048xf32, #tpu.memory_space<hbm>>
    %dma_wait3A_463 = arith.constant 0 : i32
    %dma_wait3A_464 = tpu.memref_slice %arg4[%rem3A_440, %dma_wait3A_463, %multiple_of3A_447] : memref<3x8x4096xf32, #tpu.memory_space<vmem>> -> memref<1x8x2048xf32, #tpu.memory_space<vmem>>
    %dma_wait3A_465 = tpu.memref_squeeze %dma_wait3A_464 : memref<1x8x2048xf32, #tpu.memory_space<vmem>> -> memref<8x2048xf32, #tpu.memory_space<vmem>>
    tpu.wait_dma2 semaphore(%dma_wait3A_459 : memref<!tpu.dma_semaphore, #tpu.memory_space<semaphore_mem>>) src(%dma_wait3A_465 : memref<8x2048xf32, #tpu.memory_space<vmem>>) dst(%dma_wait3A_462 : memref<8x2048xf32, #tpu.memory_space<hbm>>)
    %rem3A_466 = arith.constant 7 : i32
    %rem3A_467 = arith.constant 3 : i32
    %rem3A_468 = arith.remsi %rem3A_466, %rem3A_467 : i32
    %mul3A_469 = arith.constant 8 : i32
    %mul3A_470 = arith.muli %mul3A_469, %arg1 : i32
    %add3A_471 = arith.constant 1920 : i32
    %add3A_472 = arith.addi %mul3A_470, %add3A_471 : i32
    %multiple_of3A_473 = tpu.assume_multiple %add3A_472, 8 : i32
    %multiple_of3A_474 = arith.constant 128 : i32
    %multiple_of3A_475 = tpu.assume_multiple %multiple_of3A_474, 128 : i32
    %mul3A_476 = arith.constant 8 : i32
    %mul3A_477 = arith.muli %mul3A_476, %arg0 : i32
    %add3A_478 = arith.constant 7 : i32
    %add3A_479 = arith.addi %mul3A_477, %add3A_478 : i32
    %dma_wait3A_480 = arith.constant 0 : i32
    %dma_wait3A_481 = tpu.memref_slice %arg4[%rem3A_468, %dma_wait3A_480, %multiple_of3A_475] : memref<3x8x4096xf32, #tpu.memory_space<vmem>> -> memref<1x8x2048xf32, #tpu.memory_space<vmem>>
    %dma_wait3A_482 = tpu.memref_squeeze %dma_wait3A_481 : memref<1x8x2048xf32, #tpu.memory_space<vmem>> -> memref<8x2048xf32, #tpu.memory_space<vmem>>
    %dma_wait3A_483 = arith.constant 0 : i32
    %dma_wait3A_484 = tpu.memref_slice %arg3[%add3A_479, %multiple_of3A_473, %dma_wait3A_483] : memref<16x2048x2048xf32, #tpu.memory_space<hbm>> -> memref<1x8x2048xf32, #tpu.memory_space<hbm>>
    %dma_wait3A_485 = tpu.memref_squeeze %dma_wait3A_484 : memref<1x8x2048xf32, #tpu.memory_space<hbm>> -> memref<8x2048xf32, #tpu.memory_space<hbm>>
    %dma_wait3A_486 = tpu.memref_slice %arg6[%rem3A_468] : memref<3x!tpu.dma_semaphore, #tpu.memory_space<semaphore_mem>> -> memref<1x!tpu.dma_semaphore, #tpu.memory_space<semaphore_mem>>
    %dma_wait3A_487 = tpu.memref_squeeze %dma_wait3A_486 : memref<1x!tpu.dma_semaphore, #tpu.memory_space<semaphore_mem>> -> memref<!tpu.dma_semaphore, #tpu.memory_space<semaphore_mem>>
    %dma_wait3A_488 = arith.constant 0 : i32
    %dma_wait3A_489 = tpu.memref_slice %arg3[%add3A_479, %multiple_of3A_473, %dma_wait3A_488] : memref<16x2048x2048xf32, #tpu.memory_space<hbm>> -> memref<1x8x2048xf32, #tpu.memory_space<hbm>>
    %dma_wait3A_490 = tpu.memref_squeeze %dma_wait3A_489 : memref<1x8x2048xf32, #tpu.memory_space<hbm>> -> memref<8x2048xf32, #tpu.memory_space<hbm>>
    %dma_wait3A_491 = arith.constant 0 : i32
    %dma_wait3A_492 = tpu.memref_slice %arg4[%rem3A_468, %dma_wait3A_491, %multiple_of3A_475] : memref<3x8x4096xf32, #tpu.memory_space<vmem>> -> memref<1x8x2048xf32, #tpu.memory_space<vmem>>
    %dma_wait3A_493 = tpu.memref_squeeze %dma_wait3A_492 : memref<1x8x2048xf32, #tpu.memory_space<vmem>> -> memref<8x2048xf32, #tpu.memory_space<vmem>>
    tpu.wait_dma2 semaphore(%dma_wait3A_487 : memref<!tpu.dma_semaphore, #tpu.memory_space<semaphore_mem>>) src(%dma_wait3A_493 : memref<8x2048xf32, #tpu.memory_space<vmem>>) dst(%dma_wait3A_490 : memref<8x2048xf32, #tpu.memory_space<hbm>>)
    return
  }
}

module attributes {stable_mosaic.version = 14 : i64} {
  func.func @_build_body(%arg0: i32, %arg1: memref<1x1x65xf32, #tpu.memory_space<smem>>, %arg2: memref<1x128x4096xf32, #tpu.memory_space<vmem>>) attributes {dimension_semantics = [#tpu.dimension_semantics<arbitrary>], iteration_bounds = array<i64: 16>, scalar_prefetch = 0 : i64, scratch_operands = 0 : i64, tpu.core_type = #tpu.core_type<tc>, window_params = [{transform_indices = @transform_0, window_bounds = array<i64: 1, 1, 65>}, {transform_indices = @transform_1, window_bounds = array<i64: 1, 128, 4096>}]} {
    %iota3A = tpu.iota {dimensions = array<i32: 1>} : vector<1x4096xi32>
    %sub3A = arith.constant 2048 : i32
    %sub3A_0 = vector.broadcast %sub3A : i32 to vector<1x4096xi32>
    %sub3A_1 = arith.subi %iota3A, %sub3A_0 : vector<1x4096xi32>
    %jit3A = arith.constant -32 : i32
    %jit3A_2 = arith.constant 32 : i32
    %max3A = vector.broadcast %jit3A : i32 to vector<1x4096xi32>
    %max3A_3 = arith.maxsi %max3A, %sub3A_1 : vector<1x4096xi32>
    %min3A = vector.broadcast %jit3A_2 : i32 to vector<1x4096xi32>
    %min3A_4 = arith.minsi %min3A, %max3A_3 : vector<1x4096xi32>
    %add3A = arith.constant 32 : i32
    %add3A_5 = vector.broadcast %add3A : i32 to vector<1x4096xi32>
    %add3A_6 = arith.addi %min3A_4, %add3A_5 : vector<1x4096xi32>
    %get3A = arith.constant 0 : index
    %get3A_7 = arith.constant 0 : index
    %get3A_8 = arith.constant 0 : index
    %get3A_9 = memref.load %arg1[%get3A, %get3A_7, %get3A_8] : memref<1x1x65xf32, #tpu.memory_space<smem>>
    %broadcast_in_dim3A = vector.broadcast %get3A_9 : f32 to vector<1x4096xf32>
    %eq3A = arith.constant 1 : i32
    %eq3A_10 = vector.broadcast %eq3A : i32 to vector<1x4096xi32>
    %eq3A_11 = arith.cmpi eq, %add3A_6, %eq3A_10 : vector<1x4096xi32>
    %get3A_12 = arith.constant 0 : index
    %get3A_13 = arith.constant 0 : index
    %get3A_14 = arith.constant 1 : index
    %get3A_15 = memref.load %arg1[%get3A_12, %get3A_13, %get3A_14] : memref<1x1x65xf32, #tpu.memory_space<smem>>
    %broadcast_in_dim3A_16 = vector.broadcast %get3A_15 : f32 to vector<1x4096xf32>
    %select_n3A = arith.select %eq3A_11, %broadcast_in_dim3A_16, %broadcast_in_dim3A : vector<1x4096xi1>, vector<1x4096xf32>
    %eq3A_17 = arith.constant 2 : i32
    %eq3A_18 = vector.broadcast %eq3A_17 : i32 to vector<1x4096xi32>
    %eq3A_19 = arith.cmpi eq, %add3A_6, %eq3A_18 : vector<1x4096xi32>
    %get3A_20 = arith.constant 0 : index
    %get3A_21 = arith.constant 0 : index
    %get3A_22 = arith.constant 2 : index
    %get3A_23 = memref.load %arg1[%get3A_20, %get3A_21, %get3A_22] : memref<1x1x65xf32, #tpu.memory_space<smem>>
    %broadcast_in_dim3A_24 = vector.broadcast %get3A_23 : f32 to vector<1x4096xf32>
    %select_n3A_25 = arith.select %eq3A_19, %broadcast_in_dim3A_24, %select_n3A : vector<1x4096xi1>, vector<1x4096xf32>
    %eq3A_26 = arith.constant 3 : i32
    %eq3A_27 = vector.broadcast %eq3A_26 : i32 to vector<1x4096xi32>
    %eq3A_28 = arith.cmpi eq, %add3A_6, %eq3A_27 : vector<1x4096xi32>
    %get3A_29 = arith.constant 0 : index
    %get3A_30 = arith.constant 0 : index
    %get3A_31 = arith.constant 3 : index
    %get3A_32 = memref.load %arg1[%get3A_29, %get3A_30, %get3A_31] : memref<1x1x65xf32, #tpu.memory_space<smem>>
    %broadcast_in_dim3A_33 = vector.broadcast %get3A_32 : f32 to vector<1x4096xf32>
    %select_n3A_34 = arith.select %eq3A_28, %broadcast_in_dim3A_33, %select_n3A_25 : vector<1x4096xi1>, vector<1x4096xf32>
    %eq3A_35 = arith.constant 4 : i32
    %eq3A_36 = vector.broadcast %eq3A_35 : i32 to vector<1x4096xi32>
    %eq3A_37 = arith.cmpi eq, %add3A_6, %eq3A_36 : vector<1x4096xi32>
    %get3A_38 = arith.constant 0 : index
    %get3A_39 = arith.constant 0 : index
    %get3A_40 = arith.constant 4 : index
    %get3A_41 = memref.load %arg1[%get3A_38, %get3A_39, %get3A_40] : memref<1x1x65xf32, #tpu.memory_space<smem>>
    %broadcast_in_dim3A_42 = vector.broadcast %get3A_41 : f32 to vector<1x4096xf32>
    %select_n3A_43 = arith.select %eq3A_37, %broadcast_in_dim3A_42, %select_n3A_34 : vector<1x4096xi1>, vector<1x4096xf32>
    %eq3A_44 = arith.constant 5 : i32
    %eq3A_45 = vector.broadcast %eq3A_44 : i32 to vector<1x4096xi32>
    %eq3A_46 = arith.cmpi eq, %add3A_6, %eq3A_45 : vector<1x4096xi32>
    %get3A_47 = arith.constant 0 : index
    %get3A_48 = arith.constant 0 : index
    %get3A_49 = arith.constant 5 : index
    %get3A_50 = memref.load %arg1[%get3A_47, %get3A_48, %get3A_49] : memref<1x1x65xf32, #tpu.memory_space<smem>>
    %broadcast_in_dim3A_51 = vector.broadcast %get3A_50 : f32 to vector<1x4096xf32>
    %select_n3A_52 = arith.select %eq3A_46, %broadcast_in_dim3A_51, %select_n3A_43 : vector<1x4096xi1>, vector<1x4096xf32>
    %eq3A_53 = arith.constant 6 : i32
    %eq3A_54 = vector.broadcast %eq3A_53 : i32 to vector<1x4096xi32>
    %eq3A_55 = arith.cmpi eq, %add3A_6, %eq3A_54 : vector<1x4096xi32>
    %get3A_56 = arith.constant 0 : index
    %get3A_57 = arith.constant 0 : index
    %get3A_58 = arith.constant 6 : index
    %get3A_59 = memref.load %arg1[%get3A_56, %get3A_57, %get3A_58] : memref<1x1x65xf32, #tpu.memory_space<smem>>
    %broadcast_in_dim3A_60 = vector.broadcast %get3A_59 : f32 to vector<1x4096xf32>
    %select_n3A_61 = arith.select %eq3A_55, %broadcast_in_dim3A_60, %select_n3A_52 : vector<1x4096xi1>, vector<1x4096xf32>
    %eq3A_62 = arith.constant 7 : i32
    %eq3A_63 = vector.broadcast %eq3A_62 : i32 to vector<1x4096xi32>
    %eq3A_64 = arith.cmpi eq, %add3A_6, %eq3A_63 : vector<1x4096xi32>
    %get3A_65 = arith.constant 0 : index
    %get3A_66 = arith.constant 0 : index
    %get3A_67 = arith.constant 7 : index
    %get3A_68 = memref.load %arg1[%get3A_65, %get3A_66, %get3A_67] : memref<1x1x65xf32, #tpu.memory_space<smem>>
    %broadcast_in_dim3A_69 = vector.broadcast %get3A_68 : f32 to vector<1x4096xf32>
    %select_n3A_70 = arith.select %eq3A_64, %broadcast_in_dim3A_69, %select_n3A_61 : vector<1x4096xi1>, vector<1x4096xf32>
    %eq3A_71 = arith.constant 8 : i32
    %eq3A_72 = vector.broadcast %eq3A_71 : i32 to vector<1x4096xi32>
    %eq3A_73 = arith.cmpi eq, %add3A_6, %eq3A_72 : vector<1x4096xi32>
    %get3A_74 = arith.constant 0 : index
    %get3A_75 = arith.constant 0 : index
    %get3A_76 = arith.constant 8 : index
    %get3A_77 = memref.load %arg1[%get3A_74, %get3A_75, %get3A_76] : memref<1x1x65xf32, #tpu.memory_space<smem>>
    %broadcast_in_dim3A_78 = vector.broadcast %get3A_77 : f32 to vector<1x4096xf32>
    %select_n3A_79 = arith.select %eq3A_73, %broadcast_in_dim3A_78, %select_n3A_70 : vector<1x4096xi1>, vector<1x4096xf32>
    %eq3A_80 = arith.constant 9 : i32
    %eq3A_81 = vector.broadcast %eq3A_80 : i32 to vector<1x4096xi32>
    %eq3A_82 = arith.cmpi eq, %add3A_6, %eq3A_81 : vector<1x4096xi32>
    %get3A_83 = arith.constant 0 : index
    %get3A_84 = arith.constant 0 : index
    %get3A_85 = arith.constant 9 : index
    %get3A_86 = memref.load %arg1[%get3A_83, %get3A_84, %get3A_85] : memref<1x1x65xf32, #tpu.memory_space<smem>>
    %broadcast_in_dim3A_87 = vector.broadcast %get3A_86 : f32 to vector<1x4096xf32>
    %select_n3A_88 = arith.select %eq3A_82, %broadcast_in_dim3A_87, %select_n3A_79 : vector<1x4096xi1>, vector<1x4096xf32>
    %eq3A_89 = arith.constant 10 : i32
    %eq3A_90 = vector.broadcast %eq3A_89 : i32 to vector<1x4096xi32>
    %eq3A_91 = arith.cmpi eq, %add3A_6, %eq3A_90 : vector<1x4096xi32>
    %get3A_92 = arith.constant 0 : index
    %get3A_93 = arith.constant 0 : index
    %get3A_94 = arith.constant 10 : index
    %get3A_95 = memref.load %arg1[%get3A_92, %get3A_93, %get3A_94] : memref<1x1x65xf32, #tpu.memory_space<smem>>
    %broadcast_in_dim3A_96 = vector.broadcast %get3A_95 : f32 to vector<1x4096xf32>
    %select_n3A_97 = arith.select %eq3A_91, %broadcast_in_dim3A_96, %select_n3A_88 : vector<1x4096xi1>, vector<1x4096xf32>
    %eq3A_98 = arith.constant 11 : i32
    %eq3A_99 = vector.broadcast %eq3A_98 : i32 to vector<1x4096xi32>
    %eq3A_100 = arith.cmpi eq, %add3A_6, %eq3A_99 : vector<1x4096xi32>
    %get3A_101 = arith.constant 0 : index
    %get3A_102 = arith.constant 0 : index
    %get3A_103 = arith.constant 11 : index
    %get3A_104 = memref.load %arg1[%get3A_101, %get3A_102, %get3A_103] : memref<1x1x65xf32, #tpu.memory_space<smem>>
    %broadcast_in_dim3A_105 = vector.broadcast %get3A_104 : f32 to vector<1x4096xf32>
    %select_n3A_106 = arith.select %eq3A_100, %broadcast_in_dim3A_105, %select_n3A_97 : vector<1x4096xi1>, vector<1x4096xf32>
    %eq3A_107 = arith.constant 12 : i32
    %eq3A_108 = vector.broadcast %eq3A_107 : i32 to vector<1x4096xi32>
    %eq3A_109 = arith.cmpi eq, %add3A_6, %eq3A_108 : vector<1x4096xi32>
    %get3A_110 = arith.constant 0 : index
    %get3A_111 = arith.constant 0 : index
    %get3A_112 = arith.constant 12 : index
    %get3A_113 = memref.load %arg1[%get3A_110, %get3A_111, %get3A_112] : memref<1x1x65xf32, #tpu.memory_space<smem>>
    %broadcast_in_dim3A_114 = vector.broadcast %get3A_113 : f32 to vector<1x4096xf32>
    %select_n3A_115 = arith.select %eq3A_109, %broadcast_in_dim3A_114, %select_n3A_106 : vector<1x4096xi1>, vector<1x4096xf32>
    %eq3A_116 = arith.constant 13 : i32
    %eq3A_117 = vector.broadcast %eq3A_116 : i32 to vector<1x4096xi32>
    %eq3A_118 = arith.cmpi eq, %add3A_6, %eq3A_117 : vector<1x4096xi32>
    %get3A_119 = arith.constant 0 : index
    %get3A_120 = arith.constant 0 : index
    %get3A_121 = arith.constant 13 : index
    %get3A_122 = memref.load %arg1[%get3A_119, %get3A_120, %get3A_121] : memref<1x1x65xf32, #tpu.memory_space<smem>>
    %broadcast_in_dim3A_123 = vector.broadcast %get3A_122 : f32 to vector<1x4096xf32>
    %select_n3A_124 = arith.select %eq3A_118, %broadcast_in_dim3A_123, %select_n3A_115 : vector<1x4096xi1>, vector<1x4096xf32>
    %eq3A_125 = arith.constant 14 : i32
    %eq3A_126 = vector.broadcast %eq3A_125 : i32 to vector<1x4096xi32>
    %eq3A_127 = arith.cmpi eq, %add3A_6, %eq3A_126 : vector<1x4096xi32>
    %get3A_128 = arith.constant 0 : index
    %get3A_129 = arith.constant 0 : index
    %get3A_130 = arith.constant 14 : index
    %get3A_131 = memref.load %arg1[%get3A_128, %get3A_129, %get3A_130] : memref<1x1x65xf32, #tpu.memory_space<smem>>
    %broadcast_in_dim3A_132 = vector.broadcast %get3A_131 : f32 to vector<1x4096xf32>
    %select_n3A_133 = arith.select %eq3A_127, %broadcast_in_dim3A_132, %select_n3A_124 : vector<1x4096xi1>, vector<1x4096xf32>
    %eq3A_134 = arith.constant 15 : i32
    %eq3A_135 = vector.broadcast %eq3A_134 : i32 to vector<1x4096xi32>
    %eq3A_136 = arith.cmpi eq, %add3A_6, %eq3A_135 : vector<1x4096xi32>
    %get3A_137 = arith.constant 0 : index
    %get3A_138 = arith.constant 0 : index
    %get3A_139 = arith.constant 15 : index
    %get3A_140 = memref.load %arg1[%get3A_137, %get3A_138, %get3A_139] : memref<1x1x65xf32, #tpu.memory_space<smem>>
    %broadcast_in_dim3A_141 = vector.broadcast %get3A_140 : f32 to vector<1x4096xf32>
    %select_n3A_142 = arith.select %eq3A_136, %broadcast_in_dim3A_141, %select_n3A_133 : vector<1x4096xi1>, vector<1x4096xf32>
    %eq3A_143 = arith.constant 16 : i32
    %eq3A_144 = vector.broadcast %eq3A_143 : i32 to vector<1x4096xi32>
    %eq3A_145 = arith.cmpi eq, %add3A_6, %eq3A_144 : vector<1x4096xi32>
    %get3A_146 = arith.constant 0 : index
    %get3A_147 = arith.constant 0 : index
    %get3A_148 = arith.constant 16 : index
    %get3A_149 = memref.load %arg1[%get3A_146, %get3A_147, %get3A_148] : memref<1x1x65xf32, #tpu.memory_space<smem>>
    %broadcast_in_dim3A_150 = vector.broadcast %get3A_149 : f32 to vector<1x4096xf32>
    %select_n3A_151 = arith.select %eq3A_145, %broadcast_in_dim3A_150, %select_n3A_142 : vector<1x4096xi1>, vector<1x4096xf32>
    %eq3A_152 = arith.constant 17 : i32
    %eq3A_153 = vector.broadcast %eq3A_152 : i32 to vector<1x4096xi32>
    %eq3A_154 = arith.cmpi eq, %add3A_6, %eq3A_153 : vector<1x4096xi32>
    %get3A_155 = arith.constant 0 : index
    %get3A_156 = arith.constant 0 : index
    %get3A_157 = arith.constant 17 : index
    %get3A_158 = memref.load %arg1[%get3A_155, %get3A_156, %get3A_157] : memref<1x1x65xf32, #tpu.memory_space<smem>>
    %broadcast_in_dim3A_159 = vector.broadcast %get3A_158 : f32 to vector<1x4096xf32>
    %select_n3A_160 = arith.select %eq3A_154, %broadcast_in_dim3A_159, %select_n3A_151 : vector<1x4096xi1>, vector<1x4096xf32>
    %eq3A_161 = arith.constant 18 : i32
    %eq3A_162 = vector.broadcast %eq3A_161 : i32 to vector<1x4096xi32>
    %eq3A_163 = arith.cmpi eq, %add3A_6, %eq3A_162 : vector<1x4096xi32>
    %get3A_164 = arith.constant 0 : index
    %get3A_165 = arith.constant 0 : index
    %get3A_166 = arith.constant 18 : index
    %get3A_167 = memref.load %arg1[%get3A_164, %get3A_165, %get3A_166] : memref<1x1x65xf32, #tpu.memory_space<smem>>
    %broadcast_in_dim3A_168 = vector.broadcast %get3A_167 : f32 to vector<1x4096xf32>
    %select_n3A_169 = arith.select %eq3A_163, %broadcast_in_dim3A_168, %select_n3A_160 : vector<1x4096xi1>, vector<1x4096xf32>
    %eq3A_170 = arith.constant 19 : i32
    %eq3A_171 = vector.broadcast %eq3A_170 : i32 to vector<1x4096xi32>
    %eq3A_172 = arith.cmpi eq, %add3A_6, %eq3A_171 : vector<1x4096xi32>
    %get3A_173 = arith.constant 0 : index
    %get3A_174 = arith.constant 0 : index
    %get3A_175 = arith.constant 19 : index
    %get3A_176 = memref.load %arg1[%get3A_173, %get3A_174, %get3A_175] : memref<1x1x65xf32, #tpu.memory_space<smem>>
    %broadcast_in_dim3A_177 = vector.broadcast %get3A_176 : f32 to vector<1x4096xf32>
    %select_n3A_178 = arith.select %eq3A_172, %broadcast_in_dim3A_177, %select_n3A_169 : vector<1x4096xi1>, vector<1x4096xf32>
    %eq3A_179 = arith.constant 20 : i32
    %eq3A_180 = vector.broadcast %eq3A_179 : i32 to vector<1x4096xi32>
    %eq3A_181 = arith.cmpi eq, %add3A_6, %eq3A_180 : vector<1x4096xi32>
    %get3A_182 = arith.constant 0 : index
    %get3A_183 = arith.constant 0 : index
    %get3A_184 = arith.constant 20 : index
    %get3A_185 = memref.load %arg1[%get3A_182, %get3A_183, %get3A_184] : memref<1x1x65xf32, #tpu.memory_space<smem>>
    %broadcast_in_dim3A_186 = vector.broadcast %get3A_185 : f32 to vector<1x4096xf32>
    %select_n3A_187 = arith.select %eq3A_181, %broadcast_in_dim3A_186, %select_n3A_178 : vector<1x4096xi1>, vector<1x4096xf32>
    %eq3A_188 = arith.constant 21 : i32
    %eq3A_189 = vector.broadcast %eq3A_188 : i32 to vector<1x4096xi32>
    %eq3A_190 = arith.cmpi eq, %add3A_6, %eq3A_189 : vector<1x4096xi32>
    %get3A_191 = arith.constant 0 : index
    %get3A_192 = arith.constant 0 : index
    %get3A_193 = arith.constant 21 : index
    %get3A_194 = memref.load %arg1[%get3A_191, %get3A_192, %get3A_193] : memref<1x1x65xf32, #tpu.memory_space<smem>>
    %broadcast_in_dim3A_195 = vector.broadcast %get3A_194 : f32 to vector<1x4096xf32>
    %select_n3A_196 = arith.select %eq3A_190, %broadcast_in_dim3A_195, %select_n3A_187 : vector<1x4096xi1>, vector<1x4096xf32>
    %eq3A_197 = arith.constant 22 : i32
    %eq3A_198 = vector.broadcast %eq3A_197 : i32 to vector<1x4096xi32>
    %eq3A_199 = arith.cmpi eq, %add3A_6, %eq3A_198 : vector<1x4096xi32>
    %get3A_200 = arith.constant 0 : index
    %get3A_201 = arith.constant 0 : index
    %get3A_202 = arith.constant 22 : index
    %get3A_203 = memref.load %arg1[%get3A_200, %get3A_201, %get3A_202] : memref<1x1x65xf32, #tpu.memory_space<smem>>
    %broadcast_in_dim3A_204 = vector.broadcast %get3A_203 : f32 to vector<1x4096xf32>
    %select_n3A_205 = arith.select %eq3A_199, %broadcast_in_dim3A_204, %select_n3A_196 : vector<1x4096xi1>, vector<1x4096xf32>
    %eq3A_206 = arith.constant 23 : i32
    %eq3A_207 = vector.broadcast %eq3A_206 : i32 to vector<1x4096xi32>
    %eq3A_208 = arith.cmpi eq, %add3A_6, %eq3A_207 : vector<1x4096xi32>
    %get3A_209 = arith.constant 0 : index
    %get3A_210 = arith.constant 0 : index
    %get3A_211 = arith.constant 23 : index
    %get3A_212 = memref.load %arg1[%get3A_209, %get3A_210, %get3A_211] : memref<1x1x65xf32, #tpu.memory_space<smem>>
    %broadcast_in_dim3A_213 = vector.broadcast %get3A_212 : f32 to vector<1x4096xf32>
    %select_n3A_214 = arith.select %eq3A_208, %broadcast_in_dim3A_213, %select_n3A_205 : vector<1x4096xi1>, vector<1x4096xf32>
    %eq3A_215 = arith.constant 24 : i32
    %eq3A_216 = vector.broadcast %eq3A_215 : i32 to vector<1x4096xi32>
    %eq3A_217 = arith.cmpi eq, %add3A_6, %eq3A_216 : vector<1x4096xi32>
    %get3A_218 = arith.constant 0 : index
    %get3A_219 = arith.constant 0 : index
    %get3A_220 = arith.constant 24 : index
    %get3A_221 = memref.load %arg1[%get3A_218, %get3A_219, %get3A_220] : memref<1x1x65xf32, #tpu.memory_space<smem>>
    %broadcast_in_dim3A_222 = vector.broadcast %get3A_221 : f32 to vector<1x4096xf32>
    %select_n3A_223 = arith.select %eq3A_217, %broadcast_in_dim3A_222, %select_n3A_214 : vector<1x4096xi1>, vector<1x4096xf32>
    %eq3A_224 = arith.constant 25 : i32
    %eq3A_225 = vector.broadcast %eq3A_224 : i32 to vector<1x4096xi32>
    %eq3A_226 = arith.cmpi eq, %add3A_6, %eq3A_225 : vector<1x4096xi32>
    %get3A_227 = arith.constant 0 : index
    %get3A_228 = arith.constant 0 : index
    %get3A_229 = arith.constant 25 : index
    %get3A_230 = memref.load %arg1[%get3A_227, %get3A_228, %get3A_229] : memref<1x1x65xf32, #tpu.memory_space<smem>>
    %broadcast_in_dim3A_231 = vector.broadcast %get3A_230 : f32 to vector<1x4096xf32>
    %select_n3A_232 = arith.select %eq3A_226, %broadcast_in_dim3A_231, %select_n3A_223 : vector<1x4096xi1>, vector<1x4096xf32>
    %eq3A_233 = arith.constant 26 : i32
    %eq3A_234 = vector.broadcast %eq3A_233 : i32 to vector<1x4096xi32>
    %eq3A_235 = arith.cmpi eq, %add3A_6, %eq3A_234 : vector<1x4096xi32>
    %get3A_236 = arith.constant 0 : index
    %get3A_237 = arith.constant 0 : index
    %get3A_238 = arith.constant 26 : index
    %get3A_239 = memref.load %arg1[%get3A_236, %get3A_237, %get3A_238] : memref<1x1x65xf32, #tpu.memory_space<smem>>
    %broadcast_in_dim3A_240 = vector.broadcast %get3A_239 : f32 to vector<1x4096xf32>
    %select_n3A_241 = arith.select %eq3A_235, %broadcast_in_dim3A_240, %select_n3A_232 : vector<1x4096xi1>, vector<1x4096xf32>
    %eq3A_242 = arith.constant 27 : i32
    %eq3A_243 = vector.broadcast %eq3A_242 : i32 to vector<1x4096xi32>
    %eq3A_244 = arith.cmpi eq, %add3A_6, %eq3A_243 : vector<1x4096xi32>
    %get3A_245 = arith.constant 0 : index
    %get3A_246 = arith.constant 0 : index
    %get3A_247 = arith.constant 27 : index
    %get3A_248 = memref.load %arg1[%get3A_245, %get3A_246, %get3A_247] : memref<1x1x65xf32, #tpu.memory_space<smem>>
    %broadcast_in_dim3A_249 = vector.broadcast %get3A_248 : f32 to vector<1x4096xf32>
    %select_n3A_250 = arith.select %eq3A_244, %broadcast_in_dim3A_249, %select_n3A_241 : vector<1x4096xi1>, vector<1x4096xf32>
    %eq3A_251 = arith.constant 28 : i32
    %eq3A_252 = vector.broadcast %eq3A_251 : i32 to vector<1x4096xi32>
    %eq3A_253 = arith.cmpi eq, %add3A_6, %eq3A_252 : vector<1x4096xi32>
    %get3A_254 = arith.constant 0 : index
    %get3A_255 = arith.constant 0 : index
    %get3A_256 = arith.constant 28 : index
    %get3A_257 = memref.load %arg1[%get3A_254, %get3A_255, %get3A_256] : memref<1x1x65xf32, #tpu.memory_space<smem>>
    %broadcast_in_dim3A_258 = vector.broadcast %get3A_257 : f32 to vector<1x4096xf32>
    %select_n3A_259 = arith.select %eq3A_253, %broadcast_in_dim3A_258, %select_n3A_250 : vector<1x4096xi1>, vector<1x4096xf32>
    %eq3A_260 = arith.constant 29 : i32
    %eq3A_261 = vector.broadcast %eq3A_260 : i32 to vector<1x4096xi32>
    %eq3A_262 = arith.cmpi eq, %add3A_6, %eq3A_261 : vector<1x4096xi32>
    %get3A_263 = arith.constant 0 : index
    %get3A_264 = arith.constant 0 : index
    %get3A_265 = arith.constant 29 : index
    %get3A_266 = memref.load %arg1[%get3A_263, %get3A_264, %get3A_265] : memref<1x1x65xf32, #tpu.memory_space<smem>>
    %broadcast_in_dim3A_267 = vector.broadcast %get3A_266 : f32 to vector<1x4096xf32>
    %select_n3A_268 = arith.select %eq3A_262, %broadcast_in_dim3A_267, %select_n3A_259 : vector<1x4096xi1>, vector<1x4096xf32>
    %eq3A_269 = arith.constant 30 : i32
    %eq3A_270 = vector.broadcast %eq3A_269 : i32 to vector<1x4096xi32>
    %eq3A_271 = arith.cmpi eq, %add3A_6, %eq3A_270 : vector<1x4096xi32>
    %get3A_272 = arith.constant 0 : index
    %get3A_273 = arith.constant 0 : index
    %get3A_274 = arith.constant 30 : index
    %get3A_275 = memref.load %arg1[%get3A_272, %get3A_273, %get3A_274] : memref<1x1x65xf32, #tpu.memory_space<smem>>
    %broadcast_in_dim3A_276 = vector.broadcast %get3A_275 : f32 to vector<1x4096xf32>
    %select_n3A_277 = arith.select %eq3A_271, %broadcast_in_dim3A_276, %select_n3A_268 : vector<1x4096xi1>, vector<1x4096xf32>
    %eq3A_278 = arith.constant 31 : i32
    %eq3A_279 = vector.broadcast %eq3A_278 : i32 to vector<1x4096xi32>
    %eq3A_280 = arith.cmpi eq, %add3A_6, %eq3A_279 : vector<1x4096xi32>
    %get3A_281 = arith.constant 0 : index
    %get3A_282 = arith.constant 0 : index
    %get3A_283 = arith.constant 31 : index
    %get3A_284 = memref.load %arg1[%get3A_281, %get3A_282, %get3A_283] : memref<1x1x65xf32, #tpu.memory_space<smem>>
    %broadcast_in_dim3A_285 = vector.broadcast %get3A_284 : f32 to vector<1x4096xf32>
    %select_n3A_286 = arith.select %eq3A_280, %broadcast_in_dim3A_285, %select_n3A_277 : vector<1x4096xi1>, vector<1x4096xf32>
    %eq3A_287 = arith.constant 32 : i32
    %eq3A_288 = vector.broadcast %eq3A_287 : i32 to vector<1x4096xi32>
    %eq3A_289 = arith.cmpi eq, %add3A_6, %eq3A_288 : vector<1x4096xi32>
    %get3A_290 = arith.constant 0 : index
    %get3A_291 = arith.constant 0 : index
    %get3A_292 = arith.constant 32 : index
    %get3A_293 = memref.load %arg1[%get3A_290, %get3A_291, %get3A_292] : memref<1x1x65xf32, #tpu.memory_space<smem>>
    %broadcast_in_dim3A_294 = vector.broadcast %get3A_293 : f32 to vector<1x4096xf32>
    %select_n3A_295 = arith.select %eq3A_289, %broadcast_in_dim3A_294, %select_n3A_286 : vector<1x4096xi1>, vector<1x4096xf32>
    %eq3A_296 = arith.constant 33 : i32
    %eq3A_297 = vector.broadcast %eq3A_296 : i32 to vector<1x4096xi32>
    %eq3A_298 = arith.cmpi eq, %add3A_6, %eq3A_297 : vector<1x4096xi32>
    %get3A_299 = arith.constant 0 : index
    %get3A_300 = arith.constant 0 : index
    %get3A_301 = arith.constant 33 : index
    %get3A_302 = memref.load %arg1[%get3A_299, %get3A_300, %get3A_301] : memref<1x1x65xf32, #tpu.memory_space<smem>>
    %broadcast_in_dim3A_303 = vector.broadcast %get3A_302 : f32 to vector<1x4096xf32>
    %select_n3A_304 = arith.select %eq3A_298, %broadcast_in_dim3A_303, %select_n3A_295 : vector<1x4096xi1>, vector<1x4096xf32>
    %eq3A_305 = arith.constant 34 : i32
    %eq3A_306 = vector.broadcast %eq3A_305 : i32 to vector<1x4096xi32>
    %eq3A_307 = arith.cmpi eq, %add3A_6, %eq3A_306 : vector<1x4096xi32>
    %get3A_308 = arith.constant 0 : index
    %get3A_309 = arith.constant 0 : index
    %get3A_310 = arith.constant 34 : index
    %get3A_311 = memref.load %arg1[%get3A_308, %get3A_309, %get3A_310] : memref<1x1x65xf32, #tpu.memory_space<smem>>
    %broadcast_in_dim3A_312 = vector.broadcast %get3A_311 : f32 to vector<1x4096xf32>
    %select_n3A_313 = arith.select %eq3A_307, %broadcast_in_dim3A_312, %select_n3A_304 : vector<1x4096xi1>, vector<1x4096xf32>
    %eq3A_314 = arith.constant 35 : i32
    %eq3A_315 = vector.broadcast %eq3A_314 : i32 to vector<1x4096xi32>
    %eq3A_316 = arith.cmpi eq, %add3A_6, %eq3A_315 : vector<1x4096xi32>
    %get3A_317 = arith.constant 0 : index
    %get3A_318 = arith.constant 0 : index
    %get3A_319 = arith.constant 35 : index
    %get3A_320 = memref.load %arg1[%get3A_317, %get3A_318, %get3A_319] : memref<1x1x65xf32, #tpu.memory_space<smem>>
    %broadcast_in_dim3A_321 = vector.broadcast %get3A_320 : f32 to vector<1x4096xf32>
    %select_n3A_322 = arith.select %eq3A_316, %broadcast_in_dim3A_321, %select_n3A_313 : vector<1x4096xi1>, vector<1x4096xf32>
    %eq3A_323 = arith.constant 36 : i32
    %eq3A_324 = vector.broadcast %eq3A_323 : i32 to vector<1x4096xi32>
    %eq3A_325 = arith.cmpi eq, %add3A_6, %eq3A_324 : vector<1x4096xi32>
    %get3A_326 = arith.constant 0 : index
    %get3A_327 = arith.constant 0 : index
    %get3A_328 = arith.constant 36 : index
    %get3A_329 = memref.load %arg1[%get3A_326, %get3A_327, %get3A_328] : memref<1x1x65xf32, #tpu.memory_space<smem>>
    %broadcast_in_dim3A_330 = vector.broadcast %get3A_329 : f32 to vector<1x4096xf32>
    %select_n3A_331 = arith.select %eq3A_325, %broadcast_in_dim3A_330, %select_n3A_322 : vector<1x4096xi1>, vector<1x4096xf32>
    %eq3A_332 = arith.constant 37 : i32
    %eq3A_333 = vector.broadcast %eq3A_332 : i32 to vector<1x4096xi32>
    %eq3A_334 = arith.cmpi eq, %add3A_6, %eq3A_333 : vector<1x4096xi32>
    %get3A_335 = arith.constant 0 : index
    %get3A_336 = arith.constant 0 : index
    %get3A_337 = arith.constant 37 : index
    %get3A_338 = memref.load %arg1[%get3A_335, %get3A_336, %get3A_337] : memref<1x1x65xf32, #tpu.memory_space<smem>>
    %broadcast_in_dim3A_339 = vector.broadcast %get3A_338 : f32 to vector<1x4096xf32>
    %select_n3A_340 = arith.select %eq3A_334, %broadcast_in_dim3A_339, %select_n3A_331 : vector<1x4096xi1>, vector<1x4096xf32>
    %eq3A_341 = arith.constant 38 : i32
    %eq3A_342 = vector.broadcast %eq3A_341 : i32 to vector<1x4096xi32>
    %eq3A_343 = arith.cmpi eq, %add3A_6, %eq3A_342 : vector<1x4096xi32>
    %get3A_344 = arith.constant 0 : index
    %get3A_345 = arith.constant 0 : index
    %get3A_346 = arith.constant 38 : index
    %get3A_347 = memref.load %arg1[%get3A_344, %get3A_345, %get3A_346] : memref<1x1x65xf32, #tpu.memory_space<smem>>
    %broadcast_in_dim3A_348 = vector.broadcast %get3A_347 : f32 to vector<1x4096xf32>
    %select_n3A_349 = arith.select %eq3A_343, %broadcast_in_dim3A_348, %select_n3A_340 : vector<1x4096xi1>, vector<1x4096xf32>
    %eq3A_350 = arith.constant 39 : i32
    %eq3A_351 = vector.broadcast %eq3A_350 : i32 to vector<1x4096xi32>
    %eq3A_352 = arith.cmpi eq, %add3A_6, %eq3A_351 : vector<1x4096xi32>
    %get3A_353 = arith.constant 0 : index
    %get3A_354 = arith.constant 0 : index
    %get3A_355 = arith.constant 39 : index
    %get3A_356 = memref.load %arg1[%get3A_353, %get3A_354, %get3A_355] : memref<1x1x65xf32, #tpu.memory_space<smem>>
    %broadcast_in_dim3A_357 = vector.broadcast %get3A_356 : f32 to vector<1x4096xf32>
    %select_n3A_358 = arith.select %eq3A_352, %broadcast_in_dim3A_357, %select_n3A_349 : vector<1x4096xi1>, vector<1x4096xf32>
    %eq3A_359 = arith.constant 40 : i32
    %eq3A_360 = vector.broadcast %eq3A_359 : i32 to vector<1x4096xi32>
    %eq3A_361 = arith.cmpi eq, %add3A_6, %eq3A_360 : vector<1x4096xi32>
    %get3A_362 = arith.constant 0 : index
    %get3A_363 = arith.constant 0 : index
    %get3A_364 = arith.constant 40 : index
    %get3A_365 = memref.load %arg1[%get3A_362, %get3A_363, %get3A_364] : memref<1x1x65xf32, #tpu.memory_space<smem>>
    %broadcast_in_dim3A_366 = vector.broadcast %get3A_365 : f32 to vector<1x4096xf32>
    %select_n3A_367 = arith.select %eq3A_361, %broadcast_in_dim3A_366, %select_n3A_358 : vector<1x4096xi1>, vector<1x4096xf32>
    %eq3A_368 = arith.constant 41 : i32
    %eq3A_369 = vector.broadcast %eq3A_368 : i32 to vector<1x4096xi32>
    %eq3A_370 = arith.cmpi eq, %add3A_6, %eq3A_369 : vector<1x4096xi32>
    %get3A_371 = arith.constant 0 : index
    %get3A_372 = arith.constant 0 : index
    %get3A_373 = arith.constant 41 : index
    %get3A_374 = memref.load %arg1[%get3A_371, %get3A_372, %get3A_373] : memref<1x1x65xf32, #tpu.memory_space<smem>>
    %broadcast_in_dim3A_375 = vector.broadcast %get3A_374 : f32 to vector<1x4096xf32>
    %select_n3A_376 = arith.select %eq3A_370, %broadcast_in_dim3A_375, %select_n3A_367 : vector<1x4096xi1>, vector<1x4096xf32>
    %eq3A_377 = arith.constant 42 : i32
    %eq3A_378 = vector.broadcast %eq3A_377 : i32 to vector<1x4096xi32>
    %eq3A_379 = arith.cmpi eq, %add3A_6, %eq3A_378 : vector<1x4096xi32>
    %get3A_380 = arith.constant 0 : index
    %get3A_381 = arith.constant 0 : index
    %get3A_382 = arith.constant 42 : index
    %get3A_383 = memref.load %arg1[%get3A_380, %get3A_381, %get3A_382] : memref<1x1x65xf32, #tpu.memory_space<smem>>
    %broadcast_in_dim3A_384 = vector.broadcast %get3A_383 : f32 to vector<1x4096xf32>
    %select_n3A_385 = arith.select %eq3A_379, %broadcast_in_dim3A_384, %select_n3A_376 : vector<1x4096xi1>, vector<1x4096xf32>
    %eq3A_386 = arith.constant 43 : i32
    %eq3A_387 = vector.broadcast %eq3A_386 : i32 to vector<1x4096xi32>
    %eq3A_388 = arith.cmpi eq, %add3A_6, %eq3A_387 : vector<1x4096xi32>
    %get3A_389 = arith.constant 0 : index
    %get3A_390 = arith.constant 0 : index
    %get3A_391 = arith.constant 43 : index
    %get3A_392 = memref.load %arg1[%get3A_389, %get3A_390, %get3A_391] : memref<1x1x65xf32, #tpu.memory_space<smem>>
    %broadcast_in_dim3A_393 = vector.broadcast %get3A_392 : f32 to vector<1x4096xf32>
    %select_n3A_394 = arith.select %eq3A_388, %broadcast_in_dim3A_393, %select_n3A_385 : vector<1x4096xi1>, vector<1x4096xf32>
    %eq3A_395 = arith.constant 44 : i32
    %eq3A_396 = vector.broadcast %eq3A_395 : i32 to vector<1x4096xi32>
    %eq3A_397 = arith.cmpi eq, %add3A_6, %eq3A_396 : vector<1x4096xi32>
    %get3A_398 = arith.constant 0 : index
    %get3A_399 = arith.constant 0 : index
    %get3A_400 = arith.constant 44 : index
    %get3A_401 = memref.load %arg1[%get3A_398, %get3A_399, %get3A_400] : memref<1x1x65xf32, #tpu.memory_space<smem>>
    %broadcast_in_dim3A_402 = vector.broadcast %get3A_401 : f32 to vector<1x4096xf32>
    %select_n3A_403 = arith.select %eq3A_397, %broadcast_in_dim3A_402, %select_n3A_394 : vector<1x4096xi1>, vector<1x4096xf32>
    %eq3A_404 = arith.constant 45 : i32
    %eq3A_405 = vector.broadcast %eq3A_404 : i32 to vector<1x4096xi32>
    %eq3A_406 = arith.cmpi eq, %add3A_6, %eq3A_405 : vector<1x4096xi32>
    %get3A_407 = arith.constant 0 : index
    %get3A_408 = arith.constant 0 : index
    %get3A_409 = arith.constant 45 : index
    %get3A_410 = memref.load %arg1[%get3A_407, %get3A_408, %get3A_409] : memref<1x1x65xf32, #tpu.memory_space<smem>>
    %broadcast_in_dim3A_411 = vector.broadcast %get3A_410 : f32 to vector<1x4096xf32>
    %select_n3A_412 = arith.select %eq3A_406, %broadcast_in_dim3A_411, %select_n3A_403 : vector<1x4096xi1>, vector<1x4096xf32>
    %eq3A_413 = arith.constant 46 : i32
    %eq3A_414 = vector.broadcast %eq3A_413 : i32 to vector<1x4096xi32>
    %eq3A_415 = arith.cmpi eq, %add3A_6, %eq3A_414 : vector<1x4096xi32>
    %get3A_416 = arith.constant 0 : index
    %get3A_417 = arith.constant 0 : index
    %get3A_418 = arith.constant 46 : index
    %get3A_419 = memref.load %arg1[%get3A_416, %get3A_417, %get3A_418] : memref<1x1x65xf32, #tpu.memory_space<smem>>
    %broadcast_in_dim3A_420 = vector.broadcast %get3A_419 : f32 to vector<1x4096xf32>
    %select_n3A_421 = arith.select %eq3A_415, %broadcast_in_dim3A_420, %select_n3A_412 : vector<1x4096xi1>, vector<1x4096xf32>
    %eq3A_422 = arith.constant 47 : i32
    %eq3A_423 = vector.broadcast %eq3A_422 : i32 to vector<1x4096xi32>
    %eq3A_424 = arith.cmpi eq, %add3A_6, %eq3A_423 : vector<1x4096xi32>
    %get3A_425 = arith.constant 0 : index
    %get3A_426 = arith.constant 0 : index
    %get3A_427 = arith.constant 47 : index
    %get3A_428 = memref.load %arg1[%get3A_425, %get3A_426, %get3A_427] : memref<1x1x65xf32, #tpu.memory_space<smem>>
    %broadcast_in_dim3A_429 = vector.broadcast %get3A_428 : f32 to vector<1x4096xf32>
    %select_n3A_430 = arith.select %eq3A_424, %broadcast_in_dim3A_429, %select_n3A_421 : vector<1x4096xi1>, vector<1x4096xf32>
    %eq3A_431 = arith.constant 48 : i32
    %eq3A_432 = vector.broadcast %eq3A_431 : i32 to vector<1x4096xi32>
    %eq3A_433 = arith.cmpi eq, %add3A_6, %eq3A_432 : vector<1x4096xi32>
    %get3A_434 = arith.constant 0 : index
    %get3A_435 = arith.constant 0 : index
    %get3A_436 = arith.constant 48 : index
    %get3A_437 = memref.load %arg1[%get3A_434, %get3A_435, %get3A_436] : memref<1x1x65xf32, #tpu.memory_space<smem>>
    %broadcast_in_dim3A_438 = vector.broadcast %get3A_437 : f32 to vector<1x4096xf32>
    %select_n3A_439 = arith.select %eq3A_433, %broadcast_in_dim3A_438, %select_n3A_430 : vector<1x4096xi1>, vector<1x4096xf32>
    %eq3A_440 = arith.constant 49 : i32
    %eq3A_441 = vector.broadcast %eq3A_440 : i32 to vector<1x4096xi32>
    %eq3A_442 = arith.cmpi eq, %add3A_6, %eq3A_441 : vector<1x4096xi32>
    %get3A_443 = arith.constant 0 : index
    %get3A_444 = arith.constant 0 : index
    %get3A_445 = arith.constant 49 : index
    %get3A_446 = memref.load %arg1[%get3A_443, %get3A_444, %get3A_445] : memref<1x1x65xf32, #tpu.memory_space<smem>>
    %broadcast_in_dim3A_447 = vector.broadcast %get3A_446 : f32 to vector<1x4096xf32>
    %select_n3A_448 = arith.select %eq3A_442, %broadcast_in_dim3A_447, %select_n3A_439 : vector<1x4096xi1>, vector<1x4096xf32>
    %eq3A_449 = arith.constant 50 : i32
    %eq3A_450 = vector.broadcast %eq3A_449 : i32 to vector<1x4096xi32>
    %eq3A_451 = arith.cmpi eq, %add3A_6, %eq3A_450 : vector<1x4096xi32>
    %get3A_452 = arith.constant 0 : index
    %get3A_453 = arith.constant 0 : index
    %get3A_454 = arith.constant 50 : index
    %get3A_455 = memref.load %arg1[%get3A_452, %get3A_453, %get3A_454] : memref<1x1x65xf32, #tpu.memory_space<smem>>
    %broadcast_in_dim3A_456 = vector.broadcast %get3A_455 : f32 to vector<1x4096xf32>
    %select_n3A_457 = arith.select %eq3A_451, %broadcast_in_dim3A_456, %select_n3A_448 : vector<1x4096xi1>, vector<1x4096xf32>
    %eq3A_458 = arith.constant 51 : i32
    %eq3A_459 = vector.broadcast %eq3A_458 : i32 to vector<1x4096xi32>
    %eq3A_460 = arith.cmpi eq, %add3A_6, %eq3A_459 : vector<1x4096xi32>
    %get3A_461 = arith.constant 0 : index
    %get3A_462 = arith.constant 0 : index
    %get3A_463 = arith.constant 51 : index
    %get3A_464 = memref.load %arg1[%get3A_461, %get3A_462, %get3A_463] : memref<1x1x65xf32, #tpu.memory_space<smem>>
    %broadcast_in_dim3A_465 = vector.broadcast %get3A_464 : f32 to vector<1x4096xf32>
    %select_n3A_466 = arith.select %eq3A_460, %broadcast_in_dim3A_465, %select_n3A_457 : vector<1x4096xi1>, vector<1x4096xf32>
    %eq3A_467 = arith.constant 52 : i32
    %eq3A_468 = vector.broadcast %eq3A_467 : i32 to vector<1x4096xi32>
    %eq3A_469 = arith.cmpi eq, %add3A_6, %eq3A_468 : vector<1x4096xi32>
    %get3A_470 = arith.constant 0 : index
    %get3A_471 = arith.constant 0 : index
    %get3A_472 = arith.constant 52 : index
    %get3A_473 = memref.load %arg1[%get3A_470, %get3A_471, %get3A_472] : memref<1x1x65xf32, #tpu.memory_space<smem>>
    %broadcast_in_dim3A_474 = vector.broadcast %get3A_473 : f32 to vector<1x4096xf32>
    %select_n3A_475 = arith.select %eq3A_469, %broadcast_in_dim3A_474, %select_n3A_466 : vector<1x4096xi1>, vector<1x4096xf32>
    %eq3A_476 = arith.constant 53 : i32
    %eq3A_477 = vector.broadcast %eq3A_476 : i32 to vector<1x4096xi32>
    %eq3A_478 = arith.cmpi eq, %add3A_6, %eq3A_477 : vector<1x4096xi32>
    %get3A_479 = arith.constant 0 : index
    %get3A_480 = arith.constant 0 : index
    %get3A_481 = arith.constant 53 : index
    %get3A_482 = memref.load %arg1[%get3A_479, %get3A_480, %get3A_481] : memref<1x1x65xf32, #tpu.memory_space<smem>>
    %broadcast_in_dim3A_483 = vector.broadcast %get3A_482 : f32 to vector<1x4096xf32>
    %select_n3A_484 = arith.select %eq3A_478, %broadcast_in_dim3A_483, %select_n3A_475 : vector<1x4096xi1>, vector<1x4096xf32>
    %eq3A_485 = arith.constant 54 : i32
    %eq3A_486 = vector.broadcast %eq3A_485 : i32 to vector<1x4096xi32>
    %eq3A_487 = arith.cmpi eq, %add3A_6, %eq3A_486 : vector<1x4096xi32>
    %get3A_488 = arith.constant 0 : index
    %get3A_489 = arith.constant 0 : index
    %get3A_490 = arith.constant 54 : index
    %get3A_491 = memref.load %arg1[%get3A_488, %get3A_489, %get3A_490] : memref<1x1x65xf32, #tpu.memory_space<smem>>
    %broadcast_in_dim3A_492 = vector.broadcast %get3A_491 : f32 to vector<1x4096xf32>
    %select_n3A_493 = arith.select %eq3A_487, %broadcast_in_dim3A_492, %select_n3A_484 : vector<1x4096xi1>, vector<1x4096xf32>
    %eq3A_494 = arith.constant 55 : i32
    %eq3A_495 = vector.broadcast %eq3A_494 : i32 to vector<1x4096xi32>
    %eq3A_496 = arith.cmpi eq, %add3A_6, %eq3A_495 : vector<1x4096xi32>
    %get3A_497 = arith.constant 0 : index
    %get3A_498 = arith.constant 0 : index
    %get3A_499 = arith.constant 55 : index
    %get3A_500 = memref.load %arg1[%get3A_497, %get3A_498, %get3A_499] : memref<1x1x65xf32, #tpu.memory_space<smem>>
    %broadcast_in_dim3A_501 = vector.broadcast %get3A_500 : f32 to vector<1x4096xf32>
    %select_n3A_502 = arith.select %eq3A_496, %broadcast_in_dim3A_501, %select_n3A_493 : vector<1x4096xi1>, vector<1x4096xf32>
    %eq3A_503 = arith.constant 56 : i32
    %eq3A_504 = vector.broadcast %eq3A_503 : i32 to vector<1x4096xi32>
    %eq3A_505 = arith.cmpi eq, %add3A_6, %eq3A_504 : vector<1x4096xi32>
    %get3A_506 = arith.constant 0 : index
    %get3A_507 = arith.constant 0 : index
    %get3A_508 = arith.constant 56 : index
    %get3A_509 = memref.load %arg1[%get3A_506, %get3A_507, %get3A_508] : memref<1x1x65xf32, #tpu.memory_space<smem>>
    %broadcast_in_dim3A_510 = vector.broadcast %get3A_509 : f32 to vector<1x4096xf32>
    %select_n3A_511 = arith.select %eq3A_505, %broadcast_in_dim3A_510, %select_n3A_502 : vector<1x4096xi1>, vector<1x4096xf32>
    %eq3A_512 = arith.constant 57 : i32
    %eq3A_513 = vector.broadcast %eq3A_512 : i32 to vector<1x4096xi32>
    %eq3A_514 = arith.cmpi eq, %add3A_6, %eq3A_513 : vector<1x4096xi32>
    %get3A_515 = arith.constant 0 : index
    %get3A_516 = arith.constant 0 : index
    %get3A_517 = arith.constant 57 : index
    %get3A_518 = memref.load %arg1[%get3A_515, %get3A_516, %get3A_517] : memref<1x1x65xf32, #tpu.memory_space<smem>>
    %broadcast_in_dim3A_519 = vector.broadcast %get3A_518 : f32 to vector<1x4096xf32>
    %select_n3A_520 = arith.select %eq3A_514, %broadcast_in_dim3A_519, %select_n3A_511 : vector<1x4096xi1>, vector<1x4096xf32>
    %eq3A_521 = arith.constant 58 : i32
    %eq3A_522 = vector.broadcast %eq3A_521 : i32 to vector<1x4096xi32>
    %eq3A_523 = arith.cmpi eq, %add3A_6, %eq3A_522 : vector<1x4096xi32>
    %get3A_524 = arith.constant 0 : index
    %get3A_525 = arith.constant 0 : index
    %get3A_526 = arith.constant 58 : index
    %get3A_527 = memref.load %arg1[%get3A_524, %get3A_525, %get3A_526] : memref<1x1x65xf32, #tpu.memory_space<smem>>
    %broadcast_in_dim3A_528 = vector.broadcast %get3A_527 : f32 to vector<1x4096xf32>
    %select_n3A_529 = arith.select %eq3A_523, %broadcast_in_dim3A_528, %select_n3A_520 : vector<1x4096xi1>, vector<1x4096xf32>
    %eq3A_530 = arith.constant 59 : i32
    %eq3A_531 = vector.broadcast %eq3A_530 : i32 to vector<1x4096xi32>
    %eq3A_532 = arith.cmpi eq, %add3A_6, %eq3A_531 : vector<1x4096xi32>
    %get3A_533 = arith.constant 0 : index
    %get3A_534 = arith.constant 0 : index
    %get3A_535 = arith.constant 59 : index
    %get3A_536 = memref.load %arg1[%get3A_533, %get3A_534, %get3A_535] : memref<1x1x65xf32, #tpu.memory_space<smem>>
    %broadcast_in_dim3A_537 = vector.broadcast %get3A_536 : f32 to vector<1x4096xf32>
    %select_n3A_538 = arith.select %eq3A_532, %broadcast_in_dim3A_537, %select_n3A_529 : vector<1x4096xi1>, vector<1x4096xf32>
    %eq3A_539 = arith.constant 60 : i32
    %eq3A_540 = vector.broadcast %eq3A_539 : i32 to vector<1x4096xi32>
    %eq3A_541 = arith.cmpi eq, %add3A_6, %eq3A_540 : vector<1x4096xi32>
    %get3A_542 = arith.constant 0 : index
    %get3A_543 = arith.constant 0 : index
    %get3A_544 = arith.constant 60 : index
    %get3A_545 = memref.load %arg1[%get3A_542, %get3A_543, %get3A_544] : memref<1x1x65xf32, #tpu.memory_space<smem>>
    %broadcast_in_dim3A_546 = vector.broadcast %get3A_545 : f32 to vector<1x4096xf32>
    %select_n3A_547 = arith.select %eq3A_541, %broadcast_in_dim3A_546, %select_n3A_538 : vector<1x4096xi1>, vector<1x4096xf32>
    %eq3A_548 = arith.constant 61 : i32
    %eq3A_549 = vector.broadcast %eq3A_548 : i32 to vector<1x4096xi32>
    %eq3A_550 = arith.cmpi eq, %add3A_6, %eq3A_549 : vector<1x4096xi32>
    %get3A_551 = arith.constant 0 : index
    %get3A_552 = arith.constant 0 : index
    %get3A_553 = arith.constant 61 : index
    %get3A_554 = memref.load %arg1[%get3A_551, %get3A_552, %get3A_553] : memref<1x1x65xf32, #tpu.memory_space<smem>>
    %broadcast_in_dim3A_555 = vector.broadcast %get3A_554 : f32 to vector<1x4096xf32>
    %select_n3A_556 = arith.select %eq3A_550, %broadcast_in_dim3A_555, %select_n3A_547 : vector<1x4096xi1>, vector<1x4096xf32>
    %eq3A_557 = arith.constant 62 : i32
    %eq3A_558 = vector.broadcast %eq3A_557 : i32 to vector<1x4096xi32>
    %eq3A_559 = arith.cmpi eq, %add3A_6, %eq3A_558 : vector<1x4096xi32>
    %get3A_560 = arith.constant 0 : index
    %get3A_561 = arith.constant 0 : index
    %get3A_562 = arith.constant 62 : index
    %get3A_563 = memref.load %arg1[%get3A_560, %get3A_561, %get3A_562] : memref<1x1x65xf32, #tpu.memory_space<smem>>
    %broadcast_in_dim3A_564 = vector.broadcast %get3A_563 : f32 to vector<1x4096xf32>
    %select_n3A_565 = arith.select %eq3A_559, %broadcast_in_dim3A_564, %select_n3A_556 : vector<1x4096xi1>, vector<1x4096xf32>
    %eq3A_566 = arith.constant 63 : i32
    %eq3A_567 = vector.broadcast %eq3A_566 : i32 to vector<1x4096xi32>
    %eq3A_568 = arith.cmpi eq, %add3A_6, %eq3A_567 : vector<1x4096xi32>
    %get3A_569 = arith.constant 0 : index
    %get3A_570 = arith.constant 0 : index
    %get3A_571 = arith.constant 63 : index
    %get3A_572 = memref.load %arg1[%get3A_569, %get3A_570, %get3A_571] : memref<1x1x65xf32, #tpu.memory_space<smem>>
    %broadcast_in_dim3A_573 = vector.broadcast %get3A_572 : f32 to vector<1x4096xf32>
    %select_n3A_574 = arith.select %eq3A_568, %broadcast_in_dim3A_573, %select_n3A_565 : vector<1x4096xi1>, vector<1x4096xf32>
    %eq3A_575 = arith.constant 64 : i32
    %eq3A_576 = vector.broadcast %eq3A_575 : i32 to vector<1x4096xi32>
    %eq3A_577 = arith.cmpi eq, %add3A_6, %eq3A_576 : vector<1x4096xi32>
    %get3A_578 = arith.constant 0 : index
    %get3A_579 = arith.constant 0 : index
    %get3A_580 = arith.constant 64 : index
    %get3A_581 = memref.load %arg1[%get3A_578, %get3A_579, %get3A_580] : memref<1x1x65xf32, #tpu.memory_space<smem>>
    %broadcast_in_dim3A_582 = vector.broadcast %get3A_581 : f32 to vector<1x4096xf32>
    %select_n3A_583 = arith.select %eq3A_577, %broadcast_in_dim3A_582, %select_n3A_574 : vector<1x4096xi1>, vector<1x4096xf32>
    %broadcast_in_dim3A_584 = vector.shape_cast %select_n3A_583 : vector<1x4096xf32> to vector<1x4096xf32>
    %broadcast_in_dim3A_585 = vector.broadcast %broadcast_in_dim3A_584 : vector<1x4096xf32> to vector<128x4096xf32>
    %roll3A = arith.constant 0 : i32
    %roll3A_586 = tpu.dynamic_rotate %broadcast_in_dim3A_585 by %roll3A dim 1 {stride = 1 : si32, stride_dimension = 0 : si32} : vector<128x4096xf32>, i32 -> vector<128x4096xf32>
    %swap3A = arith.constant 0 : index
    %swap3A_587 = arith.constant 0 : index
    %swap3A_588 = arith.constant 0 : index
    %swap3A_589 = vector.load %arg2[%swap3A, %swap3A_587, %swap3A_588] : memref<1x128x4096xf32, #tpu.memory_space<vmem>>, vector<1x128x4096xf32>
    %swap3A_590 = vector.shape_cast %swap3A_589 : vector<1x128x4096xf32> to vector<128x4096xf32>
    %swap3A_591 = vector.shape_cast %roll3A_586 : vector<128x4096xf32> to vector<1x128x4096xf32>
    tpu.vector_store %arg2[%swap3A, %swap3A_587, %swap3A_588], %swap3A_591 {strides = array<i32>} : memref<1x128x4096xf32, #tpu.memory_space<vmem>>, vector<1x128x4096xf32>,
    return
  }
  func.func @transform_0(%arg0: i32) -> (i32, i32, i32) {
    %c0_i32 = arith.constant 0 : i32
    %c0_i32_0 = arith.constant 0 : i32
    %c0_i32_1 = arith.constant 0 : i32
    return %arg0, %c0_i32, %c0_i32_0 : i32, i32, i32
  }
  func.func @transform_1(%arg0: i32) -> (i32, i32, i32) {
    %c0_i32 = arith.constant 0 : i32
    %c0_i32_0 = arith.constant 0 : i32
    %c0_i32_1 = arith.constant 0 : i32
    return %arg0, %c0_i32, %c0_i32_0 : i32, i32, i32
  }
}

</mosaic_0001>

<sc_bundles>
// kernel: kernel.4.cloned.1.call-start
scs
__scs_entry_jumppad:
0x0: {  	(pc) =	sbr.rel $0x88, $3  }
0x1: {  	(tag) =	ssettag $0x0;
	lr =	simm.s32 $0x1  }
0x2: {  	[smem:$0x3FA0] =	sst lr;
	_ =	strace $0xD0000000  }
0x3: {  	_ = 	snop  }
0x4: {  	_ = 	snop  }
0x5: {  	_ = 	snop  }
0x6: {  	_ = 	snop  }
0x7: {  	_ = 	snop  }
__scs_overlays_trampoline_lowered:
0x8: {  	[smem:$0x3FAF] =	sst s0  }
0x9: {  	[smem:$0x3FB0] =	sst s1  }
0xa: {  	[smem:$0x3FB1] =	sst s2  }
0xb: {  	[smem:$0x3FB2] =	sst s3  }
0xc: {  	[smem:$0x3FB3] =	sst s4  }
0xd: {  	[smem:$0x3FB4] =	sst s5  }
0xe: {  	[smem:$0x3FB5] =	sst s6  }
0xf: {  	[smem:$0x3FB6] =	sst s7  }
0x10: {  	[smem:$0x3FB7] =	sst s8  }
0x11: {  	[smem:$0x3FB8] =	sst s9;
	s0 =	simm.s32 @!p0 $0x0  }
0x12: {  	s1 =	sld [smem:$0x3F9E];
	s0 =	simm.s32 @p0 $0x1  }
0x13: {  	[smem:$0x3FB9] =	sst s0;
	s0 =	simm.s32 @!p1 $0x0  }
0x14: {  	s2 =	sld [smem:$0x3F9D];
	s0 =	simm.s32 @p1 $0x1  }
0x15: {  	[smem:$0x3FBA] =	sst s0;
	s0 =	simm.s32 @!p2 $0x0  }
0x16: {  	s3 =	sld [smem:$0x3FDB];
	s0 =	simm.s32 @p2 $0x1  }
0x17: {  	s4 =	simm.s32 $0x1BF5;
	[smem:$0x3FBC] =	sst s0  }
0x18: {  	s0 =	sld [smem:$0x3F9F];
	_ =	swait.ge [sflag:s4], $0x0  }
0x19: {  	s7 =	sld [smem:$0x3FA0]  }
0x1a: {  	s8 =	sadd.s32 $0xFFFFE003, lr  }
0x1b: {  	s9 =	sadd.s32 $0xFFFFFEF7, lr;
	s5 =	simm.s32 $0xFFFFFFFF;
	p2 =	slt.u32 s8, $0xFFFFF086  }
0x1c: {  	p1 =	slt.u32 s9, $0xF7A;
	s5 =	simm.s32 @!p2 $0x0  }
0x1d: {  	s5 =	simm.s32 @p1 $0x1;
	p0 =	seq.s32 s7, s2  }
0x1e: {  	s7 =	smul.u32 @!p0 $0xF7A, s2;
	p2 =	seq.s32 @!p0 s5, $0x0  }
0x1f: {  	s9 =	smul.u32 $0xF7A, s1;
	s8 =	simm.s32 @!p0 $0x1BF5;
	p2 =	por !p2, p0  }
0x20: {  	[sflag:s8] =	ssyncset.s32 @!p0 $0xFFFFF086;
	s6 =	sadd.s32 @!p0 s3, s7;
	s7 =	simm.s32 @!p0 $0x108  }
0x21: {  	s3 =	sadd.s32 s3, s9;
	s6 =	sadd.s32 @!p0 $0x88, s6;
	s7 =	simm.s32 @p2 $0x1082  }
0x22: {  	[simem:s7], [sflag:s8] =	dma.local @!p0 [hbm:s6], $0xF7A  }
0x23: {  	s9 =	sor.u32 $0xD0000000, s2;
	s6 =	simm.s32 $0x108;
	_ =	swait.ge @!p0 [sflag:s8], $0x0  }
0x24: {  	s3 =	sadd.s32 $0x88, s3;
	s6 =	simm.s32 @!p1 $0x1082;
	[sflag:s4] =	ssyncset.s32 $0xFFFFF086  }
0x25: {  	[simem:s6], [sflag:s4] =	dma.local [hbm:s3], $0xF7A  }
0x26: {  	[smem:$0x3FA0] =	sst s1;
	(tag) =	ssettag s2;
	_ =	strace s9  }
0x27: {  	s1 =	sld [smem:$0x3FB0]  }
0x28: {  	s2 =	sld [smem:$0x3FB1]  }
0x29: {  	s4 =	sld [smem:$0x3FB3]  }
0x2a: {  	p0 =	seq.s32 s5, $0x0;
	s5 =	sld [smem:$0x3FB4]  }
0x2b: {  	s6 =	sld [smem:$0x3FB5]  }
0x2c: {  	s7 =	sld [smem:$0x3FB6]  }
0x2d: {  	s3 =	simm.s32 $0x108;
	s8 =	sld [smem:$0x3FB7]  }
0x2e: {  	s3 =	simm.s32 @!p0 $0x1082;
	s9 =	sld [smem:$0x3FB8]  }
0x2f: {  	lr =	sadd.s32 s0, s3;
	s0 =	sld [smem:$0x3FAF]  }
0x30: {  	s3 =	sld [smem:$0x3FB2]  }
0x31: {  	[smem:$0x3FBB] =	sst s10  }
0x32: {  	s10 =	sld [smem:$0x3FB9];
	_ =	sdelay $0x3  }
0x33: {  	p0 =	seq.s32 s10, $0x1;
	s10 =	sld [smem:$0x3FBB];
	_ =	sdelay $0x3  }
0x34: {  	[smem:$0x3FBB] =	sst s10  }
0x35: {  	s10 =	sld [smem:$0x3FBA];
	_ =	sdelay $0x3  }
0x36: {  	p1 =	seq.s32 s10, $0x1;
	s10 =	sld [smem:$0x3FBB];
	_ =	sdelay $0x3  }
0x37: {  	[smem:$0x3FBB] =	sst s10  }
0x38: {  	s10 =	sld [smem:$0x3FBC]  }
0x39: {  	_ = 	snop;
	(pc) =	sbr.ind lr, $3  }
0x3a: {  	_ = 	snop  }
0x3b: {  	_ = 	snop  }
0x3c: {  	p2 =	seq.s32 s10, $0x1;
	s10 =	sld [smem:$0x3FBB]  }
0x3d: {  	_ =	shalt  }
0x3e: {  	_ =	shalt  }
0x3f: {  	_ =	shalt  }
0x40: {  	_ =	shalt  }
0x41: {  	_ =	shalt  }
0x42: {  	_ =	shalt  }
0x43: {  	_ =	shalt  }
0x44: {  	_ =	shalt  }
0x45: {  	_ =	shalt  }
0x46: {  	_ =	shalt  }
0x47: {  	_ =	shalt  }
0x48: {  	_ =	shalt  }
0x49: {  	_ =	shalt  }
0x4a: {  	_ =	shalt  }
0x4b: {  	_ =	shalt  }
0x4c: {  	_ =	shalt  }
0x4d: {  	_ =	shalt  }
0x4e: {  	_ =	shalt  }
0x4f: {  	_ =	shalt  }
0x50: {  	_ =	shalt  }
0x51: {  	_ =	shalt  }
0x52: {  	_ =	shalt  }
0x53: {  	_ =	shalt  }
0x54: {  	_ =	shalt  }
0x55: {  	_ =	shalt  }
0x56: {  	_ =	shalt  }
0x57: {  	_ =	shalt  }
0x58: {  	_ =	shalt  }
0x59: {  	_ =	shalt  }
0x5a: {  	_ =	shalt  }
0x5b: {  	_ =	shalt  }
0x5c: {  	_ =	shalt  }
0x5d: {  	_ =	shalt  }
0x5e: {  	_ =	shalt  }
0x5f: {  	_ =	shalt  }
0x60: {  	_ =	shalt  }
0x61: {  	_ =	shalt  }
0x62: {  	_ =	shalt  }
0x63: {  	_ =	shalt  }
0x64: {  	_ =	shalt  }
0x65: {  	_ =	shalt  }
0x66: {  	_ =	shalt  }
0x67: {  	_ =	shalt  }
0x68: {  	_ =	shalt  }
0x69: {  	_ =	shalt  }
0x6a: {  	_ =	shalt  }
0x6b: {  	_ =	shalt  }
0x6c: {  	_ =	shalt  }
0x6d: {  	_ =	shalt  }
0x6e: {  	_ =	shalt  }
0x6f: {  	_ =	shalt  }
0x70: {  	_ =	shalt  }
0x71: {  	_ =	shalt  }
0x72: {  	_ =	shalt  }
0x73: {  	_ =	shalt  }
0x74: {  	_ =	shalt  }
0x75: {  	_ =	shalt  }
0x76: {  	_ =	shalt  }
0x77: {  	_ =	shalt  }
0x78: {  	_ =	shalt  }
0x79: {  	_ =	shalt  }
0x7a: {  	_ =	shalt  }
0x7b: {  	_ =	shalt  }
0x7c: {  	_ =	shalt  }
0x7d: {  	_ =	shalt  }
0x7e: {  	_ =	shalt  }
0x7f: {  	_ =	shalt  }
0x80: {  	_ =	shalt  }
0x81: {  	_ =	shalt  }
0x82: {  	_ =	shalt  }
0x83: {  	_ =	shalt  }
0x84: {  	_ =	shalt  }
0x85: {  	_ =	shalt  }
0x86: {  	_ =	shalt  }
0x87: {  	_ =	shalt  }
.Lfunc_end0:
.L_simem_size_0:
called_computation_lowered:
.L_overlay_start_0:
0x88: {  	s2 =	sld [smem:$0x3FD9]  }
0x89: {  	s3 =	sld [smem:$0x3FFE];
	_ =	sdelay $0x1  }
0x8a: {  	s1 =	srdreg.scid  }
0x8b: {  	s0 =	sand.u32 $0x1, s1  }
0x8c: {  	s17 =	sshll.u32 s0, $0xA;
	s2 =	sadd.s32 s3, s2  }
0x8d: {  	s2 =	sadd.s32 s2, s17  }
0x8e: {  	[smem:$0x3FC7] =	sst s2  }
0x8f: {  	_ = 	snop  }
0x90: {  	s2 =	sld [smem:$0x3FD0];
	(tm) =	ssettm $0x1  }
0x91: {  	s18 =	sld [smem:$0x3FFB];
	_ =	sdelay $0x3  }
0x92: {  	_ =	strace s18  }
0x93: {  	s3 =	sld [smem:$0x3FFC];
	_ =	sdelay $0x3  }
0x94: {  	_ =	strace s3  }
0x95: {  	s3 =	sld [smem:$0x3FFD];
	_ =	sdelay $0x3  }
0x96: {  	_ =	strace s3  }
0x97: {  	_ =	strace $0x8FFFFFFF  }
0x98: {  	s19 =	sld [smem:$0x3FDB];
	_ =	sdelay $0x1  }
0x99: {  	s4 =	simm.s32 $_scs_section_size  }
0x9a: {  	s5 =	simm.s32 $_size__tile_overlayer_lowered;
	s6 =	simm.s32 $_tile_overlayer_lowered  }
0x9b: {  	s22 =	simm.s32 $0x1BFF;
	s21 =	sshll.u32 s6, $0x1;
	s3 =	sadd.s32 s4, s19  }
0x9c: {  	s7 =	simm.s32 $0x0;
	s20 =	sshll.u32 s5, $0x1;
	s5 =	sadd.s32 s21, s3  }
0x9d: {  	[timem:s7], [sflag:s22] =	dma.local [hbm:s5], s20  }
0x9e: {  	_ =	swait.ge [sflag:s22], s20  }
0x9f: {  	s4 =	ssub.s32 $0x0, s20;
	[sflag:s22] =	ssyncset.done $0x0  }
0xa0: {  	[sflag:s22] =	ssyncadd.s32 s4;
	_ =	sdelay $0x1  }
0xa1: {  	s23 =	simm.s32 $0x1B8B  }
0xa2: {  	_ =	swait.ge [sflag:s23], $0x1  }
0xa3: {  	[sflag:s23] =	ssyncset.done $0x0  }
0xa4: {  	s25 =	simm.s32 $0x1B8E;
	s24 =	sld [smem:$0x3FFE];
	[sflag:s23] =	ssyncadd.s32 $0xFFFFFFFF  }
0xa5: {  	s26 =	simm.s32 $execute0_lowered;
	[smem:$0x3FD2] =	sst s25  }
0xa6: {  	s5 =	sshll.u32 s26, $0x1;
	_ =	strace $0x80000046;
	[dreg:$0x1] =	wrdreg $0xFFFFFFFF  }
0xa7: {  	s28 =	simm.s32 $_size_execute0_lowered;
	s3 =	sadd.s32 s3, s5;
	[dreg:$0x0] =	wrdreg $0x0  }
0xa8: {  	s5 =	sshll.u32 s28, $0x1;
	[dreg:$0x2] =	wrdreg s3  }
0xa9: {  	[dreg:$0x3] =	wrdreg s5  }
0xaa: {  	[dreg:$0x4] =	wrdreg $0xC0  }
0xab: {  	_ =	task [dreg:s7], $0x5FFFF  }
0xac: {  	[dreg:$0x1] =	wrdreg $0xFFFFFFFF  }
0xad: {  	[dreg:$0x0] =	wrdreg $0x60  }
0xae: {  	[dreg:$0x2] =	wrdreg s24  }
0xaf: {  	[dreg:$0x3] =	wrdreg s2  }
0xb0: {  	[dreg:$0x4] =	wrdreg $0x9  }
0xb1: {  	_ =	task.clear_ibuf [dreg:s7], $0x5FFFF;
	_ =	strace $0x90000046  }
0xb2: {  	s29 =	simm.s32 $0x9;
	_ =	strace $0x80000048  }
0xb3: {  	_ =	swait.ge [sflag:s29], $0x1  }
0xb4: {  	[sflag:s29] =	ssyncadd.s32 $0xFFFFFFFF  }
0xb5: {  	_ =	strace $0x90000048  }
0xb6: {  	_ =	sfence  }
0xb7: {  	s30 =	sld [smem:$0x0];
	_ =	sdelay $0x2  }
0xb8: {  	s31 =	sshll.u32 s1, $0xD;
	s1 =	sshrl.u32 s1, $0x2  }
0xb9: {  	s3 =	sand.u32 $0x4000, s31;
	s1 =	sadd.s32 s1, s30  }
0xba: {  	s0 =	sor.u32 s3, s0;
	s1 =	sshll.u32 s1, $0x11  }
0xbb: {  	s0 =	sor.u32 s1, s0  }
0xbc: {  	s0 =	sadd.s32 $0x8F2B, s0  }
0xbd: {  	[sflag:s0] =	ssyncadd.remote.s32 $0x1  }
0xbe: {  	_ =	sfence.sel $0xFFFF  }
0xbf: {  	[dreg:$0x0] =	wrdreg $0xFFFFFFFF;
	(pc) =	sbr.abs _section_cstart, $3  }
0xc0: {  	[dreg:$0x1] =	wrdreg $0xFFFFFFFF  }
0xc1: {  	_ =	task.clear_ibuf [dreg:s7], $0x2FFFF;
	_ =	strace $0x9FFFFFFF  }
0xc2: {  	(tm) =	ssettm $0x7FFFFFFF  }
0xc3: {  	_ =	shalt  }
tec
execute0_lowered:
.L_overlay_start_1:
0x0: {  	(tag) =	ssettag $0x1  }
0x1: {  	s3 =	rddreg [dreg:$0x0]  }
0x2: {  	s5 =	rddreg [dreg:$0x1]  }
0x3: {  	s2 =	simm.s32 $0x0;
	s4 =	srdreg.scid;
	s0 =	stileid.u32  }
0x4: {  	[smem:$0x7FF] =	sst s2;
	s4 =	sand.u32 $0x1, s4;
	s6 =	sshll.u32 s0, $0xE  }
0x5: {  	s22 =	sshll.u32 s0, $0xF;
	s7 =	ssub.s32 $0x2, s4;
	s8 =	sshll.u32 s4, $0x19  }
0x6: {  	_ =	strace $0x80000047;
	s4 =	sshll.u32 s4, $0x16;
	s9 =	sshrl.u32 s7, $0x1  }
0x7: {  	s8 =	sor.u32 s6, s8;
	s6 =	sadd.s32 $0x600, s3;
	s7 =	ssub.s32 s7, s9  }
0x8: {  	s21 =	sor.u32 $0x3C0000, s8;
	s9 =	sor.u32 s22, s4;
	s23 =	sor.u32 $0x380000, s8  }
0x9: {  	s25 =	sor.u32 $0x340000, s8;
	s10 =	sor.u32 $0x300000, s8;
	s30 =	sor.u32 $0x2C0000, s8  }
0xa: {  	s0 =	sor.u32 $0x280000, s8;
	s1 =	sor.u32 $0x240000, s8;
	s12 =	sor.u32 $0x200000, s8  }
0xb: {  	s14 =	sor.u32 $0x1C0000, s8;
	s15 =	sor.u32 $0x180000, s8;
	s19 =	sor.u32 $0x140000, s8  }
0xc: {  	s3 =	sshrl.u32 s21, $0x3;
	s24 =	sshrl.u32 s23, $0x3;
	s4 =	sshrl.u32 s25, $0x3  }
0xd: {  	s28 =	sshrl.u32 s10, $0x3;
	s31 =	sshrl.u32 s30, $0x3;
	s30 =	smax.u32 s7, $0x1  }
0xe: {  	s10 =	sshrl.u32 s1, $0x3;
	s3 =	sadd.s32 s3, s5;
	[dreg:$0x15] =	wrdreg s30  }
0xf: {  	s17 =	sshrl.u32 s15, $0x3;
	s26 =	sadd.s32 s4, s5;
	[dreg:$0x3] =	wrdreg s3  }
0x10: {  	s21 =	sor.u32 $0x100000, s8;
	s29 =	sadd.s32 s28, s5;
	[dreg:$0x5] =	wrdreg s26  }
0x11: {  	s22 =	sshrl.u32 s9, $0x3;
	s11 =	sadd.s32 s10, s5;
	[dreg:$0x6] =	wrdreg s29  }
0x12: {  	s9 =	sor.u32 $0x100000, s9;
	s18 =	sadd.s32 s17, s5;
	[dreg:$0x9] =	wrdreg s11  }
0x13: {  	s4 =	sshrl.u32 s0, $0x3;
	s25 =	sadd.s32 s6, s22;
	[dreg:$0xc] =	wrdreg s18  }
0x14: {  	s9 =	sshrl.u32 s9, $0x3;
	s3 =	sadd.s32 s24, s5;
	[dreg:$0x13] =	wrdreg s25  }
0x15: {  	s4 =	sadd.s32 s4, s5;
	s24 =	sor.u32 $0xC0000, s8;
	[dreg:$0x4] =	wrdreg s3  }
0x16: {  	s11 =	sor.u32 $0x80000, s8;
	s0 =	sadd.s32 $0x10000, s25;
	[dreg:$0x8] =	wrdreg s4  }
0x17: {  	s29 =	sor.u32 $0x40000, s8;
	s3 =	sadd.s32 s31, s5;
	[dreg:$0x14] =	wrdreg s0  }
0x18: {  	s8 =	sshrl.u32 s8, $0x3;
	s31 =	sadd.s32 s9, s6;
	[dreg:$0x7] =	wrdreg s3  }
0x19: {  	s13 =	sshrl.u32 s12, $0x3;
	s8 =	sadd.s32 s8, s5;
	[dreg:$0x16] =	wrdreg s31  }
0x1a: {  	s4 =	sshrl.u32 s14, $0x3;
	s3 =	sadd.s32 s13, s5;
	[dreg:$0x12] =	wrdreg s8  }
0x1b: {  	s26 =	sshrl.u32 s11, $0x3;
	s16 =	sadd.s32 s4, s5;
	[dreg:$0xa] =	wrdreg s3  }
0x1c: {  	s10 =	sshrl.u32 s29, $0x3;
	s28 =	sadd.s32 s26, s5;
	[dreg:$0xb] =	wrdreg s16  }
0x1d: {  	s20 =	sshrl.u32 s19, $0x3;
	s10 =	sadd.s32 s10, s5;
	[dreg:$0x10] =	wrdreg s28  }
0x1e: {  	s4 =	sshrl.u32 s21, $0x3;
	s3 =	sadd.s32 s20, s5;
	[dreg:$0x11] =	wrdreg s10  }
0x1f: {  	s23 =	sadd.s32 s4, s5;
	s4 =	sshrl.u32 s24, $0x3;
	[dreg:$0xd] =	wrdreg s3  }
0x20: {  	[dreg:$0xe] =	wrdreg s23;
	s4 =	sadd.s32 s4, s5  }
0x21: {  	s9 =	simm.s32 $0x0;
	s8 =	simm.s32 $0x5;
	[dreg:$0xf] =	wrdreg s4  }
.LBB2_1:
0x22: {  	p0 =	por $0x1, $0x1  }
0x23: {  	s10 =	simm.s32 @!p0 $0xFFFFFFFF  }
0x24: {  	s10 =	sand.u32 @!p0 $0xFF, s10  }
0x25: {  	s0 =	rddreg [dreg:$0x13];
	s10 =	smul.u32 @!p0 $0xAB, s10  }
0x26: {  	[tilespmem:s2], [sflag:$0x1] =	stream.linear.gather [hbm4b:s0+s2], $0x8000, $0x38;
	[tilespmem:$0x18000] =	vst v63  }
0x27: {  	s10 =	sshrl.u32 @!p0 s10, $0x9  }
0x28: {  	s26 =	rddreg [dreg:$0x14];
	s1 =	simm.s32 $0x8000;
	s10 =	smul.u32 @!p0 $0x3, s10  }
0x29: {  	[tilespmem:s1], [sflag:$0x2] =	stream.linear.gather [hbm4b:s26+s2], $0x8000, $0x38;
	[tilespmem:$0x18000] =	vst v63  }
0x2a: {  	s10 =	ssub.s32 @!p0 $0xFFFFFFFF, s10  }
0x2b: {  	p1 =	por p0, p0;
	s10 =	sor.u32 @!p0 $0x4, s10  }
0x2c: {  	s16 =	sand.u32 @!p1 $0xFF, s10  }
0x2d: {  	_ =	swait.ge @!p1 [sflag:s16], $0x4000  }
0x2e: {  	[sflag:s16] =	ssyncset.done @!p1 $0x0  }
0x2f: {  	[sflag:s16] =	ssyncadd.s32 @!p1 $0xFFFFC000  }
0x30: {  	_ =	swait.ge @!p1 [sflag:s16], $0x4000  }
0x31: {  	[sflag:s16] =	ssyncset.done @!p1 $0x0  }
0x32: {  	[sflag:s16] =	ssyncadd.s32 @!p1 $0xFFFFC000  }
0x33: {  	_ =	swait.ge @!p1 [sflag:s16], $0x4000  }
0x34: {  	[sflag:s16] =	ssyncset.done @!p1 $0x0  }
0x35: {  	[sflag:s16] =	ssyncadd.s32 @!p1 $0xFFFFC000  }
0x36: {  	_ =	swait.ge @!p1 [sflag:s16], $0x4000  }
0x37: {  	[sflag:s16] =	ssyncset.done @!p1 $0x0  }
0x38: {  	[sflag:s16] =	ssyncadd.s32 @!p1 $0xFFFFC000  }
0x39: {  	_ =	swait.ge @!p1 [sflag:s16], $0x4000  }
0x3a: {  	[sflag:s16] =	ssyncset.done @!p1 $0x0  }
0x3b: {  	[sflag:s16] =	ssyncadd.s32 @!p1 $0xFFFFC000  }
0x3c: {  	_ =	swait.ge @!p1 [sflag:s16], $0x4000  }
0x3d: {  	[sflag:s16] =	ssyncset.done @!p1 $0x0  }
0x3e: {  	[sflag:s16] =	ssyncadd.s32 @!p1 $0xFFFFC000  }
0x3f: {  	_ =	swait.ge @!p1 [sflag:s16], $0x4000  }
0x40: {  	[sflag:s16] =	ssyncset.done @!p1 $0x0  }
0x41: {  	[sflag:s16] =	ssyncadd.s32 @!p1 $0xFFFFC000  }
0x42: {  	_ =	swait.ge @!p1 [sflag:s16], $0x4000  }
0x43: {  	[sflag:s16] =	ssyncset.done @!p1 $0x0  }
0x44: {  	[sflag:s16] =	ssyncadd.s32 @!p1 $0xFFFFC000  }
0x45: {  	_ =	swait.ge @!p1 [sflag:s16], $0x4000  }
0x46: {  	[sflag:s16] =	ssyncset.done @!p1 $0x0  }
0x47: {  	[sflag:s16] =	ssyncadd.s32 @!p1 $0xFFFFC000  }
0x48: {  	_ =	swait.ge @!p1 [sflag:s16], $0x4000  }
0x49: {  	[sflag:s16] =	ssyncset.done @!p1 $0x0  }
0x4a: {  	[sflag:s16] =	ssyncadd.s32 @!p1 $0xFFFFC000  }
0x4b: {  	_ =	swait.ge @!p1 [sflag:s16], $0x4000  }
0x4c: {  	s3 =	simm.s32 $0x0;
	[sflag:s16] =	ssyncset.done @!p1 $0x0  }
0x4d: {  	s11 =	simm.s32 $0x2;
	s12 =	simm.s32 $0x80000;
	[sflag:s16] =	ssyncadd.s32 @!p1 $0xFFFFC000  }
0x4e: {  	p0 =	por $0x0, $0x0;
	s10 =	smul.u32 $0xAB, s3;
	_ =	swait.ge @!p1 [sflag:s16], $0x4000  }
0x4f: {  	s14 =	simm.s32 $0x180000;
	s11 =	smul.u32 @!p0 $0xAB, s11;
	[sflag:s16] =	ssyncset.done @!p1 $0x0  }
0x50: {  	p3 =	por $0x0, $0x0;
	s20 =	simm.s32 $0x1;
	[sflag:s16] =	ssyncadd.s32 @!p1 $0xFFFFC000  }
0x51: {  	s10 =	sshrl.u32 s10, $0x9;
	s11 =	sshrl.u32 @!p0 s11, $0x9;
	_ =	swait.ge @!p1 [sflag:s16], $0x4000  }
0x52: {  	s10 =	sand.u32 $0x7F, s10;
	s11 =	sand.u32 @!p0 $0x7F, s11;
	[sflag:s16] =	ssyncset.done @!p1 $0x0  }
0x53: {  	p0 =	por p0, p0;
	s10 =	smul.u32 $0x3, s10;
	[sflag:s16] =	ssyncadd.s32 @!p1 $0xFFFFC000  }
0x54: {  	s24 =	simm.s32 @!p3 $0x0;
	s11 =	smul.u32 @!p0 $0x3, s11;
	_ =	swait.ge @!p1 [sflag:s16], $0x4000  }
0x55: {  	s29 =	sand.u32 @!p3 $0xFF, s24;
	s13 =	ssub.s32 $0x0, s10;
	[sflag:s16] =	ssyncset.done @!p1 $0x0  }
0x56: {  	s10 =	simm.s32 $0x100000;
	s11 =	ssub.s32 @!p0 $0x2, s11;
	[sflag:s16] =	ssyncadd.s32 @!p1 $0xFFFFC000  }
0x57: {  	s17 =	sand.u32 $0xFF, s13;
	s11 =	sand.u32 @!p0 $0xFF, s11;
	_ =	swait.ge @!p1 [sflag:s16], $0x4000  }
0x58: {  	s13 =	simm.s32 $0x3;
	s15 =	sshll.u32 s17, $0xF;
	[sflag:s16] =	ssyncset.done @!p1 $0x0  }
0x59: {  	s18 =	sshll.u32 @!p0 s11, $0xF;
	s19 =	sadd.s32 @!p0 $0x1, s11;
	[sflag:s16] =	ssyncadd.s32 @!p1 $0xFFFFC000  }
0x5a: {  	s4 =	sadd.s32 $0x1, s17;
	s24 =	sadd.s32 $0x4, s17;
	_ =	swait.ge @!p1 [sflag:s16], $0x4000  }
0x5b: {  	s22 =	sor.u32 $0x800, s15;
	s21 =	sor.u32 $0x400, s15;
	[sflag:s16] =	ssyncset.done @!p1 $0x0  }
0x5c: {  	s28 =	sor.u32 $0x2800, s15;
	s23 =	sor.u32 $0xC00, s15;
	[sflag:s16] =	ssyncadd.s32 @!p1 $0xFFFFC000  }
0x5d: {  	s26 =	sor.u32 $0x2C00, s15;
	s0 =	rddreg [dreg:$0x16];
	_ =	swait.ge [sflag:s4], $0x8000  }
0x5e: {  	s30 =	sor.u32 $0x3C00, s15;
	s31 =	sor.u32 $0x4000, s15;
	s25 =	rddreg [dreg:$0x12]  }
0x5f: {  	s1 =	sor.u32 $0x3400, s15;
	s5 =	rddreg [dreg:$0x11];
	[sflag:s4] =	ssyncset.done $0x0  }
0x60: {  	s11 =	sadd.s32 $0x10000, s0;
	s7 =	rddreg [dreg:$0x10];
	[sflag:s4] =	ssyncadd.s32 $0xFFFF8000  }
0x61: {  	s6 =	sadd.s32 $0x0, s25;
	s25 =	smul.u32 @!p3 $0xAB, s29;
	s17 =	sadd.s32 $0x0, s5  }
0x62: {  	[hbm4b:s6+s2] =	stream.linear.scatter [tilespmem:s31], [sflag:s24], $0x4000, $0x38;
	[tilespmem:$0x18000] =	vst v63  }
0x63: {  	s29 =	sor.u32 $0x3800, s15;
	s16 =	sadd.s32 $0x0, s7;
	s31 =	rddreg [dreg:$0xe]  }
0x64: {  	s4 =	sor.u32 $0x3000, s15;
	s7 =	smul.u32 $0xAB, s20;
	s6 =	rddreg [dreg:$0xc]  }
0x65: {  	[hbm4b:s17+s2] =	stream.linear.scatter [tilespmem:s30], [sflag:s24], $0x4000, $0x38;
	[tilespmem:$0x18000] =	vst v63  }
0x66: {  	s25 =	sshrl.u32 @!p3 s25, $0x9;
	s5 =	sadd.s32 $0x0, s31;
	s30 =	rddreg [dreg:$0xf]  }
0x67: {  	[hbm4b:s16+s2] =	stream.linear.scatter [tilespmem:s29], [sflag:s24], $0x4000, $0x38;
	[tilespmem:$0x18000] =	vst v63  }
0x68: {  	s31 =	sadd.s32 $0x0, s6;
	s3 =	sadd.s32 $0x0, s30;
	s30 =	rddreg [dreg:$0xb]  }
0x69: {  	[hbm4b:s3+s2] =	stream.linear.scatter [tilespmem:s1], [sflag:s24], $0x4000, $0x38;
	[tilespmem:$0x18000] =	vst v63  }
0x6a: {  	s17 =	simm.s32 $0x0;
	s16 =	smul.u32 @!p3 $0x3, s25;
	s29 =	rddreg [dreg:$0xd]  }
0x6b: {  	[hbm4b:s5+s2] =	stream.linear.scatter [tilespmem:s4], [sflag:s24], $0x4000, $0x38;
	[tilespmem:$0x18000] =	vst v63  }
0x6c: {  	s25 =	sshrl.u32 s7, $0x9;
	s29 =	sadd.s32 $0x0, s29;
	s16 =	ssub.s32 @!p3 $0x0, s16  }
0x6d: {  	[hbm4b:s29+s2] =	stream.linear.scatter [tilespmem:s26], [sflag:s24], $0x4000, $0x38;
	[tilespmem:$0x18000] =	vst v63  }
0x6e: {  	s26 =	sor.u32 @!p3 $0x4, s16;
	s29 =	rddreg [dreg:$0xa];
	s16 =	smov.u32 s0  }
.LBB2_2:
0x6f: {  	[hbm4b:s31+s2] =	stream.linear.scatter [tilespmem:s28], [sflag:s24], $0x4000, $0x38;
	[tilespmem:$0x18000] =	vst v63  }
0x70: {  	s30 =	sadd.s32 s17, s30;
	s31 =	sor.u32 $0x2400, s15  }
0x71: {  	[hbm4b:s30+s2] =	stream.linear.scatter [tilespmem:s31], [sflag:s24], $0x4000, $0x38;
	[tilespmem:$0x18000] =	vst v63  }
0x72: {  	s0 =	rddreg [dreg:$0x9];
	s29 =	sadd.s32 s17, s29;
	s30 =	sor.u32 $0x2000, s15  }
0x73: {  	[hbm4b:s29+s2] =	stream.linear.scatter [tilespmem:s30], [sflag:s24], $0x4000, $0x38;
	[tilespmem:$0x18000] =	vst v63  }
0x74: {  	s0 =	sadd.s32 s17, s0;
	s31 =	rddreg [dreg:$0x8];
	s29 =	sor.u32 $0x1C00, s15  }
0x75: {  	[hbm4b:s0+s2] =	stream.linear.scatter [tilespmem:s29], [sflag:s24], $0x4000, $0x38;
	[tilespmem:$0x18000] =	vst v63  }
0x76: {  	s4 =	sadd.s32 s17, s31;
	s30 =	rddreg [dreg:$0x7];
	s29 =	sor.u32 $0x1800, s15  }
0x77: {  	[hbm4b:s4+s2] =	stream.linear.scatter [tilespmem:s29], [sflag:s24], $0x4000, $0x38;
	[tilespmem:$0x18000] =	vst v63  }
0x78: {  	s31 =	rddreg [dreg:$0x6];
	s5 =	sadd.s32 s17, s30;
	s29 =	sor.u32 $0x1400, s15  }
0x79: {  	[hbm4b:s5+s2] =	stream.linear.scatter [tilespmem:s29], [sflag:s24], $0x4000, $0x38;
	[tilespmem:$0x18000] =	vst v63  }
0x7a: {  	s7 =	sor.u32 $0x1000, s15;
	s6 =	sadd.s32 s17, s31;
	s30 =	rddreg [dreg:$0x5]  }
0x7b: {  	[hbm4b:s6+s2] =	stream.linear.scatter [tilespmem:s7], [sflag:s24], $0x4000, $0x38;
	[tilespmem:$0x18000] =	vst v63  }
0x7c: {  	s1 =	sadd.s32 s17, s30;
	s29 =	rddreg [dreg:$0x4]  }
0x7d: {  	[hbm4b:s1+s2] =	stream.linear.scatter [tilespmem:s23], [sflag:s24], $0x4000, $0x38;
	[tilespmem:$0x18000] =	vst v63  }
0x7e: {  	s3 =	rddreg [dreg:$0x3];
	s4 =	sadd.s32 s17, s29  }
0x7f: {  	[hbm4b:s4+s2] =	stream.linear.scatter [tilespmem:s22], [sflag:s24], $0x4000, $0x38;
	[tilespmem:$0x18000] =	vst v63  }
0x80: {  	p1 =	por p3, p3;
	s25 =	sand.u32 $0x7F, s25;
	s5 =	sadd.s32 s17, s3  }
0x81: {  	[hbm4b:s5+s2] =	stream.linear.scatter [tilespmem:s21], [sflag:s24], $0x4000, $0x38;
	[tilespmem:$0x18000] =	vst v63  }
0x82: {  	s0 =	smul.u32 $0x3, s25;
	s25 =	sand.u32 @!p1 $0xFF, s26;
	s17 =	simm.s32 @!p0 $0x0  }
0x83: {  	[tilespmem:s18], [sflag:s19] =	stream.linear.gather @!p0 [hbm4b:s16+s17], $0x8000, $0x38;
	[tilespmem:$0x18000] =	vst v63  }
0x84: {  	_ =	swait.ge @!p1 [sflag:s25], $0x4000  }
0x85: {  	[sflag:s25] =	ssyncset.done @!p1 $0x0  }
0x86: {  	[sflag:s25] =	ssyncadd.s32 @!p1 $0xFFFFC000  }
0x87: {  	_ =	swait.ge @!p1 [sflag:s25], $0x4000  }
0x88: {  	[sflag:s25] =	ssyncset.done @!p1 $0x0  }
0x89: {  	[sflag:s25] =	ssyncadd.s32 @!p1 $0xFFFFC000  }
0x8a: {  	_ =	swait.ge @!p1 [sflag:s25], $0x4000  }
0x8b: {  	[sflag:s25] =	ssyncset.done @!p1 $0x0  }
0x8c: {  	[sflag:s25] =	ssyncadd.s32 @!p1 $0xFFFFC000  }
0x8d: {  	_ =	swait.ge @!p1 [sflag:s25], $0x4000  }
0x8e: {  	[sflag:s25] =	ssyncset.done @!p1 $0x0  }
0x8f: {  	[sflag:s25] =	ssyncadd.s32 @!p1 $0xFFFFC000  }
0x90: {  	_ =	swait.ge @!p1 [sflag:s25], $0x4000  }
0x91: {  	[sflag:s25] =	ssyncset.done @!p1 $0x0  }
0x92: {  	[sflag:s25] =	ssyncadd.s32 @!p1 $0xFFFFC000  }
0x93: {  	_ =	swait.ge @!p1 [sflag:s25], $0x4000  }
0x94: {  	[sflag:s25] =	ssyncset.done @!p1 $0x0  }
0x95: {  	[sflag:s25] =	ssyncadd.s32 @!p1 $0xFFFFC000  }
0x96: {  	_ =	swait.ge @!p1 [sflag:s25], $0x4000  }
0x97: {  	[sflag:s25] =	ssyncset.done @!p1 $0x0  }
0x98: {  	[sflag:s25] =	ssyncadd.s32 @!p1 $0xFFFFC000  }
0x99: {  	_ =	swait.ge @!p1 [sflag:s25], $0x4000  }
0x9a: {  	[sflag:s25] =	ssyncset.done @!p1 $0x0  }
0x9b: {  	[sflag:s25] =	ssyncadd.s32 @!p1 $0xFFFFC000  }
0x9c: {  	_ =	swait.ge @!p1 [sflag:s25], $0x4000  }
0x9d: {  	[sflag:s25] =	ssyncset.done @!p1 $0x0  }
0x9e: {  	[sflag:s25] =	ssyncadd.s32 @!p1 $0xFFFFC000  }
0x9f: {  	_ =	swait.ge @!p1 [sflag:s25], $0x4000  }
0xa0: {  	[sflag:s25] =	ssyncset.done @!p1 $0x0  }
0xa1: {  	[sflag:s25] =	ssyncadd.s32 @!p1 $0xFFFFC000  }
0xa2: {  	s28 =	smov.u32 s14;
	_ =	swait.ge @!p1 [sflag:s25], $0x4000  }
0xa3: {  	p3 =	sgt.u32 s20, $0x5;
	s14 =	sadd.s32 $0x80000, s14;
	[sflag:s25] =	ssyncset.done @!p1 $0x0  }
0xa4: {  	s0 =	ssub.s32 s20, s0;
	s15 =	smul.u32 @!p3 $0xAB, s13;
	[sflag:s25] =	ssyncadd.s32 @!p1 $0xFFFFC000  }
0xa5: {  	p2 =	sne.s32 s14, $0x400000;
	s6 =	sand.u32 $0xFF, s0;
	_ =	swait.ge @!p1 [sflag:s25], $0x4000  }
0xa6: {  	s0 =	sshrl.u32 @!p3 s15, $0x9;
	s15 =	sshll.u32 s6, $0xF;
	[sflag:s25] =	ssyncset.done @!p1 $0x0  }
0xa7: {  	s20 =	sand.u32 @!p3 $0x7F, s0;
	s23 =	sor.u32 $0xC00, s15;
	[sflag:s25] =	ssyncadd.s32 @!p1 $0xFFFFC000  }
0xa8: {  	s29 =	sor.u32 $0x3000, s15;
	s30 =	sor.u32 $0x3400, s15;
	_ =	swait.ge @!p1 [sflag:s25], $0x4000  }
0xa9: {  	s7 =	sor.u32 $0x3800, s15;
	s3 =	sor.u32 $0x4000, s15;
	[sflag:s25] =	ssyncset.done @!p1 $0x0  }
0xaa: {  	s22 =	sor.u32 $0x800, s15;
	s21 =	sor.u32 $0x400, s15;
	[sflag:s25] =	ssyncadd.s32 @!p1 $0xFFFFC000  }
0xab: {  	s24 =	sadd.s32 $0x4, s6;
	s5 =	sor.u32 $0x3C00, s15;
	_ =	swait.ge @!p1 [sflag:s25], $0x4000  }
0xac: {  	s17 =	smov.u32 s12;
	s12 =	smov.u32 s10;
	[sflag:s25] =	ssyncset.done @!p1 $0x0  }
0xad: {  	s10 =	smov.u32 s28;
	p0 =	por p3, p3;
	[sflag:s25] =	ssyncadd.s32 @!p1 $0xFFFFC000  }
0xae: {  	s16 =	smov.u32 s11;
	s0 =	smul.u32 @!p0 $0x3, s20;
	_ =	swait.ge @!p1 [sflag:s25], $0x4000  }
0xaf: {  	s11 =	sadd.s32 $0x10000, s11;
	s28 =	sor.u32 $0x2800, s15;
	[sflag:s25] =	ssyncset.done @!p1 $0x0  }
0xb0: {  	p3 =	seq.s32 s12, $0x0;
	s0 =	ssub.s32 @!p0 s13, s0;
	[sflag:s25] =	ssyncadd.s32 @!p1 $0xFFFFC000  }
0xb1: {  	s13 =	sadd.s32 $0x1, s13;
	s0 =	sand.u32 @!p0 $0xFF, s0;
	_ =	swait.ge @!p1 [sflag:s25], $0x4000  }
0xb2: {  	s20 =	sadd.s32 $0xFFFFFFFE, s13;
	s18 =	sshll.u32 @!p0 s0, $0xF;
	[sflag:s25] =	ssyncset.done @!p1 $0x0  }
0xb3: {  	s26 =	sadd.s32 @!p3 $0xFFFFFFFF, s20;
	[sflag:s25] =	ssyncadd.s32 @!p1 $0xFFFFC000;
	s25 =	sadd.s32 $0x1, s6  }
0xb4: {  	s19 =	sadd.s32 @!p0 $0x1, s0;
	s31 =	sand.u32 @!p3 $0xFF, s26;
	_ =	swait.ge [sflag:s25], $0x8000  }
0xb5: {  	s31 =	smul.u32 @!p3 $0xAB, s31;
	s1 =	rddreg [dreg:$0x12];
	[sflag:s25] =	ssyncset.done $0x0  }
0xb6: {  	s4 =	rddreg [dreg:$0x11];
	[sflag:s25] =	ssyncadd.s32 $0xFFFF8000;
	s1 =	sadd.s32 s17, s1  }
0xb7: {  	[hbm4b:s1+s2] =	stream.linear.scatter [tilespmem:s3], [sflag:s24], $0x4000, $0x38;
	[tilespmem:$0x18000] =	vst v63  }
0xb8: {  	s6 =	rddreg [dreg:$0x10];
	s25 =	sadd.s32 s17, s4;
	s1 =	sshrl.u32 @!p3 s31, $0x9  }
0xb9: {  	s4 =	rddreg [dreg:$0xf];
	s6 =	sadd.s32 s17, s6;
	s1 =	smul.u32 @!p3 $0x3, s1  }
0xba: {  	[hbm4b:s25+s2] =	stream.linear.scatter [tilespmem:s5], [sflag:s24], $0x4000, $0x38;
	[tilespmem:$0x18000] =	vst v63  }
0xbb: {  	s25 =	rddreg [dreg:$0xe];
	s1 =	ssub.s32 @!p3 s26, s1;
	s26 =	sadd.s32 s17, s4  }
0xbc: {  	[hbm4b:s6+s2] =	stream.linear.scatter [tilespmem:s7], [sflag:s24], $0x4000, $0x38;
	[tilespmem:$0x18000] =	vst v63  }
0xbd: {  	s4 =	rddreg [dreg:$0xd];
	s6 =	sadd.s32 s17, s25;
	s25 =	smul.u32 $0xAB, s20  }
0xbe: {  	[hbm4b:s26+s2] =	stream.linear.scatter [tilespmem:s30], [sflag:s24], $0x4000, $0x38;
	[tilespmem:$0x18000] =	vst v63  }
.Ltmp0:
0xbf: {  	s0 =	sor.u32 $0x2C00, s15;
	s7 =	rddreg [dreg:$0xc];
	(pc) =	sbr.rel @p2 .LBB2_2-.Ltmp0, $4  }
0xc0: {  	s4 =	sadd.s32 s17, s4;
	s31 =	sadd.s32 s17, s7;
	s30 =	rddreg [dreg:$0xb]  }
0xc1: {  	[hbm4b:s6+s2] =	stream.linear.scatter [tilespmem:s29], [sflag:s24], $0x4000, $0x38;
	[tilespmem:$0x18000] =	vst v63  }
0xc2: {  	s26 =	sor.u32 @!p3 $0x4, s1;
	s25 =	sshrl.u32 s25, $0x9;
	s29 =	rddreg [dreg:$0xa]  }
0xc3: {  	[hbm4b:s4+s2] =	stream.linear.scatter [tilespmem:s0], [sflag:s24], $0x4000, $0x38;
	[tilespmem:$0x18000] =	vst v63  }
0xc4: {  	[hbm4b:s31+s2] =	stream.linear.scatter [tilespmem:s28], [sflag:s24], $0x4000, $0x38;
	[tilespmem:$0x18000] =	vst v63  }
0xc5: {  	s0 =	sadd.s32 s17, s30;
	s1 =	sor.u32 $0x2400, s15  }
0xc6: {  	[hbm4b:s0+s2] =	stream.linear.scatter [tilespmem:s1], [sflag:s24], $0x4000, $0x38;
	[tilespmem:$0x18000] =	vst v63  }
0xc7: {  	s14 =	rddreg [dreg:$0x9];
	s28 =	sadd.s32 s17, s29;
	s3 =	sor.u32 $0x2000, s15  }
0xc8: {  	[hbm4b:s28+s2] =	stream.linear.scatter [tilespmem:s3], [sflag:s24], $0x4000, $0x38;
	[tilespmem:$0x18000] =	vst v63  }
0xc9: {  	s29 =	rddreg [dreg:$0x8];
	s30 =	sor.u32 $0x1C00, s15;
	s0 =	sadd.s32 s17, s14  }
0xca: {  	[hbm4b:s0+s2] =	stream.linear.scatter [tilespmem:s30], [sflag:s24], $0x4000, $0x38;
	[tilespmem:$0x18000] =	vst v63  }
0xcb: {  	s31 =	rddreg [dreg:$0x7];
	s4 =	sor.u32 $0x1800, s15;
	s1 =	sadd.s32 s17, s29  }
0xcc: {  	[hbm4b:s1+s2] =	stream.linear.scatter [tilespmem:s4], [sflag:s24], $0x4000, $0x38;
	[tilespmem:$0x18000] =	vst v63  }
0xcd: {  	s5 =	rddreg [dreg:$0x6];
	s6 =	sor.u32 $0x1400, s15;
	s0 =	sadd.s32 s17, s31  }
0xce: {  	[hbm4b:s0+s2] =	stream.linear.scatter [tilespmem:s6], [sflag:s24], $0x4000, $0x38;
	[tilespmem:$0x18000] =	vst v63  }
0xcf: {  	s7 =	rddreg [dreg:$0x5];
	s14 =	sor.u32 $0x1000, s15;
	s1 =	sadd.s32 s17, s5  }
0xd0: {  	[hbm4b:s1+s2] =	stream.linear.scatter [tilespmem:s14], [sflag:s24], $0x4000, $0x38;
	[tilespmem:$0x18000] =	vst v63  }
0xd1: {  	s15 =	rddreg [dreg:$0x4];
	s0 =	sadd.s32 s17, s7  }
0xd2: {  	[hbm4b:s0+s2] =	stream.linear.scatter [tilespmem:s23], [sflag:s24], $0x4000, $0x38;
	[tilespmem:$0x18000] =	vst v63  }
0xd3: {  	s1 =	sadd.s32 s17, s15;
	s23 =	rddreg [dreg:$0x3]  }
0xd4: {  	[hbm4b:s1+s2] =	stream.linear.scatter [tilespmem:s22], [sflag:s24], $0x4000, $0x38;
	[tilespmem:$0x18000] =	vst v63  }
0xd5: {  	p2 =	por p3, p3;
	s0 =	sadd.s32 s17, s23  }
0xd6: {  	[hbm4b:s0+s2] =	stream.linear.scatter [tilespmem:s21], [sflag:s24], $0x4000, $0x38;
	[tilespmem:$0x18000] =	vst v63  }
0xd7: {  	s1 =	sand.u32 @!p2 $0xFF, s26;
	s0 =	simm.s32 @!p0 $0x0  }
0xd8: {  	[tilespmem:s18], [sflag:s19] =	stream.linear.gather @!p0 [hbm4b:s16+s0], $0x8000, $0x38;
	[tilespmem:$0x18000] =	vst v63  }
0xd9: {  	_ =	swait.ge @!p2 [sflag:s1], $0x4000  }
0xda: {  	[sflag:s1] =	ssyncset.done @!p2 $0x0  }
0xdb: {  	[sflag:s1] =	ssyncadd.s32 @!p2 $0xFFFFC000  }
0xdc: {  	_ =	swait.ge @!p2 [sflag:s1], $0x4000  }
0xdd: {  	[sflag:s1] =	ssyncset.done @!p2 $0x0  }
0xde: {  	[sflag:s1] =	ssyncadd.s32 @!p2 $0xFFFFC000  }
0xdf: {  	_ =	swait.ge @!p2 [sflag:s1], $0x4000  }
0xe0: {  	[sflag:s1] =	ssyncset.done @!p2 $0x0  }
0xe1: {  	[sflag:s1] =	ssyncadd.s32 @!p2 $0xFFFFC000  }
0xe2: {  	_ =	swait.ge @!p2 [sflag:s1], $0x4000  }
0xe3: {  	[sflag:s1] =	ssyncset.done @!p2 $0x0  }
0xe4: {  	[sflag:s1] =	ssyncadd.s32 @!p2 $0xFFFFC000  }
0xe5: {  	_ =	swait.ge @!p2 [sflag:s1], $0x4000  }
0xe6: {  	[sflag:s1] =	ssyncset.done @!p2 $0x0  }
0xe7: {  	[sflag:s1] =	ssyncadd.s32 @!p2 $0xFFFFC000  }
0xe8: {  	_ =	swait.ge @!p2 [sflag:s1], $0x4000  }
0xe9: {  	[sflag:s1] =	ssyncset.done @!p2 $0x0  }
0xea: {  	[sflag:s1] =	ssyncadd.s32 @!p2 $0xFFFFC000  }
0xeb: {  	_ =	swait.ge @!p2 [sflag:s1], $0x4000  }
0xec: {  	[sflag:s1] =	ssyncset.done @!p2 $0x0  }
0xed: {  	[sflag:s1] =	ssyncadd.s32 @!p2 $0xFFFFC000  }
0xee: {  	_ =	swait.ge @!p2 [sflag:s1], $0x4000  }
0xef: {  	[sflag:s1] =	ssyncset.done @!p2 $0x0  }
0xf0: {  	[sflag:s1] =	ssyncadd.s32 @!p2 $0xFFFFC000  }
0xf1: {  	_ =	swait.ge @!p2 [sflag:s1], $0x4000  }
0xf2: {  	[sflag:s1] =	ssyncset.done @!p2 $0x0  }
0xf3: {  	[sflag:s1] =	ssyncadd.s32 @!p2 $0xFFFFC000  }
0xf4: {  	_ =	swait.ge @!p2 [sflag:s1], $0x4000  }
0xf5: {  	[sflag:s1] =	ssyncset.done @!p2 $0x0  }
0xf6: {  	[sflag:s1] =	ssyncadd.s32 @!p2 $0xFFFFC000  }
0xf7: {  	_ =	swait.ge @!p2 [sflag:s1], $0x4000  }
0xf8: {  	[sflag:s1] =	ssyncset.done @!p2 $0x0  }
0xf9: {  	[sflag:s1] =	ssyncadd.s32 @!p2 $0xFFFFC000  }
0xfa: {  	_ =	swait.ge @!p2 [sflag:s1], $0x4000  }
0xfb: {  	[sflag:s1] =	ssyncset.done @!p2 $0x0  }
0xfc: {  	[sflag:s1] =	ssyncadd.s32 @!p2 $0xFFFFC000  }
0xfd: {  	_ =	swait.ge @!p2 [sflag:s1], $0x4000  }
0xfe: {  	[sflag:s1] =	ssyncset.done @!p2 $0x0  }
0xff: {  	[sflag:s1] =	ssyncadd.s32 @!p2 $0xFFFFC000  }
0x100: {  	_ =	swait.ge @!p2 [sflag:s1], $0x4000  }
0x101: {  	[sflag:s1] =	ssyncset.done @!p2 $0x0  }
0x102: {  	[sflag:s1] =	ssyncadd.s32 @!p2 $0xFFFFC000  }
0x103: {  	s24 =	sand.u32 $0x7F, s25;
	_ =	swait.ge @!p2 [sflag:s1], $0x4000  }
0x104: {  	s0 =	smul.u32 $0x3, s24;
	[sflag:s1] =	ssyncset.done @!p2 $0x0  }
0x105: {  	[sflag:s1] =	ssyncadd.s32 @!p2 $0xFFFFC000  }
0x106: {  	s0 =	ssub.s32 s20, s0;
	_ =	swait.ge @!p2 [sflag:s1], $0x4000  }
0x107: {  	s0 =	sand.u32 $0xFF, s0;
	[sflag:s1] =	ssyncset.done @!p2 $0x0  }
0x108: {  	p1 =	sgt.u32 s20, $0x5;
	s25 =	sadd.s32 $0x1, s0;
	[sflag:s1] =	ssyncadd.s32 @!p2 $0xFFFFC000  }
0x109: {  	s3 =	smul.u32 @!p1 $0xAB, s13;
	_ =	swait.ge [sflag:s25], $0x8000  }
0x10a: {  	s26 =	rddreg [dreg:$0x12]  }
0x10b: {  	s3 =	sshrl.u32 @!p1 s3, $0x9;
	s14 =	sadd.s32 $0x1, s13;
	s28 =	rddreg [dreg:$0x11]  }
0x10c: {  	s18 =	sand.u32 @!p1 $0x7F, s3;
	p0 =	seq.s32 s10, $0x0;
	s6 =	rddreg [dreg:$0x10]  }
0x10d: {  	p1 =	por p1, p1;
	s16 =	sshll.u32 s0, $0xF;
	s31 =	rddreg [dreg:$0xf]  }
0x10e: {  	s17 =	sadd.s32 $0x4, s0;
	s4 =	sor.u32 $0x2800, s16;
	s19 =	rddreg [dreg:$0xd]  }
0x10f: {  	s5 =	sor.u32 $0x4000, s16;
	[sflag:s25] =	ssyncset.done $0x0;
	s22 =	rddreg [dreg:$0xc]  }
0x110: {  	s30 =	sor.u32 $0x3C00, s16;
	[sflag:s25] =	ssyncadd.s32 $0xFFFF8000;
	s25 =	rddreg [dreg:$0xb]  }
0x111: {  	s29 =	sadd.s32 s12, s26;
	s0 =	sadd.s32 s12, s28;
	s28 =	rddreg [dreg:$0xa]  }
0x112: {  	[hbm4b:s29+s2] =	stream.linear.scatter [tilespmem:s5], [sflag:s17], $0x4000, $0x38;
	[tilespmem:$0x18000] =	vst v63  }
0x113: {  	s1 =	sor.u32 $0x3800, s16;
	s15 =	sadd.s32 s12, s31;
	s31 =	rddreg [dreg:$0x9]  }
0x114: {  	[hbm4b:s0+s2] =	stream.linear.scatter [tilespmem:s30], [sflag:s17], $0x4000, $0x38;
	[tilespmem:$0x18000] =	vst v63  }
0x115: {  	s24 =	sadd.s32 s12, s19;
	s19 =	rddreg [dreg:$0x7];
	s5 =	sadd.s32 s12, s6  }
0x116: {  	[hbm4b:s5+s2] =	stream.linear.scatter [tilespmem:s1], [sflag:s17], $0x4000, $0x38;
	[tilespmem:$0x18000] =	vst v63  }
0x117: {  	s7 =	sor.u32 $0x3400, s16;
	s20 =	sor.u32 $0x3000, s16;
	s6 =	rddreg [dreg:$0xe]  }
0x118: {  	[hbm4b:s15+s2] =	stream.linear.scatter [tilespmem:s7], [sflag:s17], $0x4000, $0x38;
	[tilespmem:$0x18000] =	vst v63  }
0x119: {  	s26 =	sadd.s32 s12, s22;
	s22 =	rddreg [dreg:$0x6];
	s21 =	sadd.s32 s12, s6  }
0x11a: {  	[hbm4b:s21+s2] =	stream.linear.scatter [tilespmem:s20], [sflag:s17], $0x4000, $0x38;
	[tilespmem:$0x18000] =	vst v63  }
0x11b: {  	s23 =	sor.u32 $0x2C00, s16;
	s29 =	sadd.s32 s12, s25;
	s25 =	rddreg [dreg:$0x5]  }
0x11c: {  	[hbm4b:s24+s2] =	stream.linear.scatter [tilespmem:s23], [sflag:s17], $0x4000, $0x38;
	[tilespmem:$0x18000] =	vst v63  }
0x11d: {  	s3 =	sor.u32 $0x2000, s16;
	s6 =	sadd.s32 s12, s31;
	s31 =	rddreg [dreg:$0x3]  }
0x11e: {  	[hbm4b:s26+s2] =	stream.linear.scatter [tilespmem:s4], [sflag:s17], $0x4000, $0x38;
	[tilespmem:$0x18000] =	vst v63  }
0x11f: {  	s30 =	sor.u32 $0x2400, s16;
	s1 =	sadd.s32 s12, s28;
	s5 =	rddreg [dreg:$0x8]  }
0x120: {  	[hbm4b:s29+s2] =	stream.linear.scatter [tilespmem:s30], [sflag:s17], $0x4000, $0x38;
	[tilespmem:$0x18000] =	vst v63  }
0x121: {  	s28 =	sor.u32 $0xC00, s16;
	s15 =	sadd.s32 $0xFFFFFFFE, s14;
	s7 =	sor.u32 $0x1C00, s16  }
0x122: {  	[hbm4b:s1+s2] =	stream.linear.scatter [tilespmem:s3], [sflag:s17], $0x4000, $0x38;
	[tilespmem:$0x18000] =	vst v63  }
0x123: {  	s0 =	sadd.s32 @!p0 $0xFFFFFFFF, s15;
	s20 =	sadd.s32 s12, s5;
	s21 =	sor.u32 $0x1800, s16  }
0x124: {  	[hbm4b:s6+s2] =	stream.linear.scatter [tilespmem:s7], [sflag:s17], $0x4000, $0x38;
	[tilespmem:$0x18000] =	vst v63  }
0x125: {  	s23 =	sadd.s32 s12, s19;
	s24 =	sor.u32 $0x1400, s16;
	s4 =	sand.u32 @!p0 $0xFF, s0  }
0x126: {  	[hbm4b:s20+s2] =	stream.linear.scatter [tilespmem:s21], [sflag:s17], $0x4000, $0x38;
	[tilespmem:$0x18000] =	vst v63  }
0x127: {  	s26 =	sor.u32 $0x1000, s16;
	s4 =	smul.u32 @!p0 $0xAB, s4;
	s29 =	rddreg [dreg:$0x4]  }
0x128: {  	[hbm4b:s23+s2] =	stream.linear.scatter [tilespmem:s24], [sflag:s17], $0x4000, $0x38;
	[tilespmem:$0x18000] =	vst v63  }
0x129: {  	s30 =	sor.u32 $0x800, s16;
	s4 =	sshrl.u32 @!p0 s4, $0x9;
	s3 =	sadd.s32 s12, s22  }
0x12a: {  	[hbm4b:s3+s2] =	stream.linear.scatter [tilespmem:s26], [sflag:s17], $0x4000, $0x38;
	[tilespmem:$0x18000] =	vst v63  }
0x12b: {  	s5 =	sadd.s32 s12, s29;
	s1 =	sadd.s32 s12, s25;
	s4 =	smul.u32 @!p0 $0x3, s4  }
0x12c: {  	[hbm4b:s1+s2] =	stream.linear.scatter [tilespmem:s28], [sflag:s17], $0x4000, $0x38;
	[tilespmem:$0x18000] =	vst v63  }
0x12d: {  	s0 =	ssub.s32 @!p0 s0, s4;
	s4 =	sadd.s32 s12, s31;
	s1 =	smul.u32 @!p1 $0x3, s18  }
0x12e: {  	[hbm4b:s5+s2] =	stream.linear.scatter [tilespmem:s30], [sflag:s17], $0x4000, $0x38;
	[tilespmem:$0x18000] =	vst v63  }
0x12f: {  	s0 =	sor.u32 @!p0 $0x4, s0;
	p0 =	por p0, p0;
	s1 =	ssub.s32 @!p1 s13, s1  }
0x130: {  	s0 =	sand.u32 @!p0 $0xFF, s0;
	s5 =	sor.u32 $0x400, s16;
	s1 =	sand.u32 @!p1 $0xFF, s1  }
0x131: {  	[hbm4b:s4+s2] =	stream.linear.scatter [tilespmem:s5], [sflag:s17], $0x4000, $0x38;
	[tilespmem:$0x18000] =	vst v63  }
0x132: {  	s3 =	sshll.u32 @!p1 s1, $0xF;
	s1 =	sadd.s32 @!p1 $0x1, s1;
	s4 =	simm.s32 @!p1 $0x0  }
0x133: {  	[tilespmem:s3], [sflag:s1] =	stream.linear.gather @!p1 [hbm4b:s11+s4], $0x8000, $0x38;
	[tilespmem:$0x18000] =	vst v63  }
0x134: {  	_ =	swait.ge @!p0 [sflag:s0], $0x4000  }
0x135: {  	[sflag:s0] =	ssyncset.done @!p0 $0x0  }
0x136: {  	[sflag:s0] =	ssyncadd.s32 @!p0 $0xFFFFC000  }
0x137: {  	_ =	swait.ge @!p0 [sflag:s0], $0x4000  }
0x138: {  	[sflag:s0] =	ssyncset.done @!p0 $0x0  }
0x139: {  	[sflag:s0] =	ssyncadd.s32 @!p0 $0xFFFFC000  }
0x13a: {  	_ =	swait.ge @!p0 [sflag:s0], $0x4000  }
0x13b: {  	[sflag:s0] =	ssyncset.done @!p0 $0x0  }
0x13c: {  	[sflag:s0] =	ssyncadd.s32 @!p0 $0xFFFFC000  }
0x13d: {  	_ =	swait.ge @!p0 [sflag:s0], $0x4000  }
0x13e: {  	[sflag:s0] =	ssyncset.done @!p0 $0x0  }
0x13f: {  	[sflag:s0] =	ssyncadd.s32 @!p0 $0xFFFFC000  }
0x140: {  	_ =	swait.ge @!p0 [sflag:s0], $0x4000  }
0x141: {  	[sflag:s0] =	ssyncset.done @!p0 $0x0  }
0x142: {  	[sflag:s0] =	ssyncadd.s32 @!p0 $0xFFFFC000  }
0x143: {  	_ =	swait.ge @!p0 [sflag:s0], $0x4000  }
0x144: {  	[sflag:s0] =	ssyncset.done @!p0 $0x0  }
0x145: {  	[sflag:s0] =	ssyncadd.s32 @!p0 $0xFFFFC000  }
0x146: {  	_ =	swait.ge @!p0 [sflag:s0], $0x4000  }
0x147: {  	[sflag:s0] =	ssyncset.done @!p0 $0x0  }
0x148: {  	[sflag:s0] =	ssyncadd.s32 @!p0 $0xFFFFC000  }
0x149: {  	_ =	swait.ge @!p0 [sflag:s0], $0x4000  }
0x14a: {  	[sflag:s0] =	ssyncset.done @!p0 $0x0  }
0x14b: {  	[sflag:s0] =	ssyncadd.s32 @!p0 $0xFFFFC000  }
0x14c: {  	_ =	swait.ge @!p0 [sflag:s0], $0x4000  }
0x14d: {  	[sflag:s0] =	ssyncset.done @!p0 $0x0  }
0x14e: {  	[sflag:s0] =	ssyncadd.s32 @!p0 $0xFFFFC000  }
0x14f: {  	_ =	swait.ge @!p0 [sflag:s0], $0x4000  }
0x150: {  	[sflag:s0] =	ssyncset.done @!p0 $0x0  }
0x151: {  	[sflag:s0] =	ssyncadd.s32 @!p0 $0xFFFFC000  }
0x152: {  	_ =	swait.ge @!p0 [sflag:s0], $0x4000  }
0x153: {  	[sflag:s0] =	ssyncset.done @!p0 $0x0  }
0x154: {  	[sflag:s0] =	ssyncadd.s32 @!p0 $0xFFFFC000  }
0x155: {  	_ =	swait.ge @!p0 [sflag:s0], $0x4000  }
0x156: {  	[sflag:s0] =	ssyncset.done @!p0 $0x0  }
0x157: {  	[sflag:s0] =	ssyncadd.s32 @!p0 $0xFFFFC000  }
0x158: {  	_ =	swait.ge @!p0 [sflag:s0], $0x4000  }
0x159: {  	[sflag:s0] =	ssyncset.done @!p0 $0x0  }
0x15a: {  	[sflag:s0] =	ssyncadd.s32 @!p0 $0xFFFFC000  }
0x15b: {  	s6 =	smul.u32 $0xAB, s15;
	_ =	swait.ge @!p0 [sflag:s0], $0x4000  }
0x15c: {  	[sflag:s0] =	ssyncset.done @!p0 $0x0  }
0x15d: {  	s1 =	sshrl.u32 s6, $0x9;
	[sflag:s0] =	ssyncadd.s32 @!p0 $0xFFFFC000  }
0x15e: {  	s1 =	sand.u32 $0x7F, s1;
	_ =	swait.ge @!p0 [sflag:s0], $0x4000  }
0x15f: {  	s1 =	smul.u32 $0x3, s1;
	[sflag:s0] =	ssyncset.done @!p0 $0x0  }
0x160: {  	[sflag:s0] =	ssyncadd.s32 @!p0 $0xFFFFC000  }
0x161: {  	s1 =	ssub.s32 s15, s1;
	_ =	swait.ge @!p0 [sflag:s0], $0x4000  }
0x162: {  	s1 =	sand.u32 $0xFF, s1;
	[sflag:s0] =	ssyncset.done @!p0 $0x0  }
0x163: {  	s7 =	sadd.s32 $0x1, s1;
	[sflag:s0] =	ssyncadd.s32 @!p0 $0xFFFFC000  }
0x164: {  	s12 =	sshll.u32 s1, $0xF;
	s13 =	sadd.s32 $0x4, s1;
	_ =	swait.ge [sflag:s7], $0x8000  }
0x165: {  	s18 =	sor.u32 $0x4000, s12;
	s16 =	rddreg [dreg:$0x12];
	[sflag:s7] =	ssyncset.done $0x0  }
0x166: {  	s17 =	rddreg [dreg:$0x11];
	[sflag:s7] =	ssyncadd.s32 $0xFFFF8000;
	s3 =	sadd.s32 s10, s16  }
0x167: {  	[hbm4b:s3+s2] =	stream.linear.scatter [tilespmem:s18], [sflag:s13], $0x4000, $0x38;
	[tilespmem:$0x18000] =	vst v63  }
0x168: {  	s20 =	sor.u32 $0x3C00, s12;
	s19 =	rddreg [dreg:$0x10];
	s1 =	sadd.s32 s10, s17  }
0x169: {  	[hbm4b:s1+s2] =	stream.linear.scatter [tilespmem:s20], [sflag:s13], $0x4000, $0x38;
	[tilespmem:$0x18000] =	vst v63  }
0x16a: {  	s21 =	sor.u32 $0x3800, s12;
	s22 =	rddreg [dreg:$0xf];
	s0 =	sadd.s32 s10, s19  }
0x16b: {  	[hbm4b:s0+s2] =	stream.linear.scatter [tilespmem:s21], [sflag:s13], $0x4000, $0x38;
	[tilespmem:$0x18000] =	vst v63  }
0x16c: {  	s24 =	sor.u32 $0x3400, s12;
	s23 =	rddreg [dreg:$0xe];
	s3 =	sadd.s32 s10, s22  }
0x16d: {  	[hbm4b:s3+s2] =	stream.linear.scatter [tilespmem:s24], [sflag:s13], $0x4000, $0x38;
	[tilespmem:$0x18000] =	vst v63  }
0x16e: {  	s25 =	sor.u32 $0x3000, s12;
	s26 =	rddreg [dreg:$0xd];
	s0 =	sadd.s32 s10, s23  }
0x16f: {  	[hbm4b:s0+s2] =	stream.linear.scatter [tilespmem:s25], [sflag:s13], $0x4000, $0x38;
	[tilespmem:$0x18000] =	vst v63  }
0x170: {  	s29 =	sor.u32 $0x2C00, s12;
	s28 =	rddreg [dreg:$0xc];
	s3 =	sadd.s32 s10, s26  }
0x171: {  	[hbm4b:s3+s2] =	stream.linear.scatter [tilespmem:s29], [sflag:s13], $0x4000, $0x38;
	[tilespmem:$0x18000] =	vst v63  }
0x172: {  	s30 =	sor.u32 $0x2800, s12;
	s31 =	rddreg [dreg:$0xb];
	s0 =	sadd.s32 s10, s28  }
0x173: {  	[hbm4b:s0+s2] =	stream.linear.scatter [tilespmem:s30], [sflag:s13], $0x4000, $0x38;
	[tilespmem:$0x18000] =	vst v63  }
0x174: {  	s6 =	sor.u32 $0x2400, s12;
	s4 =	rddreg [dreg:$0xa];
	s5 =	sadd.s32 s10, s31  }
0x175: {  	[hbm4b:s5+s2] =	stream.linear.scatter [tilespmem:s6], [sflag:s13], $0x4000, $0x38;
	[tilespmem:$0x18000] =	vst v63  }
0x176: {  	s7 =	rddreg [dreg:$0x9];
	s16 =	sor.u32 $0x2000, s12;
	s0 =	sadd.s32 s10, s4  }
0x177: {  	[hbm4b:s0+s2] =	stream.linear.scatter [tilespmem:s16], [sflag:s13], $0x4000, $0x38;
	[tilespmem:$0x18000] =	vst v63  }
0x178: {  	s17 =	rddreg [dreg:$0x8];
	s18 =	sor.u32 $0x1C00, s12;
	s1 =	sadd.s32 s10, s7  }
0x179: {  	[hbm4b:s1+s2] =	stream.linear.scatter [tilespmem:s18], [sflag:s13], $0x4000, $0x38;
	[tilespmem:$0x18000] =	vst v63  }
0x17a: {  	s19 =	rddreg [dreg:$0x7];
	s20 =	sor.u32 $0x1800, s12;
	s0 =	sadd.s32 s10, s17  }
0x17b: {  	[hbm4b:s0+s2] =	stream.linear.scatter [tilespmem:s20], [sflag:s13], $0x4000, $0x38;
	[tilespmem:$0x18000] =	vst v63  }
0x17c: {  	s22 =	sor.u32 $0x1400, s12;
	s21 =	rddreg [dreg:$0x6];
	s1 =	sadd.s32 s10, s19  }
0x17d: {  	[hbm4b:s1+s2] =	stream.linear.scatter [tilespmem:s22], [sflag:s13], $0x4000, $0x38;
	[tilespmem:$0x18000] =	vst v63  }
0x17e: {  	s23 =	rddreg [dreg:$0x5];
	s24 =	sor.u32 $0x1000, s12;
	s0 =	sadd.s32 s10, s21  }
0x17f: {  	[hbm4b:s0+s2] =	stream.linear.scatter [tilespmem:s24], [sflag:s13], $0x4000, $0x38;
	[tilespmem:$0x18000] =	vst v63  }
0x180: {  	s26 =	sor.u32 $0xC00, s12;
	s25 =	rddreg [dreg:$0x4];
	s1 =	sadd.s32 s10, s23  }
0x181: {  	[hbm4b:s1+s2] =	stream.linear.scatter [tilespmem:s26], [sflag:s13], $0x4000, $0x38;
	[tilespmem:$0x18000] =	vst v63  }
0x182: {  	p0 =	sgt.u32 s15, $0x5;
	s28 =	sor.u32 $0x800, s12;
	s0 =	sadd.s32 s10, s25  }
0x183: {  	[hbm4b:s0+s2] =	stream.linear.scatter [tilespmem:s28], [sflag:s13], $0x4000, $0x38;
	[tilespmem:$0x18000] =	vst v63  }
0x184: {  	s0 =	smul.u32 @!p0 $0xAB, s14;
	_ =	sdelay $0x1  }
0x185: {  	s0 =	sshrl.u32 @!p0 s0, $0x9  }
0x186: {  	s29 =	rddreg [dreg:$0x3];
	s0 =	sand.u32 @!p0 $0x7F, s0;
	p0 =	por p0, p0  }
0x187: {  	s30 =	sor.u32 $0x400, s12;
	s1 =	sadd.s32 s10, s29;
	s0 =	smul.u32 @!p0 $0x3, s0  }
0x188: {  	[hbm4b:s1+s2] =	stream.linear.scatter [tilespmem:s30], [sflag:s13], $0x4000, $0x38;
	[tilespmem:$0x18000] =	vst v63  }
0x189: {  	s0 =	ssub.s32 @!p0 s14, s0  }
0x18a: {  	s1 =	sadd.s32 $0x10000, s11;
	s0 =	sand.u32 @!p0 $0xFF, s0  }
0x18b: {  	s4 =	simm.s32 @!p0 $0x0;
	s3 =	sshll.u32 @!p0 s0, $0xF;
	s0 =	sadd.s32 @!p0 $0x1, s0  }
0x18c: {  	[tilespmem:s3], [sflag:s0] =	stream.linear.gather @!p0 [hbm4b:s1+s4], $0x8000, $0x38;
	[tilespmem:$0x18000] =	vst v63  }
0x18d: {  	_ =	swait.ge [sflag:s8], $0x4000  }
0x18e: {  	[sflag:s8] =	ssyncset.done $0x0  }
0x18f: {  	[sflag:s8] =	ssyncadd.s32 $0xFFFFC000  }
0x190: {  	_ =	swait.ge [sflag:s8], $0x4000  }
0x191: {  	[sflag:s8] =	ssyncset.done $0x0  }
0x192: {  	[sflag:s8] =	ssyncadd.s32 $0xFFFFC000  }
0x193: {  	_ =	swait.ge [sflag:s8], $0x4000  }
0x194: {  	[sflag:s8] =	ssyncset.done $0x0  }
0x195: {  	[sflag:s8] =	ssyncadd.s32 $0xFFFFC000  }
0x196: {  	_ =	swait.ge [sflag:s8], $0x4000  }
0x197: {  	[sflag:s8] =	ssyncset.done $0x0  }
0x198: {  	[sflag:s8] =	ssyncadd.s32 $0xFFFFC000  }
0x199: {  	_ =	swait.ge [sflag:s8], $0x4000  }
0x19a: {  	[sflag:s8] =	ssyncset.done $0x0  }
0x19b: {  	[sflag:s8] =	ssyncadd.s32 $0xFFFFC000  }
0x19c: {  	_ =	swait.ge [sflag:s8], $0x4000  }
0x19d: {  	[sflag:s8] =	ssyncset.done $0x0  }
0x19e: {  	[sflag:s8] =	ssyncadd.s32 $0xFFFFC000  }
0x19f: {  	_ =	swait.ge [sflag:s8], $0x4000  }
0x1a0: {  	[sflag:s8] =	ssyncset.done $0x0  }
0x1a1: {  	[sflag:s8] =	ssyncadd.s32 $0xFFFFC000  }
0x1a2: {  	_ =	swait.ge [sflag:s8], $0x4000  }
0x1a3: {  	[sflag:s8] =	ssyncset.done $0x0  }
0x1a4: {  	[sflag:s8] =	ssyncadd.s32 $0xFFFFC000  }
0x1a5: {  	_ =	swait.ge [sflag:s8], $0x4000  }
0x1a6: {  	[sflag:s8] =	ssyncset.done $0x0  }
0x1a7: {  	[sflag:s8] =	ssyncadd.s32 $0xFFFFC000  }
0x1a8: {  	_ =	swait.ge [sflag:s8], $0x4000  }
0x1a9: {  	[sflag:s8] =	ssyncset.done $0x0  }
0x1aa: {  	[sflag:s8] =	ssyncadd.s32 $0xFFFFC000  }
0x1ab: {  	_ =	swait.ge [sflag:s8], $0x4000  }
0x1ac: {  	[sflag:s8] =	ssyncset.done $0x0  }
0x1ad: {  	[sflag:s8] =	ssyncadd.s32 $0xFFFFC000  }
0x1ae: {  	_ =	swait.ge [sflag:s8], $0x4000  }
0x1af: {  	[sflag:s8] =	ssyncset.done $0x0  }
0x1b0: {  	[sflag:s8] =	ssyncadd.s32 $0xFFFFC000  }
0x1b1: {  	_ =	swait.ge [sflag:s8], $0x4000  }
0x1b2: {  	[sflag:s8] =	ssyncset.done $0x0  }
0x1b3: {  	[sflag:s8] =	ssyncadd.s32 $0xFFFFC000  }
0x1b4: {  	_ =	swait.ge [sflag:s8], $0x4000  }
0x1b5: {  	[sflag:s8] =	ssyncset.done $0x0  }
0x1b6: {  	[sflag:s8] =	ssyncadd.s32 $0xFFFFC000  }
0x1b7: {  	_ =	swait.ge [sflag:s8], $0x4000  }
0x1b8: {  	[sflag:s8] =	ssyncset.done $0x0  }
0x1b9: {  	[sflag:s8] =	ssyncadd.s32 $0xFFFFC000  }
0x1ba: {  	_ =	swait.ge [sflag:s8], $0x4000  }
0x1bb: {  	s9 =	sadd.s32 $0x1, s9;
	s31 =	rddreg [dreg:$0x15]  }
0x1bc: {  	p0 =	sne.s32 s9, s31  }
.Ltmp1:
0x1bd: {  	_ = 	snop;
	(pc) =	sbr.rel @p0 .LBB2_1-.Ltmp1, $3  }
0x1be: {  	_ =	sdelay $0x1  }
0x1bf: {  	[sflag:s8] =	ssyncset.done $0x0  }
0x1c0: {  	[sflag:s8] =	ssyncadd.s32 $0xFFFFC000  }
0x1c1: {  	_ =	sfence.sel $0x180000  }
0x1c2: {  	[bflag:$0x0] =	sbarrier.arrive $0xFFFF  }
0x1c3: {  	_ =	strace $0x90000047  }
0x1c4: {  	s0 =	stileid.u32;
	[bflag:$0x2] =	sbarrier.arrive $0xFFFF  }
0x1c5: {  	p0 =	sne.s32 s0, $0x0;
	s0 =	rddreg [dreg:$0x2]  }
0x1c6: {  	s0 =	sadd.s32 @!p0 $0x100000, s0  }
0x1c7: {  	[sflag:s0] =	ssyncadd.tile.s32 @!p0 $0x1;
	_ =	shalt  }
.Lfunc_end2:
_tile_overlayer_lowered:
.L_overlay_start_2:
0x1c8: {  	(tag) =	ssettag $0x2  }
0x1c9: {  	s0 =	rddreg [dreg:$0x0];
	s2 =	stileid.u32  }
0x1ca: {  	s1 =	rddreg [dreg:$0x1];
	p0 =	sne.s32 s2, $0x0  }
0x1cb: {  	s3 =	rddreg [dreg:$0x2];
	[bflag:$0x3] =	sbarrier.arrive $0xFFFF;
	s2 =	simm.s32 @!p0 $0x1C07  }
0x1cc: {  	[timem:s3], [sflag:s2] =	dma.local @!p0 [hbm:s0], s1  }
0x1cd: {  	s0 =	simm.s32 @!p0 $0x7  }
0x1ce: {  	_ =	swait.ge @!p0 [sflag:s0], s1  }
0x1cf: {  	s1 =	ssub.s32 @!p0 $0x0, s1;
	[sflag:s0] =	ssyncset.done @!p0 $0x0  }
0x1d0: {  	[sflag:s0] =	ssyncadd.s32 @!p0 s1  }
0x1d1: {  	[bflag:$0x3] =	sbarrier.arrive $0xFFFF  }
0x1d2: {  	_ =	shalt  }

</sc_bundles>
